<compile_context>
chip_gen: v7x
topology: tpu7x:2x2x1
jax: 0.10.2.dev20260603
libtpu: 0.0.44.dev20260713+nightly
codegen_flags: <defaults>
</compile_context>

<pallas_src>
import functools
import jax
import jax.numpy as jnp
from jax import lax
from jax.experimental import pallas as pl
from jax.experimental.pallas import tpu as pltpu
from jax.experimental.pallas import tpu_sc as plsc

H1 = 8
C1 = 8
F1 = H1 * C1
C2 = 16
K = 128
NTILES = 32
RB = 128

_PREC = jax.lax.Precision.HIGHEST


def _cdiv(a, b):
    return (a + b - 1) // b


def _blocks(rows):
    out = [RB] * (rows // RB)
    if rows % RB:
        out.append(rows % RB)
    return out



def _tc1_body(x_ref, w_ref, t_out):
    t_out[...] = jnp.dot(x_ref[...], w_ref[...],
                         preferred_element_type=jnp.float32, precision=_PREC)


def _tc1(x_p, W1ext, npad, d):
    bn = npad // 8
    return pl.pallas_call(
        _tc1_body,
        grid=(npad // bn,),
        in_specs=[pl.BlockSpec((bn, d), lambda i: (i, 0)),
                  pl.BlockSpec((d, 128), lambda i: (0, 0))],
        out_specs=pl.BlockSpec((bn, 128), lambda i: (i, 0)),
        out_shape=jax.ShapeDtypeStruct((npad, 128), jnp.float32),
    )(x_p, W1ext)


def _tc2_body(acc_ref, w2_ref, p1_ref, r8_ref, m2_ref, b1_ref, t_out):
    a = acc_ref[0] + acc_ref[1]
    den = jnp.dot(a, p1_ref[...], preferred_element_type=jnp.float32,
                  precision=_PREC)
    dr = jnp.dot(1.0 / (den + 1e-16), r8_ref[...],
                 preferred_element_type=jnp.float32, precision=_PREC)
    z = a[:, :F1] * dr + b1_ref[...]
    e = jnp.where(z > 0, z, jnp.exp(jnp.minimum(z, 0.0)) - 1.0)
    h2 = jnp.dot(e, w2_ref[...], preferred_element_type=jnp.float32,
                 precision=_PREC)
    t_out[...] = jnp.dot(h2, m2_ref[...], preferred_element_type=jnp.float32,
                         precision=_PREC)


def _tc2(acc1, W2, P1, R8, M2, b1r, npad):
    bn = npad // 8
    return pl.pallas_call(
        _tc2_body,
        grid=(npad // bn,),
        in_specs=[pl.BlockSpec((2, bn, 128), lambda i: (0, i, 0)),
                  pl.BlockSpec((F1, C2), lambda i: (0, 0)),
                  pl.BlockSpec((128, H1), lambda i: (0, 0)),
                  pl.BlockSpec((H1, F1), lambda i: (0, 0)),
                  pl.BlockSpec((C2, 128), lambda i: (0, 0)),
                  pl.BlockSpec((1, F1), lambda i: (0, 0))],
        out_specs=pl.BlockSpec((bn, 128), lambda i: (i, 0)),
        out_shape=jax.ShapeDtypeStruct((npad, 128), jnp.float32),
    )(acc1, W2, P1, R8, M2, b1r)


def _tc3_body(acc_ref, p2_ref, b2_ref, out_ref):
    a = acc_ref[0] + acc_ref[1]
    den = jnp.dot(a, p2_ref[...], preferred_element_type=jnp.float32,
                  precision=_PREC)
    o = a[:, :C2] / (den + 1e-16) + b2_ref[...]
    m = jnp.max(o, axis=1, keepdims=True)
    t = o - m
    lse = jnp.log(jnp.sum(jnp.exp(t), axis=1, keepdims=True))
    out_ref[...] = t - lse


def _tc3(acc2, P2, b2r, npad):
    bn = npad // 8
    return pl.pallas_call(
        _tc3_body,
        grid=(npad // bn,),
        in_specs=[pl.BlockSpec((2, bn, 128), lambda i: (0, i, 0)),
                  pl.BlockSpec((128, C2), lambda i: (0, 0)),
                  pl.BlockSpec((1, C2), lambda i: (0, 0))],
        out_specs=pl.BlockSpec((bn, C2), lambda i: (i, 0)),
        out_shape=jax.ShapeDtypeStruct((npad, C2), jnp.float32),
    )(acc2, P2, b2r)



def _sc1_body(nrb, rows_t, ch_t,
              src_hbm, dst_hbm, t1_hbm, out_hbm,
              acc_sp, sidx, didx, sbuf, dbuf, msg):
    c = lax.axis_index("c")
    s = lax.axis_index("s")
    row0 = s * rows_t
    zeros16 = jnp.zeros((16,), jnp.float32)

    def zrow(r, carry):
        for q in range(8):
            msg[r, pl.ds(16 * q, 16)] = zeros16
        return carry
    lax.fori_loop(0, RB, zrow, 0)
    off = 0
    for nr in _blocks(rows_t):
        pltpu.sync_copy(msg.at[pl.ds(0, nr)], acc_sp.at[pl.ds(row0 + off, nr)])
        off += nr
    plsc.subcore_barrier()

    iot = lax.iota(jnp.int32, 16)
    colb = lax.shift_right_logical(iot, 3)
    ior = lax.bitwise_or(iot, 8)

    def chunk(jc, carry):
        pltpu.sync_copy(src_hbm.at[c, s, jc], sidx)
        pltpu.sync_copy(dst_hbm.at[c, s, jc], didx)
        pltpu.sync_copy(t1_hbm.at[sidx], sbuf)
        pltpu.sync_copy(t1_hbm.at[didx], dbuf)

        def edge(k, ecarry):
            srow = sbuf[k, pl.ds(F1, 16)]
            drow = dbuf[k, pl.ds(F1, 16)]
            e = srow + drow.at[ior].get(mode="promise_in_bounds")
            w = jnp.exp(jnp.maximum(e, 0.2 * e))
            msg[k, pl.ds(F1, 16)] = w
            for q in range(4):
                wx = w.at[colb + 2 * q].get(mode="promise_in_bounds")
                msg[k, pl.ds(16 * q, 16)] = sbuf[k, pl.ds(16 * q, 16)] * wx
            return ecarry
        lax.fori_loop(0, K, edge, 0)
        pltpu.sync_copy(msg, acc_sp.at[didx], add=True)
        return carry
    lax.fori_loop(0, ch_t, chunk, 0)

    plsc.subcore_barrier()
    off = 0
    for nr in _blocks(rows_t):
        r = row0 + off
        pltpu.sync_copy(acc_sp.at[pl.ds(r, nr)], msg.at[pl.ds(0, nr)])
        pltpu.sync_copy(msg.at[pl.ds(0, nr)], out_hbm.at[c, pl.ds(r, nr)])
        off += nr


def _sc2_body(nrb, rows_t, ch_t,
              src_hbm, dst_hbm, t2_hbm, out_hbm,
              acc_sp, sidx, didx, sbuf, dbuf, msg):
    c = lax.axis_index("c")
    s = lax.axis_index("s")
    row0 = s * rows_t
    zeros16 = jnp.zeros((16,), jnp.float32)

    def zrow(r, carry):
        for q in range(8):
            msg[r, pl.ds(16 * q, 16)] = zeros16
        return carry
    lax.fori_loop(0, RB, zrow, 0)
    off = 0
    for nr in _blocks(rows_t):
        pltpu.sync_copy(msg.at[pl.ds(0, nr)], acc_sp.at[pl.ds(row0 + off, nr)])
        off += nr
    plsc.subcore_barrier()

    def chunk(jc, carry):
        pltpu.sync_copy(src_hbm.at[c, s, jc], sidx)
        pltpu.sync_copy(dst_hbm.at[c, s, jc], didx)
        pltpu.sync_copy(t2_hbm.at[sidx], sbuf)
        pltpu.sync_copy(t2_hbm.at[didx], dbuf)

        def edge(k, ecarry):
            e = sbuf[k, pl.ds(16, 16)] + dbuf[k, pl.ds(32, 16)]
            w = jnp.exp(jnp.maximum(e, 0.2 * e))
            msg[k, pl.ds(16, 16)] = w
            msg[k, pl.ds(0, 16)] = sbuf[k, pl.ds(0, 16)] * w
            return ecarry
        lax.fori_loop(0, K, edge, 0)
        pltpu.sync_copy(msg, acc_sp.at[didx], add=True)
        return carry
    lax.fori_loop(0, ch_t, chunk, 0)

    plsc.subcore_barrier()
    off = 0
    for nr in _blocks(rows_t):
        r = row0 + off
        pltpu.sync_copy(acc_sp.at[pl.ds(r, nr)], msg.at[pl.ds(0, nr)])
        pltpu.sync_copy(msg.at[pl.ds(0, nr)], out_hbm.at[c, pl.ds(r, nr)])
        off += nr


def _sc_mesh():
    return plsc.VectorSubcoreMesh(core_axis_name="c", subcore_axis_name="s",
                                  num_cores=2, num_subcores=16)


def _sc1(src_r, dst_r, t1, npad, ch_t):
    nrb = npad // 16 // RB
    rows_t = npad // 16
    body = functools.partial(_sc1_body, nrb, rows_t, ch_t)
    f = pl.kernel(
        body,
        out_type=jax.ShapeDtypeStruct((2, npad, 128), jnp.float32),
        mesh=_sc_mesh(),
        scratch_types=[
            pltpu.VMEM_SHARED((npad, 128), jnp.float32),
            pltpu.VMEM((K,), jnp.int32),
            pltpu.VMEM((K,), jnp.int32),
            pltpu.VMEM((K, 128), jnp.float32),
            pltpu.VMEM((K, 128), jnp.float32),
            pltpu.VMEM((K, 128), jnp.float32),
        ],
    )
    return f(src_r, dst_r, t1)


def _sc2(src_r, dst_r, t2, npad, ch_t):
    nrb = npad // 16 // RB
    rows_t = npad // 16
    body = functools.partial(_sc2_body, nrb, rows_t, ch_t)
    f = pl.kernel(
        body,
        out_type=jax.ShapeDtypeStruct((2, npad, 128), jnp.float32),
        mesh=_sc_mesh(),
        scratch_types=[
            pltpu.VMEM_SHARED((npad, 128), jnp.float32),
            pltpu.VMEM((K,), jnp.int32),
            pltpu.VMEM((K,), jnp.int32),
            pltpu.VMEM((K, 128), jnp.float32),
            pltpu.VMEM((K, 128), jnp.float32),
            pltpu.VMEM((K, 128), jnp.float32),
        ],
    )
    return f(src_r, dst_r, t2)



def kernel(x, edge_index, W1, a_src1, a_dst1, b1, W2, a_src2, a_dst2, b2):
    n, d = x.shape
    e_in = edge_index.shape[1]
    etot = e_in + n
    ch_t = _cdiv(etot, K * NTILES)
    epad = ch_t * K * NTILES
    npad = _cdiv(n + 1, 1264) * 1264

    loop = jnp.arange(n, dtype=jnp.int32)
    src = jnp.concatenate([edge_index[0].astype(jnp.int32), loop,
                           jnp.full((epad - etot,), n, jnp.int32)])
    dst = jnp.concatenate([edge_index[1].astype(jnp.int32), loop,
                           jnp.full((epad - etot,), n, jnp.int32)])
    src_r = src.reshape(2, 16, ch_t, K)
    dst_r = dst.reshape(2, 16, ch_t, K)
    x_p = jnp.pad(x, ((0, npad - n), (0, 0)))

    i64 = jnp.arange(F1)
    Asd = (jnp.zeros((F1, 16), jnp.float32)
           .at[i64, i64 // C1].set(a_src1.reshape(F1))
           .at[i64, 8 + i64 // C1].set(a_dst1.reshape(F1)))
    W1ext = jnp.concatenate(
        [W1, jnp.dot(W1, Asd, precision=_PREC),
         jnp.zeros((d, 48), jnp.float32)], axis=1)
    P1 = jnp.zeros((128, H1), jnp.float32).at[F1 + jnp.arange(H1), jnp.arange(H1)].set(1.0)
    R8 = jnp.zeros((H1, F1), jnp.float32).at[i64 // C1, i64].set(1.0)
    i16 = jnp.arange(C2)
    M2 = (jnp.zeros((C2, 128), jnp.float32)
          .at[i16, i16].set(1.0)
          .at[:, 16:32].set(jnp.broadcast_to(a_src2.reshape(C2, 1), (C2, 16)))
          .at[:, 32:48].set(jnp.broadcast_to(a_dst2.reshape(C2, 1), (C2, 16))))
    P2 = jnp.zeros((128, C2), jnp.float32).at[C2 + i16, i16].set(1.0)

    t1 = _tc1(x_p, W1ext, npad, d)
    acc1 = _sc1(src_r, dst_r, t1, npad, ch_t)
    t2 = _tc2(acc1, W2, P1, R8, M2, b1.reshape(1, F1), npad)
    acc2 = _sc2(src_r, dst_r, t2, npad, ch_t)
    out = _tc3(acc2, P2, b2.reshape(1, C2), npad)
    return out[:n]

# --- scband reference (transcript-rebuilt; emitter-appended) ---
"""Pipeline reference for scband-net-22041772163090 (READ-ONLY COPY).

The authoritative reference and input builder live on the scoring server;
editing this copy changes nothing except your own understanding.
"""

import jax, jax.numpy as jnp
import numpy as np

HEADS1 = 8
HID = 8
HEADS2 = 1
NCLS = 16
DFEAT = 128
NNODES = 10000
NEDGES = 320000


def segment_softmax(e, seg, num_segments):
    m = jax.ops.segment_max(e, seg, num_segments=num_segments)
    m = jnp.where(jnp.isfinite(m), m, 0.0)
    ex = jnp.exp(e - m[seg])
    s = jax.ops.segment_sum(ex, seg, num_segments=num_segments)
    return ex / (s[seg] + 1e-16)


def gat_layer(x, edge_index, W, a_src, a_dst, b, heads, out_ch, concat):
    N = x.shape[0]
    h = (x @ W).reshape(N, heads, out_ch)
    src = edge_index[0]
    dst = edge_index[1]
    alpha_src = jnp.sum(h * a_src[None, :, :], axis=-1)  # [N, H]
    alpha_dst = jnp.sum(h * a_dst[None, :, :], axis=-1)  # [N, H]
    e = alpha_src[src] + alpha_dst[dst]                  # [E, H]
    e = jax.nn.leaky_relu(e, negative_slope=0.2)
    alpha = segment_softmax(e, dst, N)                   # [E, H]
    msg = h[src] * alpha[:, :, None]                     # [E, H, C]
    out = jax.ops.segment_sum(msg, dst, num_segments=N)  # [N, H, C]
    if concat:
        out = out.reshape(N, heads * out_ch)
    else:
        out = out.mean(axis=1)
    return out + b


def setup_inputs(seed: int = 0) -> dict:
    key = jax.random.key(seed)
    ks = jax.random.split(key, 10)
    x = jax.random.normal(ks[0], (NNODES, DFEAT), dtype=jnp.float32)
    edge_index = jax.random.randint(ks[1], (2, NEDGES), 0, NNODES, dtype=jnp.int64 if jax.config.read('jax_enable_x64') else jnp.int32).astype(jnp.int32)
    s1 = 1.0 / np.sqrt(DFEAT)
    W1 = jax.random.normal(ks[2], (DFEAT, HEADS1 * HID), dtype=jnp.float32) * s1
    a_src1 = jax.random.normal(ks[3], (HEADS1, HID), dtype=jnp.float32) * 0.1
    a_dst1 = jax.random.normal(ks[4], (HEADS1, HID), dtype=jnp.float32) * 0.1
    b1 = jnp.zeros((HEADS1 * HID,), dtype=jnp.float32)
    s2 = 1.0 / np.sqrt(HEADS1 * HID)
    W2 = jax.random.normal(ks[5], (HEADS1 * HID, HEADS2 * NCLS), dtype=jnp.float32) * s2
    a_src2 = jax.random.normal(ks[6], (HEADS2, NCLS), dtype=jnp.float32) * 0.1
    a_dst2 = jax.random.normal(ks[7], (HEADS2, NCLS), dtype=jnp.float32) * 0.1
    b2 = jnp.zeros((NCLS,), dtype=jnp.float32)
    return {"x": x, "edge_index": edge_index, "W1": W1, "a_src1": a_src1, "a_dst1": a_dst1, "b1": b1, "W2": W2, "a_src2": a_src2, "a_dst2": a_dst2, "b2": b2}


def reference(x, edge_index, W1, a_src1, a_dst1, b1, W2, a_src2, a_dst2, b2):
    N = x.shape[0]
    # PyG GATConv adds self-loops by default
    loop = jnp.arange(N, dtype=edge_index.dtype)
    ei = jnp.concatenate([edge_index, jnp.stack([loop, loop])], axis=1)
    # dropout is identity in eval mode
    h = gat_layer(x, ei, W1, a_src1, a_dst1, b1, HEADS1, HID, concat=True)
    h = jax.nn.elu(h)
    out = gat_layer(h, ei, W2, a_src2, a_dst2, b2, HEADS2, NCLS, concat=False)
    return jax.nn.log_softmax(out, axis=1)

if __name__ == "__main__":
    import jax
    _d = setup_inputs()
    print(jax.jit(kernel)(*tuple(_d.values())))

</pallas_src>

<mosaic_0001>
#map = affine_map<(d0, d1) -> (0, 0, 0, 0)>
#map1 = affine_map<(d0, d1) -> (0, 0)>
#map2 = affine_map<(d0, d1) -> (0, 0, 0)>
module attributes {stable_mosaic.version = 14 : i64} {
  func.func @_sc1_body(%arg0: i32, %arg1: i32, %arg2: memref<2x16x81x128xi32, #tpu.memory_space<hbm>>, %arg3: memref<2x16x81x128xi32, #tpu.memory_space<hbm>>, %arg4: memref<10112x128xf32, #tpu.memory_space<hbm>>, %arg5: memref<2x10112x128xf32, #tpu.memory_space<hbm>>, %arg6: memref<10112x128xf32, #tpu.memory_space<vmem_shared>>, %arg7: memref<128xi32, #tpu.memory_space<vmem>>, %arg8: memref<128xi32, #tpu.memory_space<vmem>>, %arg9: memref<128x128xf32, #tpu.memory_space<vmem>>, %arg10: memref<128x128xf32, #tpu.memory_space<vmem>>, %arg11: memref<128x128xf32, #tpu.memory_space<vmem>>) attributes {dimension_semantics = [#tpu.dimension_semantics<core_parallel>, #tpu.dimension_semantics<subcore_parallel>], iteration_bounds = array<i64: 2, 16>, scalar_prefetch = 0 : i64, scratch_operands = 6 : i64, tpu.core_type = #tpu.core_type<sc_vector_subcore>, window_params = [{transform_indices = #map}, {transform_indices = #map}, {transform_indices = #map1}, {transform_indices = #map2}]} {
    %mul3A = arith.constant 632 : i32
    %mul3A_0 = arith.muli %arg1, %mul3A : i32
    %broadcast_in_dim3A = arith.constant 0.000000e+00 : f32
    %broadcast_in_dim3A_1 = vector.broadcast %broadcast_in_dim3A : f32 to vector<16xf32>
    %scan3A = arith.constant 0 : i32
    %scan3A_2 = arith.constant 0 : i32
    %scan3A_3 = arith.constant 128 : i32
    %scan3A_4 = arith.addi %scan3A_2, %scan3A_3 : i32
    %scan3A_5 = arith.constant 1 : i32
    scf.for %scan3A_37 = %scan3A_2 to %scan3A_4 step %scan3A_5  : i32 {
      %swap3A = arith.index_cast %scan3A_37 : i32 to index
      %swap3A_38 = arith.constant 0 : index
      %swap3A_39 = tpu.vector_load %arg11[%swap3A, %swap3A_38] {strides = array<i32>} : memref<128x128xf32, #tpu.memory_space<vmem>>, vector<1x16xf32>,
      %swap3A_40 = vector.shape_cast %swap3A_39 : vector<1x16xf32> to vector<16xf32>
      %swap3A_41 = vector.shape_cast %broadcast_in_dim3A_1 : vector<16xf32> to vector<1x16xf32>
      tpu.vector_store %arg11[%swap3A, %swap3A_38], %swap3A_41 {strides = array<i32>} : memref<128x128xf32, #tpu.memory_space<vmem>>, vector<1x16xf32>,
      %swap3A_42 = arith.index_cast %scan3A_37 : i32 to index
      %swap3A_43 = arith.constant 16 : index
      %swap3A_44 = tpu.vector_load %arg11[%swap3A_42, %swap3A_43] {strides = array<i32>} : memref<128x128xf32, #tpu.memory_space<vmem>>, vector<1x16xf32>,
      %swap3A_45 = vector.shape_cast %swap3A_44 : vector<1x16xf32> to vector<16xf32>
      %swap3A_46 = vector.shape_cast %broadcast_in_dim3A_1 : vector<16xf32> to vector<1x16xf32>
      tpu.vector_store %arg11[%swap3A_42, %swap3A_43], %swap3A_46 {strides = array<i32>} : memref<128x128xf32, #tpu.memory_space<vmem>>, vector<1x16xf32>,
      %swap3A_47 = arith.index_cast %scan3A_37 : i32 to index
      %swap3A_48 = arith.constant 32 : index
      %swap3A_49 = tpu.vector_load %arg11[%swap3A_47, %swap3A_48] {strides = array<i32>} : memref<128x128xf32, #tpu.memory_space<vmem>>, vector<1x16xf32>,
      %swap3A_50 = vector.shape_cast %swap3A_49 : vector<1x16xf32> to vector<16xf32>
      %swap3A_51 = vector.shape_cast %broadcast_in_dim3A_1 : vector<16xf32> to vector<1x16xf32>
      tpu.vector_store %arg11[%swap3A_47, %swap3A_48], %swap3A_51 {strides = array<i32>} : memref<128x128xf32, #tpu.memory_space<vmem>>, vector<1x16xf32>,
      %swap3A_52 = arith.index_cast %scan3A_37 : i32 to index
      %swap3A_53 = arith.constant 48 : index
      %swap3A_54 = tpu.vector_load %arg11[%swap3A_52, %swap3A_53] {strides = array<i32>} : memref<128x128xf32, #tpu.memory_space<vmem>>, vector<1x16xf32>,
      %swap3A_55 = vector.shape_cast %swap3A_54 : vector<1x16xf32> to vector<16xf32>
      %swap3A_56 = vector.shape_cast %broadcast_in_dim3A_1 : vector<16xf32> to vector<1x16xf32>
      tpu.vector_store %arg11[%swap3A_52, %swap3A_53], %swap3A_56 {strides = array<i32>} : memref<128x128xf32, #tpu.memory_space<vmem>>, vector<1x16xf32>,
      %swap3A_57 = arith.index_cast %scan3A_37 : i32 to index
      %swap3A_58 = arith.constant 64 : index
      %swap3A_59 = tpu.vector_load %arg11[%swap3A_57, %swap3A_58] {strides = array<i32>} : memref<128x128xf32, #tpu.memory_space<vmem>>, vector<1x16xf32>,
      %swap3A_60 = vector.shape_cast %swap3A_59 : vector<1x16xf32> to vector<16xf32>
      %swap3A_61 = vector.shape_cast %broadcast_in_dim3A_1 : vector<16xf32> to vector<1x16xf32>
      tpu.vector_store %arg11[%swap3A_57, %swap3A_58], %swap3A_61 {strides = array<i32>} : memref<128x128xf32, #tpu.memory_space<vmem>>, vector<1x16xf32>,
      %swap3A_62 = arith.index_cast %scan3A_37 : i32 to index
      %swap3A_63 = arith.constant 80 : index
      %swap3A_64 = tpu.vector_load %arg11[%swap3A_62, %swap3A_63] {strides = array<i32>} : memref<128x128xf32, #tpu.memory_space<vmem>>, vector<1x16xf32>,
      %swap3A_65 = vector.shape_cast %swap3A_64 : vector<1x16xf32> to vector<16xf32>
      %swap3A_66 = vector.shape_cast %broadcast_in_dim3A_1 : vector<16xf32> to vector<1x16xf32>
      tpu.vector_store %arg11[%swap3A_62, %swap3A_63], %swap3A_66 {strides = array<i32>} : memref<128x128xf32, #tpu.memory_space<vmem>>, vector<1x16xf32>,
      %swap3A_67 = arith.index_cast %scan3A_37 : i32 to index
      %swap3A_68 = arith.constant 96 : index
      %swap3A_69 = tpu.vector_load %arg11[%swap3A_67, %swap3A_68] {strides = array<i32>} : memref<128x128xf32, #tpu.memory_space<vmem>>, vector<1x16xf32>,
      %swap3A_70 = vector.shape_cast %swap3A_69 : vector<1x16xf32> to vector<16xf32>
      %swap3A_71 = vector.shape_cast %broadcast_in_dim3A_1 : vector<16xf32> to vector<1x16xf32>
      tpu.vector_store %arg11[%swap3A_67, %swap3A_68], %swap3A_71 {strides = array<i32>} : memref<128x128xf32, #tpu.memory_space<vmem>>, vector<1x16xf32>,
      %swap3A_72 = arith.index_cast %scan3A_37 : i32 to index
      %swap3A_73 = arith.constant 112 : index
      %swap3A_74 = tpu.vector_load %arg11[%swap3A_72, %swap3A_73] {strides = array<i32>} : memref<128x128xf32, #tpu.memory_space<vmem>>, vector<1x16xf32>,
      %swap3A_75 = vector.shape_cast %swap3A_74 : vector<1x16xf32> to vector<16xf32>
      %swap3A_76 = vector.shape_cast %broadcast_in_dim3A_1 : vector<16xf32> to vector<1x16xf32>
      tpu.vector_store %arg11[%swap3A_72, %swap3A_73], %swap3A_76 {strides = array<i32>} : memref<128x128xf32, #tpu.memory_space<vmem>>, vector<1x16xf32>,
    }
    %scan3A_6 = arith.constant 128 : i32
    %add3A = arith.constant 0 : i32
    %add3A_7 = arith.addi %mul3A_0, %add3A : i32
    "tpu.region"() ({
      %run_scoped3A = tpu.sem_alloc : memref<!tpu.dma_semaphore, #tpu.memory_space<semaphore_mem>>
      %dma_start3A = arith.constant 0 : i32
      %dma_start3A_37 = arith.constant 0 : i32
      %dma_start3A_38 = tpu.memref_slice %arg11[%dma_start3A, %dma_start3A_37] : memref<128x128xf32, #tpu.memory_space<vmem>> -> memref<128x128xf32, #tpu.memory_space<vmem>>
      %dma_start3A_39 = arith.constant 0 : i32
      %dma_start3A_40 = tpu.memref_slice %arg6[%add3A_7, %dma_start3A_39] : memref<10112x128xf32, #tpu.memory_space<vmem_shared>> -> memref<128x128xf32, #tpu.memory_space<vmem_shared>>
      %dma_start3A_41 = arith.constant 0 : i32
      %dma_start3A_42 = tpu.memref_slice %arg6[%add3A_7, %dma_start3A_41] : memref<10112x128xf32, #tpu.memory_space<vmem_shared>> -> memref<128x128xf32, #tpu.memory_space<vmem_shared>>
      %dma_start3A_43 = arith.constant 0 : i32
      %dma_start3A_44 = arith.constant 0 : i32
      %dma_start3A_45 = tpu.memref_slice %arg11[%dma_start3A_43, %dma_start3A_44] : memref<128x128xf32, #tpu.memory_space<vmem>> -> memref<128x128xf32, #tpu.memory_space<vmem>>
      tpu.enqueue_dma source(%dma_start3A_45 : memref<128x128xf32, #tpu.memory_space<vmem>>) target(%dma_start3A_42 : memref<128x128xf32, #tpu.memory_space<vmem_shared>>) target_semaphore(%run_scoped3A : memref<!tpu.dma_semaphore, #tpu.memory_space<semaphore_mem>>)
      %dma_wait3A = arith.constant 0 : i32
      %dma_wait3A_46 = arith.constant 0 : i32
      %dma_wait3A_47 = tpu.memref_slice %arg11[%dma_wait3A, %dma_wait3A_46] : memref<128x128xf32, #tpu.memory_space<vmem>> -> memref<128x128xf32, #tpu.memory_space<vmem>>
      %dma_wait3A_48 = arith.constant 0 : i32
      %dma_wait3A_49 = tpu.memref_slice %arg6[%add3A_7, %dma_wait3A_48] : memref<10112x128xf32, #tpu.memory_space<vmem_shared>> -> memref<128x128xf32, #tpu.memory_space<vmem_shared>>
      %dma_wait3A_50 = arith.constant 0 : i32
      %dma_wait3A_51 = tpu.memref_slice %arg6[%add3A_7, %dma_wait3A_50] : memref<10112x128xf32, #tpu.memory_space<vmem_shared>> -> memref<128x128xf32, #tpu.memory_space<vmem_shared>>
      %dma_wait3A_52 = arith.constant 0 : i32
      %dma_wait3A_53 = arith.constant 0 : i32
      %dma_wait3A_54 = tpu.memref_slice %arg11[%dma_wait3A_52, %dma_wait3A_53] : memref<128x128xf32, #tpu.memory_space<vmem>> -> memref<128x128xf32, #tpu.memory_space<vmem>>
      tpu.wait_dma2 semaphore(%run_scoped3A : memref<!tpu.dma_semaphore, #tpu.memory_space<semaphore_mem>>) src(%dma_wait3A_54 : memref<128x128xf32, #tpu.memory_space<vmem>>) dst(%dma_wait3A_51 : memref<128x128xf32, #tpu.memory_space<vmem_shared>>)
      tpu.yield
    }) : () -> ()
    %add3A_8 = arith.constant 128 : i32
    %add3A_9 = arith.addi %mul3A_0, %add3A_8 : i32
    "tpu.region"() ({
      %run_scoped3A = tpu.sem_alloc : memref<!tpu.dma_semaphore, #tpu.memory_space<semaphore_mem>>
      %dma_start3A = arith.constant 0 : i32
      %dma_start3A_37 = arith.constant 0 : i32
      %dma_start3A_38 = tpu.memref_slice %arg11[%dma_start3A, %dma_start3A_37] : memref<128x128xf32, #tpu.memory_space<vmem>> -> memref<128x128xf32, #tpu.memory_space<vmem>>
      %dma_start3A_39 = arith.constant 0 : i32
      %dma_start3A_40 = tpu.memref_slice %arg6[%add3A_9, %dma_start3A_39] : memref<10112x128xf32, #tpu.memory_space<vmem_shared>> -> memref<128x128xf32, #tpu.memory_space<vmem_shared>>
      %dma_start3A_41 = arith.constant 0 : i32
      %dma_start3A_42 = tpu.memref_slice %arg6[%add3A_9, %dma_start3A_41] : memref<10112x128xf32, #tpu.memory_space<vmem_shared>> -> memref<128x128xf32, #tpu.memory_space<vmem_shared>>
      %dma_start3A_43 = arith.constant 0 : i32
      %dma_start3A_44 = arith.constant 0 : i32
      %dma_start3A_45 = tpu.memref_slice %arg11[%dma_start3A_43, %dma_start3A_44] : memref<128x128xf32, #tpu.memory_space<vmem>> -> memref<128x128xf32, #tpu.memory_space<vmem>>
      tpu.enqueue_dma source(%dma_start3A_45 : memref<128x128xf32, #tpu.memory_space<vmem>>) target(%dma_start3A_42 : memref<128x128xf32, #tpu.memory_space<vmem_shared>>) target_semaphore(%run_scoped3A : memref<!tpu.dma_semaphore, #tpu.memory_space<semaphore_mem>>)
      %dma_wait3A = arith.constant 0 : i32
      %dma_wait3A_46 = arith.constant 0 : i32
      %dma_wait3A_47 = tpu.memref_slice %arg11[%dma_wait3A, %dma_wait3A_46] : memref<128x128xf32, #tpu.memory_space<vmem>> -> memref<128x128xf32, #tpu.memory_space<vmem>>
      %dma_wait3A_48 = arith.constant 0 : i32
      %dma_wait3A_49 = tpu.memref_slice %arg6[%add3A_9, %dma_wait3A_48] : memref<10112x128xf32, #tpu.memory_space<vmem_shared>> -> memref<128x128xf32, #tpu.memory_space<vmem_shared>>
      %dma_wait3A_50 = arith.constant 0 : i32
      %dma_wait3A_51 = tpu.memref_slice %arg6[%add3A_9, %dma_wait3A_50] : memref<10112x128xf32, #tpu.memory_space<vmem_shared>> -> memref<128x128xf32, #tpu.memory_space<vmem_shared>>
      %dma_wait3A_52 = arith.constant 0 : i32
      %dma_wait3A_53 = arith.constant 0 : i32
      %dma_wait3A_54 = tpu.memref_slice %arg11[%dma_wait3A_52, %dma_wait3A_53] : memref<128x128xf32, #tpu.memory_space<vmem>> -> memref<128x128xf32, #tpu.memory_space<vmem>>
      tpu.wait_dma2 semaphore(%run_scoped3A : memref<!tpu.dma_semaphore, #tpu.memory_space<semaphore_mem>>) src(%dma_wait3A_54 : memref<128x128xf32, #tpu.memory_space<vmem>>) dst(%dma_wait3A_51 : memref<128x128xf32, #tpu.memory_space<vmem_shared>>)
      tpu.yield
    }) : () -> ()
    %add3A_10 = arith.constant 256 : i32
    %add3A_11 = arith.addi %mul3A_0, %add3A_10 : i32
    "tpu.region"() ({
      %run_scoped3A = tpu.sem_alloc : memref<!tpu.dma_semaphore, #tpu.memory_space<semaphore_mem>>
      %dma_start3A = arith.constant 0 : i32
      %dma_start3A_37 = arith.constant 0 : i32
      %dma_start3A_38 = tpu.memref_slice %arg11[%dma_start3A, %dma_start3A_37] : memref<128x128xf32, #tpu.memory_space<vmem>> -> memref<128x128xf32, #tpu.memory_space<vmem>>
      %dma_start3A_39 = arith.constant 0 : i32
      %dma_start3A_40 = tpu.memref_slice %arg6[%add3A_11, %dma_start3A_39] : memref<10112x128xf32, #tpu.memory_space<vmem_shared>> -> memref<128x128xf32, #tpu.memory_space<vmem_shared>>
      %dma_start3A_41 = arith.constant 0 : i32
      %dma_start3A_42 = tpu.memref_slice %arg6[%add3A_11, %dma_start3A_41] : memref<10112x128xf32, #tpu.memory_space<vmem_shared>> -> memref<128x128xf32, #tpu.memory_space<vmem_shared>>
      %dma_start3A_43 = arith.constant 0 : i32
      %dma_start3A_44 = arith.constant 0 : i32
      %dma_start3A_45 = tpu.memref_slice %arg11[%dma_start3A_43, %dma_start3A_44] : memref<128x128xf32, #tpu.memory_space<vmem>> -> memref<128x128xf32, #tpu.memory_space<vmem>>
      tpu.enqueue_dma source(%dma_start3A_45 : memref<128x128xf32, #tpu.memory_space<vmem>>) target(%dma_start3A_42 : memref<128x128xf32, #tpu.memory_space<vmem_shared>>) target_semaphore(%run_scoped3A : memref<!tpu.dma_semaphore, #tpu.memory_space<semaphore_mem>>)
      %dma_wait3A = arith.constant 0 : i32
      %dma_wait3A_46 = arith.constant 0 : i32
      %dma_wait3A_47 = tpu.memref_slice %arg11[%dma_wait3A, %dma_wait3A_46] : memref<128x128xf32, #tpu.memory_space<vmem>> -> memref<128x128xf32, #tpu.memory_space<vmem>>
      %dma_wait3A_48 = arith.constant 0 : i32
      %dma_wait3A_49 = tpu.memref_slice %arg6[%add3A_11, %dma_wait3A_48] : memref<10112x128xf32, #tpu.memory_space<vmem_shared>> -> memref<128x128xf32, #tpu.memory_space<vmem_shared>>
      %dma_wait3A_50 = arith.constant 0 : i32
      %dma_wait3A_51 = tpu.memref_slice %arg6[%add3A_11, %dma_wait3A_50] : memref<10112x128xf32, #tpu.memory_space<vmem_shared>> -> memref<128x128xf32, #tpu.memory_space<vmem_shared>>
      %dma_wait3A_52 = arith.constant 0 : i32
      %dma_wait3A_53 = arith.constant 0 : i32
      %dma_wait3A_54 = tpu.memref_slice %arg11[%dma_wait3A_52, %dma_wait3A_53] : memref<128x128xf32, #tpu.memory_space<vmem>> -> memref<128x128xf32, #tpu.memory_space<vmem>>
      tpu.wait_dma2 semaphore(%run_scoped3A : memref<!tpu.dma_semaphore, #tpu.memory_space<semaphore_mem>>) src(%dma_wait3A_54 : memref<128x128xf32, #tpu.memory_space<vmem>>) dst(%dma_wait3A_51 : memref<128x128xf32, #tpu.memory_space<vmem_shared>>)
      tpu.yield
    }) : () -> ()
    %add3A_12 = arith.constant 384 : i32
    %add3A_13 = arith.addi %mul3A_0, %add3A_12 : i32
    "tpu.region"() ({
      %run_scoped3A = tpu.sem_alloc : memref<!tpu.dma_semaphore, #tpu.memory_space<semaphore_mem>>
      %dma_start3A = arith.constant 0 : i32
      %dma_start3A_37 = arith.constant 0 : i32
      %dma_start3A_38 = tpu.memref_slice %arg11[%dma_start3A, %dma_start3A_37] : memref<128x128xf32, #tpu.memory_space<vmem>> -> memref<128x128xf32, #tpu.memory_space<vmem>>
      %dma_start3A_39 = arith.constant 0 : i32
      %dma_start3A_40 = tpu.memref_slice %arg6[%add3A_13, %dma_start3A_39] : memref<10112x128xf32, #tpu.memory_space<vmem_shared>> -> memref<128x128xf32, #tpu.memory_space<vmem_shared>>
      %dma_start3A_41 = arith.constant 0 : i32
      %dma_start3A_42 = tpu.memref_slice %arg6[%add3A_13, %dma_start3A_41] : memref<10112x128xf32, #tpu.memory_space<vmem_shared>> -> memref<128x128xf32, #tpu.memory_space<vmem_shared>>
      %dma_start3A_43 = arith.constant 0 : i32
      %dma_start3A_44 = arith.constant 0 : i32
      %dma_start3A_45 = tpu.memref_slice %arg11[%dma_start3A_43, %dma_start3A_44] : memref<128x128xf32, #tpu.memory_space<vmem>> -> memref<128x128xf32, #tpu.memory_space<vmem>>
      tpu.enqueue_dma source(%dma_start3A_45 : memref<128x128xf32, #tpu.memory_space<vmem>>) target(%dma_start3A_42 : memref<128x128xf32, #tpu.memory_space<vmem_shared>>) target_semaphore(%run_scoped3A : memref<!tpu.dma_semaphore, #tpu.memory_space<semaphore_mem>>)
      %dma_wait3A = arith.constant 0 : i32
      %dma_wait3A_46 = arith.constant 0 : i32
      %dma_wait3A_47 = tpu.memref_slice %arg11[%dma_wait3A, %dma_wait3A_46] : memref<128x128xf32, #tpu.memory_space<vmem>> -> memref<128x128xf32, #tpu.memory_space<vmem>>
      %dma_wait3A_48 = arith.constant 0 : i32
      %dma_wait3A_49 = tpu.memref_slice %arg6[%add3A_13, %dma_wait3A_48] : memref<10112x128xf32, #tpu.memory_space<vmem_shared>> -> memref<128x128xf32, #tpu.memory_space<vmem_shared>>
      %dma_wait3A_50 = arith.constant 0 : i32
      %dma_wait3A_51 = tpu.memref_slice %arg6[%add3A_13, %dma_wait3A_50] : memref<10112x128xf32, #tpu.memory_space<vmem_shared>> -> memref<128x128xf32, #tpu.memory_space<vmem_shared>>
      %dma_wait3A_52 = arith.constant 0 : i32
      %dma_wait3A_53 = arith.constant 0 : i32
      %dma_wait3A_54 = tpu.memref_slice %arg11[%dma_wait3A_52, %dma_wait3A_53] : memref<128x128xf32, #tpu.memory_space<vmem>> -> memref<128x128xf32, #tpu.memory_space<vmem>>
      tpu.wait_dma2 semaphore(%run_scoped3A : memref<!tpu.dma_semaphore, #tpu.memory_space<semaphore_mem>>) src(%dma_wait3A_54 : memref<128x128xf32, #tpu.memory_space<vmem>>) dst(%dma_wait3A_51 : memref<128x128xf32, #tpu.memory_space<vmem_shared>>)
      tpu.yield
    }) : () -> ()
    %add3A_14 = arith.constant 512 : i32
    %add3A_15 = arith.addi %mul3A_0, %add3A_14 : i32
    "tpu.region"() ({
      %run_scoped3A = tpu.sem_alloc : memref<!tpu.dma_semaphore, #tpu.memory_space<semaphore_mem>>
      %dma_start3A = arith.constant 0 : i32
      %dma_start3A_37 = arith.constant 0 : i32
      %dma_start3A_38 = tpu.memref_slice %arg11[%dma_start3A, %dma_start3A_37] : memref<128x128xf32, #tpu.memory_space<vmem>> -> memref<120x128xf32, #tpu.memory_space<vmem>>
      %dma_start3A_39 = arith.constant 0 : i32
      %dma_start3A_40 = tpu.memref_slice %arg6[%add3A_15, %dma_start3A_39] : memref<10112x128xf32, #tpu.memory_space<vmem_shared>> -> memref<120x128xf32, #tpu.memory_space<vmem_shared>>
      %dma_start3A_41 = arith.constant 0 : i32
      %dma_start3A_42 = tpu.memref_slice %arg6[%add3A_15, %dma_start3A_41] : memref<10112x128xf32, #tpu.memory_space<vmem_shared>> -> memref<120x128xf32, #tpu.memory_space<vmem_shared>>
      %dma_start3A_43 = arith.constant 0 : i32
      %dma_start3A_44 = arith.constant 0 : i32
      %dma_start3A_45 = tpu.memref_slice %arg11[%dma_start3A_43, %dma_start3A_44] : memref<128x128xf32, #tpu.memory_space<vmem>> -> memref<120x128xf32, #tpu.memory_space<vmem>>
      tpu.enqueue_dma source(%dma_start3A_45 : memref<120x128xf32, #tpu.memory_space<vmem>>) target(%dma_start3A_42 : memref<120x128xf32, #tpu.memory_space<vmem_shared>>) target_semaphore(%run_scoped3A : memref<!tpu.dma_semaphore, #tpu.memory_space<semaphore_mem>>)
      %dma_wait3A = arith.constant 0 : i32
      %dma_wait3A_46 = arith.constant 0 : i32
      %dma_wait3A_47 = tpu.memref_slice %arg11[%dma_wait3A, %dma_wait3A_46] : memref<128x128xf32, #tpu.memory_space<vmem>> -> memref<120x128xf32, #tpu.memory_space<vmem>>
      %dma_wait3A_48 = arith.constant 0 : i32
      %dma_wait3A_49 = tpu.memref_slice %arg6[%add3A_15, %dma_wait3A_48] : memref<10112x128xf32, #tpu.memory_space<vmem_shared>> -> memref<120x128xf32, #tpu.memory_space<vmem_shared>>
      %dma_wait3A_50 = arith.constant 0 : i32
      %dma_wait3A_51 = tpu.memref_slice %arg6[%add3A_15, %dma_wait3A_50] : memref<10112x128xf32, #tpu.memory_space<vmem_shared>> -> memref<120x128xf32, #tpu.memory_space<vmem_shared>>
      %dma_wait3A_52 = arith.constant 0 : i32
      %dma_wait3A_53 = arith.constant 0 : i32
      %dma_wait3A_54 = tpu.memref_slice %arg11[%dma_wait3A_52, %dma_wait3A_53] : memref<128x128xf32, #tpu.memory_space<vmem>> -> memref<120x128xf32, #tpu.memory_space<vmem>>
      tpu.wait_dma2 semaphore(%run_scoped3A : memref<!tpu.dma_semaphore, #tpu.memory_space<semaphore_mem>>) src(%dma_wait3A_54 : memref<120x128xf32, #tpu.memory_space<vmem>>) dst(%dma_wait3A_51 : memref<120x128xf32, #tpu.memory_space<vmem_shared>>)
      tpu.yield
    }) : () -> ()
    %barrier3A = arith.constant 0 : index
    tpu.barrier barrier_id(%barrier3A)
    %iota3A = tpu.iota {dimensions = array<i32: 0>} : vector<16xi32>
    %shift_right_logical3A = arith.constant 3 : i32
    %shift_right_logical3A_16 = vector.broadcast %shift_right_logical3A : i32 to vector<16xi32>
    %shift_right_logical3A_17 = arith.shrui %iota3A, %shift_right_logical3A_16 : vector<16xi32>
    %or3A = arith.constant 8 : i32
    %or3A_18 = vector.broadcast %or3A : i32 to vector<16xi32>
    %or3A_19 = arith.ori %iota3A, %or3A_18 : vector<16xi32>
    %scan3A_20 = arith.constant 0 : i32
    %scan3A_21 = arith.constant 0 : i32
    %scan3A_22 = arith.constant 81 : i32
    %scan3A_23 = arith.addi %scan3A_21, %scan3A_22 : i32
    %scan3A_24 = arith.constant 1 : i32
    scf.for %scan3A_37 = %scan3A_21 to %scan3A_23 step %scan3A_24  : i32 {
      "tpu.region"() ({
        %run_scoped3A = tpu.sem_alloc : memref<!tpu.dma_semaphore, #tpu.memory_space<semaphore_mem>>
        %dma_start3A = arith.constant 0 : i32
        %dma_start3A_44 = tpu.memref_slice %arg2[%arg0, %arg1, %scan3A_37, %dma_start3A] : memref<2x16x81x128xi32, #tpu.memory_space<hbm>> -> memref<1x1x1x128xi32, #tpu.memory_space<hbm>>
        %dma_start3A_45 = tpu.memref_squeeze %dma_start3A_44 : memref<1x1x1x128xi32, #tpu.memory_space<hbm>> -> memref<128xi32, #tpu.memory_space<hbm>>
        %dma_start3A_46 = arith.constant 0 : i32
        %dma_start3A_47 = tpu.memref_slice %arg2[%arg0, %arg1, %scan3A_37, %dma_start3A_46] : memref<2x16x81x128xi32, #tpu.memory_space<hbm>> -> memref<1x1x1x128xi32, #tpu.memory_space<hbm>>
        %dma_start3A_48 = tpu.memref_squeeze %dma_start3A_47 : memref<1x1x1x128xi32, #tpu.memory_space<hbm>> -> memref<128xi32, #tpu.memory_space<hbm>>
        tpu.enqueue_dma source(%dma_start3A_48 : memref<128xi32, #tpu.memory_space<hbm>>) target(%arg7 : memref<128xi32, #tpu.memory_space<vmem>>) target_semaphore(%run_scoped3A : memref<!tpu.dma_semaphore, #tpu.memory_space<semaphore_mem>>)
        %dma_wait3A = arith.constant 0 : i32
        %dma_wait3A_49 = tpu.memref_slice %arg2[%arg0, %arg1, %scan3A_37, %dma_wait3A] : memref<2x16x81x128xi32, #tpu.memory_space<hbm>> -> memref<1x1x1x128xi32, #tpu.memory_space<hbm>>
        %dma_wait3A_50 = tpu.memref_squeeze %dma_wait3A_49 : memref<1x1x1x128xi32, #tpu.memory_space<hbm>> -> memref<128xi32, #tpu.memory_space<hbm>>
        %dma_wait3A_51 = arith.constant 0 : i32
        %dma_wait3A_52 = tpu.memref_slice %arg2[%arg0, %arg1, %scan3A_37, %dma_wait3A_51] : memref<2x16x81x128xi32, #tpu.memory_space<hbm>> -> memref<1x1x1x128xi32, #tpu.memory_space<hbm>>
        %dma_wait3A_53 = tpu.memref_squeeze %dma_wait3A_52 : memref<1x1x1x128xi32, #tpu.memory_space<hbm>> -> memref<128xi32, #tpu.memory_space<hbm>>
        tpu.wait_dma2 semaphore(%run_scoped3A : memref<!tpu.dma_semaphore, #tpu.memory_space<semaphore_mem>>) src(%dma_wait3A_53 : memref<128xi32, #tpu.memory_space<hbm>>) dst(%arg7 : memref<128xi32, #tpu.memory_space<vmem>>)
        tpu.yield
      }) : () -> ()
      "tpu.region"() ({
        %run_scoped3A = tpu.sem_alloc : memref<!tpu.dma_semaphore, #tpu.memory_space<semaphore_mem>>
        %dma_start3A = arith.constant 0 : i32
        %dma_start3A_44 = tpu.memref_slice %arg3[%arg0, %arg1, %scan3A_37, %dma_start3A] : memref<2x16x81x128xi32, #tpu.memory_space<hbm>> -> memref<1x1x1x128xi32, #tpu.memory_space<hbm>>
        %dma_start3A_45 = tpu.memref_squeeze %dma_start3A_44 : memref<1x1x1x128xi32, #tpu.memory_space<hbm>> -> memref<128xi32, #tpu.memory_space<hbm>>
        %dma_start3A_46 = arith.constant 0 : i32
        %dma_start3A_47 = tpu.memref_slice %arg3[%arg0, %arg1, %scan3A_37, %dma_start3A_46] : memref<2x16x81x128xi32, #tpu.memory_space<hbm>> -> memref<1x1x1x128xi32, #tpu.memory_space<hbm>>
        %dma_start3A_48 = tpu.memref_squeeze %dma_start3A_47 : memref<1x1x1x128xi32, #tpu.memory_space<hbm>> -> memref<128xi32, #tpu.memory_space<hbm>>
        tpu.enqueue_dma source(%dma_start3A_48 : memref<128xi32, #tpu.memory_space<hbm>>) target(%arg8 : memref<128xi32, #tpu.memory_space<vmem>>) target_semaphore(%run_scoped3A : memref<!tpu.dma_semaphore, #tpu.memory_space<semaphore_mem>>)
        %dma_wait3A = arith.constant 0 : i32
        %dma_wait3A_49 = tpu.memref_slice %arg3[%arg0, %arg1, %scan3A_37, %dma_wait3A] : memref<2x16x81x128xi32, #tpu.memory_space<hbm>> -> memref<1x1x1x128xi32, #tpu.memory_space<hbm>>
        %dma_wait3A_50 = tpu.memref_squeeze %dma_wait3A_49 : memref<1x1x1x128xi32, #tpu.memory_space<hbm>> -> memref<128xi32, #tpu.memory_space<hbm>>
        %dma_wait3A_51 = arith.constant 0 : i32
        %dma_wait3A_52 = tpu.memref_slice %arg3[%arg0, %arg1, %scan3A_37, %dma_wait3A_51] : memref<2x16x81x128xi32, #tpu.memory_space<hbm>> -> memref<1x1x1x128xi32, #tpu.memory_space<hbm>>
        %dma_wait3A_53 = tpu.memref_squeeze %dma_wait3A_52 : memref<1x1x1x128xi32, #tpu.memory_space<hbm>> -> memref<128xi32, #tpu.memory_space<hbm>>
        tpu.wait_dma2 semaphore(%run_scoped3A : memref<!tpu.dma_semaphore, #tpu.memory_space<semaphore_mem>>) src(%dma_wait3A_53 : memref<128xi32, #tpu.memory_space<hbm>>) dst(%arg8 : memref<128xi32, #tpu.memory_space<vmem>>)
        tpu.yield
      }) : () -> ()
      "tpu.region"() ({
        %run_scoped3A = tpu.sem_alloc : memref<!tpu.dma_semaphore, #tpu.memory_space<semaphore_mem>>
        %dma_start3A = arith.constant 0 : i32
        %dma_start3A_44 = arith.constant 0 : i32
        %dma_start3A_45 = tpu.memref_slice %arg4[%dma_start3A, %dma_start3A_44] : memref<10112x128xf32, #tpu.memory_space<hbm>> -> memref<10112x128xf32, #tpu.memory_space<hbm>>
        tpu.enqueue_indirect_dma source(%dma_start3A_45 : memref<10112x128xf32, #tpu.memory_space<hbm>>) target(%arg9 : memref<128x128xf32, #tpu.memory_space<vmem>>) offsets(%arg7 : memref<128xi32, #tpu.memory_space<vmem>>) semaphore(%run_scoped3A : memref<!tpu.dma_semaphore, #tpu.memory_space<semaphore_mem>>)
        %dma_wait3A = arith.constant 0 : i32
        %dma_wait3A_46 = arith.constant 0 : i32
        %dma_wait3A_47 = tpu.memref_slice %arg4[%dma_wait3A, %dma_wait3A_46] : memref<10112x128xf32, #tpu.memory_space<hbm>> -> memref<10112x128xf32, #tpu.memory_space<hbm>>
        tpu.wait_indirect_dma semaphore(%run_scoped3A : memref<!tpu.dma_semaphore, #tpu.memory_space<semaphore_mem>>) src(%dma_wait3A_47 : memref<10112x128xf32, #tpu.memory_space<hbm>>) dst(%arg9 : memref<128x128xf32, #tpu.memory_space<vmem>>)
        tpu.yield
      }) : () -> ()
      "tpu.region"() ({
        %run_scoped3A = tpu.sem_alloc : memref<!tpu.dma_semaphore, #tpu.memory_space<semaphore_mem>>
        %dma_start3A = arith.constant 0 : i32
        %dma_start3A_44 = arith.constant 0 : i32
        %dma_start3A_45 = tpu.memref_slice %arg4[%dma_start3A, %dma_start3A_44] : memref<10112x128xf32, #tpu.memory_space<hbm>> -> memref<10112x128xf32, #tpu.memory_space<hbm>>
        tpu.enqueue_indirect_dma source(%dma_start3A_45 : memref<10112x128xf32, #tpu.memory_space<hbm>>) target(%arg10 : memref<128x128xf32, #tpu.memory_space<vmem>>) offsets(%arg8 : memref<128xi32, #tpu.memory_space<vmem>>) semaphore(%run_scoped3A : memref<!tpu.dma_semaphore, #tpu.memory_space<semaphore_mem>>)
        %dma_wait3A = arith.constant 0 : i32
        %dma_wait3A_46 = arith.constant 0 : i32
        %dma_wait3A_47 = tpu.memref_slice %arg4[%dma_wait3A, %dma_wait3A_46] : memref<10112x128xf32, #tpu.memory_space<hbm>> -> memref<10112x128xf32, #tpu.memory_space<hbm>>
        tpu.wait_indirect_dma semaphore(%run_scoped3A : memref<!tpu.dma_semaphore, #tpu.memory_space<semaphore_mem>>) src(%dma_wait3A_47 : memref<10112x128xf32, #tpu.memory_space<hbm>>) dst(%arg10 : memref<128x128xf32, #tpu.memory_space<vmem>>)
        tpu.yield
      }) : () -> ()
      %scan3A_38 = arith.constant 0 : i32
      %scan3A_39 = arith.constant 0 : i32
      %scan3A_40 = arith.constant 128 : i32
      %scan3A_41 = arith.addi %scan3A_39, %scan3A_40 : i32
      %scan3A_42 = arith.constant 1 : i32
      scf.for %scan3A_44 = %scan3A_39 to %scan3A_41 step %scan3A_42  : i32 {
        %get3A = arith.index_cast %scan3A_44 : i32 to index
        %get3A_45 = arith.constant 64 : index
        %get3A_46 = tpu.vector_load %arg9[%get3A, %get3A_45] {strides = array<i32>} : memref<128x128xf32, #tpu.memory_space<vmem>>, vector<1x16xf32>,
        %get3A_47 = vector.shape_cast %get3A_46 : vector<1x16xf32> to vector<16xf32>
        %get3A_48 = arith.index_cast %scan3A_44 : i32 to index
        %get3A_49 = arith.constant 64 : index
        %get3A_50 = tpu.vector_load %arg10[%get3A_48, %get3A_49] {strides = array<i32>} : memref<128x128xf32, #tpu.memory_space<vmem>>, vector<1x16xf32>,
        %get3A_51 = vector.shape_cast %get3A_50 : vector<1x16xf32> to vector<16xf32>
        %lt3A = arith.constant 0 : i32
        %lt3A_52 = vector.broadcast %lt3A : i32 to vector<16xi32>
        %lt3A_53 = arith.cmpi slt, %or3A_19, %lt3A_52 : vector<16xi32>
        %add3A_54 = arith.constant 16 : i32
        %add3A_55 = vector.broadcast %add3A_54 : i32 to vector<16xi32>
        %add3A_56 = arith.addi %or3A_19, %add3A_55 : vector<16xi32>
        %select_n3A = arith.select %lt3A_53, %add3A_56, %or3A_19 : vector<16xi1>, vector<16xi32>
        %broadcast_in_dim3A_57 = vector.shape_cast %select_n3A : vector<16xi32> to vector<16x1xi32>
        %gather3A = vector.shape_cast %broadcast_in_dim3A_57 : vector<16x1xi32> to vector<16xi32>
        %gather3A_58 = tpu.dynamic_gather %get3A_51[%gather3A] in [0] : vector<16xf32>, vector<16xi32> -> vector<16xf32>
        %add3A_59 = arith.addf %get3A_47, %gather3A_58 : vector<16xf32>
        %mul3A_60 = arith.constant 2.000000e-01 : f32
        %mul3A_61 = vector.broadcast %mul3A_60 : f32 to vector<16xf32>
        %mul3A_62 = arith.mulf %mul3A_61, %add3A_59 : vector<16xf32>
        %max3A = arith.maximumf %add3A_59, %mul3A_62 : vector<16xf32>
        %exp3A = math.exp %max3A : vector<16xf32>
        %swap3A = arith.index_cast %scan3A_44 : i32 to index
        %swap3A_63 = arith.constant 64 : index
        %swap3A_64 = tpu.vector_load %arg11[%swap3A, %swap3A_63] {strides = array<i32>} : memref<128x128xf32, #tpu.memory_space<vmem>>, vector<1x16xf32>,
        %swap3A_65 = vector.shape_cast %swap3A_64 : vector<1x16xf32> to vector<16xf32>
        %swap3A_66 = vector.shape_cast %exp3A : vector<16xf32> to vector<1x16xf32>
        tpu.vector_store %arg11[%swap3A, %swap3A_63], %swap3A_66 {strides = array<i32>} : memref<128x128xf32, #tpu.memory_space<vmem>>, vector<1x16xf32>,
        %add3A_67 = arith.constant 0 : i32
        %add3A_68 = vector.broadcast %add3A_67 : i32 to vector<16xi32>
        %add3A_69 = arith.addi %shift_right_logical3A_17, %add3A_68 : vector<16xi32>
        %lt3A_70 = arith.constant 0 : i32
        %lt3A_71 = vector.broadcast %lt3A_70 : i32 to vector<16xi32>
        %lt3A_72 = arith.cmpi slt, %add3A_69, %lt3A_71 : vector<16xi32>
        %add3A_73 = arith.constant 16 : i32
        %add3A_74 = vector.broadcast %add3A_73 : i32 to vector<16xi32>
        %add3A_75 = arith.addi %add3A_69, %add3A_74 : vector<16xi32>
        %select_n3A_76 = arith.select %lt3A_72, %add3A_75, %add3A_69 : vector<16xi1>, vector<16xi32>
        %broadcast_in_dim3A_77 = vector.shape_cast %select_n3A_76 : vector<16xi32> to vector<16x1xi32>
        %gather3A_78 = vector.shape_cast %broadcast_in_dim3A_77 : vector<16x1xi32> to vector<16xi32>
        %gather3A_79 = tpu.dynamic_gather %exp3A[%gather3A_78] in [0] : vector<16xf32>, vector<16xi32> -> vector<16xf32>
        %get3A_80 = arith.index_cast %scan3A_44 : i32 to index
        %get3A_81 = arith.constant 0 : index
        %get3A_82 = tpu.vector_load %arg9[%get3A_80, %get3A_81] {strides = array<i32>} : memref<128x128xf32, #tpu.memory_space<vmem>>, vector<1x16xf32>,
        %get3A_83 = vector.shape_cast %get3A_82 : vector<1x16xf32> to vector<16xf32>
        %mul3A_84 = arith.mulf %get3A_83, %gather3A_79 : vector<16xf32>
        %swap3A_85 = arith.index_cast %scan3A_44 : i32 to index
        %swap3A_86 = arith.constant 0 : index
        %swap3A_87 = tpu.vector_load %arg11[%swap3A_85, %swap3A_86] {strides = array<i32>} : memref<128x128xf32, #tpu.memory_space<vmem>>, vector<1x16xf32>,
        %swap3A_88 = vector.shape_cast %swap3A_87 : vector<1x16xf32> to vector<16xf32>
        %swap3A_89 = vector.shape_cast %mul3A_84 : vector<16xf32> to vector<1x16xf32>
        tpu.vector_store %arg11[%swap3A_85, %swap3A_86], %swap3A_89 {strides = array<i32>} : memref<128x128xf32, #tpu.memory_space<vmem>>, vector<1x16xf32>,
        %add3A_90 = arith.constant 2 : i32
        %add3A_91 = vector.broadcast %add3A_90 : i32 to vector<16xi32>
        %add3A_92 = arith.addi %shift_right_logical3A_17, %add3A_91 : vector<16xi32>
        %lt3A_93 = arith.constant 0 : i32
        %lt3A_94 = vector.broadcast %lt3A_93 : i32 to vector<16xi32>
        %lt3A_95 = arith.cmpi slt, %add3A_92, %lt3A_94 : vector<16xi32>
        %add3A_96 = arith.constant 16 : i32
        %add3A_97 = vector.broadcast %add3A_96 : i32 to vector<16xi32>
        %add3A_98 = arith.addi %add3A_92, %add3A_97 : vector<16xi32>
        %select_n3A_99 = arith.select %lt3A_95, %add3A_98, %add3A_92 : vector<16xi1>, vector<16xi32>
        %broadcast_in_dim3A_100 = vector.shape_cast %select_n3A_99 : vector<16xi32> to vector<16x1xi32>
        %gather3A_101 = vector.shape_cast %broadcast_in_dim3A_100 : vector<16x1xi32> to vector<16xi32>
        %gather3A_102 = tpu.dynamic_gather %exp3A[%gather3A_101] in [0] : vector<16xf32>, vector<16xi32> -> vector<16xf32>
        %get3A_103 = arith.index_cast %scan3A_44 : i32 to index
        %get3A_104 = arith.constant 16 : index
        %get3A_105 = tpu.vector_load %arg9[%get3A_103, %get3A_104] {strides = array<i32>} : memref<128x128xf32, #tpu.memory_space<vmem>>, vector<1x16xf32>,
        %get3A_106 = vector.shape_cast %get3A_105 : vector<1x16xf32> to vector<16xf32>
        %mul3A_107 = arith.mulf %get3A_106, %gather3A_102 : vector<16xf32>
        %swap3A_108 = arith.index_cast %scan3A_44 : i32 to index
        %swap3A_109 = arith.constant 16 : index
        %swap3A_110 = tpu.vector_load %arg11[%swap3A_108, %swap3A_109] {strides = array<i32>} : memref<128x128xf32, #tpu.memory_space<vmem>>, vector<1x16xf32>,
        %swap3A_111 = vector.shape_cast %swap3A_110 : vector<1x16xf32> to vector<16xf32>
        %swap3A_112 = vector.shape_cast %mul3A_107 : vector<16xf32> to vector<1x16xf32>
        tpu.vector_store %arg11[%swap3A_108, %swap3A_109], %swap3A_112 {strides = array<i32>} : memref<128x128xf32, #tpu.memory_space<vmem>>, vector<1x16xf32>,
        %add3A_113 = arith.constant 4 : i32
        %add3A_114 = vector.broadcast %add3A_113 : i32 to vector<16xi32>
        %add3A_115 = arith.addi %shift_right_logical3A_17, %add3A_114 : vector<16xi32>
        %lt3A_116 = arith.constant 0 : i32
        %lt3A_117 = vector.broadcast %lt3A_116 : i32 to vector<16xi32>
        %lt3A_118 = arith.cmpi slt, %add3A_115, %lt3A_117 : vector<16xi32>
        %add3A_119 = arith.constant 16 : i32
        %add3A_120 = vector.broadcast %add3A_119 : i32 to vector<16xi32>
        %add3A_121 = arith.addi %add3A_115, %add3A_120 : vector<16xi32>
        %select_n3A_122 = arith.select %lt3A_118, %add3A_121, %add3A_115 : vector<16xi1>, vector<16xi32>
        %broadcast_in_dim3A_123 = vector.shape_cast %select_n3A_122 : vector<16xi32> to vector<16x1xi32>
        %gather3A_124 = vector.shape_cast %broadcast_in_dim3A_123 : vector<16x1xi32> to vector<16xi32>
        %gather3A_125 = tpu.dynamic_gather %exp3A[%gather3A_124] in [0] : vector<16xf32>, vector<16xi32> -> vector<16xf32>
        %get3A_126 = arith.index_cast %scan3A_44 : i32 to index
        %get3A_127 = arith.constant 32 : index
        %get3A_128 = tpu.vector_load %arg9[%get3A_126, %get3A_127] {strides = array<i32>} : memref<128x128xf32, #tpu.memory_space<vmem>>, vector<1x16xf32>,
        %get3A_129 = vector.shape_cast %get3A_128 : vector<1x16xf32> to vector<16xf32>
        %mul3A_130 = arith.mulf %get3A_129, %gather3A_125 : vector<16xf32>
        %swap3A_131 = arith.index_cast %scan3A_44 : i32 to index
        %swap3A_132 = arith.constant 32 : index
        %swap3A_133 = tpu.vector_load %arg11[%swap3A_131, %swap3A_132] {strides = array<i32>} : memref<128x128xf32, #tpu.memory_space<vmem>>, vector<1x16xf32>,
        %swap3A_134 = vector.shape_cast %swap3A_133 : vector<1x16xf32> to vector<16xf32>
        %swap3A_135 = vector.shape_cast %mul3A_130 : vector<16xf32> to vector<1x16xf32>
        tpu.vector_store %arg11[%swap3A_131, %swap3A_132], %swap3A_135 {strides = array<i32>} : memref<128x128xf32, #tpu.memory_space<vmem>>, vector<1x16xf32>,
        %add3A_136 = arith.constant 6 : i32
        %add3A_137 = vector.broadcast %add3A_136 : i32 to vector<16xi32>
        %add3A_138 = arith.addi %shift_right_logical3A_17, %add3A_137 : vector<16xi32>
        %lt3A_139 = arith.constant 0 : i32
        %lt3A_140 = vector.broadcast %lt3A_139 : i32 to vector<16xi32>
        %lt3A_141 = arith.cmpi slt, %add3A_138, %lt3A_140 : vector<16xi32>
        %add3A_142 = arith.constant 16 : i32
        %add3A_143 = vector.broadcast %add3A_142 : i32 to vector<16xi32>
        %add3A_144 = arith.addi %add3A_138, %add3A_143 : vector<16xi32>
        %select_n3A_145 = arith.select %lt3A_141, %add3A_144, %add3A_138 : vector<16xi1>, vector<16xi32>
        %broadcast_in_dim3A_146 = vector.shape_cast %select_n3A_145 : vector<16xi32> to vector<16x1xi32>
        %gather3A_147 = vector.shape_cast %broadcast_in_dim3A_146 : vector<16x1xi32> to vector<16xi32>
        %gather3A_148 = tpu.dynamic_gather %exp3A[%gather3A_147] in [0] : vector<16xf32>, vector<16xi32> -> vector<16xf32>
        %get3A_149 = arith.index_cast %scan3A_44 : i32 to index
        %get3A_150 = arith.constant 48 : index
        %get3A_151 = tpu.vector_load %arg9[%get3A_149, %get3A_150] {strides = array<i32>} : memref<128x128xf32, #tpu.memory_space<vmem>>, vector<1x16xf32>,
        %get3A_152 = vector.shape_cast %get3A_151 : vector<1x16xf32> to vector<16xf32>
        %mul3A_153 = arith.mulf %get3A_152, %gather3A_148 : vector<16xf32>
        %swap3A_154 = arith.index_cast %scan3A_44 : i32 to index
        %swap3A_155 = arith.constant 48 : index
        %swap3A_156 = tpu.vector_load %arg11[%swap3A_154, %swap3A_155] {strides = array<i32>} : memref<128x128xf32, #tpu.memory_space<vmem>>, vector<1x16xf32>,
        %swap3A_157 = vector.shape_cast %swap3A_156 : vector<1x16xf32> to vector<16xf32>
        %swap3A_158 = vector.shape_cast %mul3A_153 : vector<16xf32> to vector<1x16xf32>
        tpu.vector_store %arg11[%swap3A_154, %swap3A_155], %swap3A_158 {strides = array<i32>} : memref<128x128xf32, #tpu.memory_space<vmem>>, vector<1x16xf32>,
      }
      %scan3A_43 = arith.constant 128 : i32
      "tpu.region"() ({
        %run_scoped3A = tpu.sem_alloc : memref<!tpu.dma_semaphore, #tpu.memory_space<semaphore_mem>>
        %dma_start3A = arith.constant 0 : i32
        %dma_start3A_44 = arith.constant 0 : i32
        %dma_start3A_45 = tpu.memref_slice %arg6[%dma_start3A, %dma_start3A_44] : memref<10112x128xf32, #tpu.memory_space<vmem_shared>> -> memref<10112x128xf32, #tpu.memory_space<vmem_shared>>
        tpu.enqueue_indirect_dma source(%arg11 : memref<128x128xf32, #tpu.memory_space<vmem>>) target(%dma_start3A_45 : memref<10112x128xf32, #tpu.memory_space<vmem_shared>>) offsets(%arg8 : memref<128xi32, #tpu.memory_space<vmem>>) semaphore(%run_scoped3A : memref<!tpu.dma_semaphore, #tpu.memory_space<semaphore_mem>>) {add = true}
        %dma_wait3A = arith.constant 0 : i32
        %dma_wait3A_46 = arith.constant 0 : i32
        %dma_wait3A_47 = tpu.memref_slice %arg6[%dma_wait3A, %dma_wait3A_46] : memref<10112x128xf32, #tpu.memory_space<vmem_shared>> -> memref<10112x128xf32, #tpu.memory_space<vmem_shared>>
        tpu.wait_indirect_dma semaphore(%run_scoped3A : memref<!tpu.dma_semaphore, #tpu.memory_space<semaphore_mem>>) src(%arg11 : memref<128x128xf32, #tpu.memory_space<vmem>>) dst(%dma_wait3A_47 : memref<10112x128xf32, #tpu.memory_space<vmem_shared>>)
        tpu.yield
      }) : () -> ()
    }
    %scan3A_25 = arith.constant 81 : i32
    %barrier3A_26 = arith.constant 0 : index
    tpu.barrier barrier_id(%barrier3A_26)
    %add3A_27 = arith.constant 0 : i32
    %add3A_28 = arith.addi %mul3A_0, %add3A_27 : i32
    "tpu.region"() ({
      %run_scoped3A = tpu.sem_alloc : memref<!tpu.dma_semaphore, #tpu.memory_space<semaphore_mem>>
      %dma_start3A = arith.constant 0 : i32
      %dma_start3A_37 = arith.constant 0 : i32
      %dma_start3A_38 = tpu.memref_slice %arg11[%dma_start3A, %dma_start3A_37] : memref<128x128xf32, #tpu.memory_space<vmem>> -> memref<128x128xf32, #tpu.memory_space<vmem>>
      %dma_start3A_39 = arith.constant 0 : i32
      %dma_start3A_40 = tpu.memref_slice %arg6[%add3A_28, %dma_start3A_39] : memref<10112x128xf32, #tpu.memory_space<vmem_shared>> -> memref<128x128xf32, #tpu.memory_space<vmem_shared>>
      %dma_start3A_41 = arith.constant 0 : i32
      %dma_start3A_42 = arith.constant 0 : i32
      %dma_start3A_43 = tpu.memref_slice %arg11[%dma_start3A_41, %dma_start3A_42] : memref<128x128xf32, #tpu.memory_space<vmem>> -> memref<128x128xf32, #tpu.memory_space<vmem>>
      %dma_start3A_44 = arith.constant 0 : i32
      %dma_start3A_45 = tpu.memref_slice %arg6[%add3A_28, %dma_start3A_44] : memref<10112x128xf32, #tpu.memory_space<vmem_shared>> -> memref<128x128xf32, #tpu.memory_space<vmem_shared>>
      tpu.enqueue_dma source(%dma_start3A_45 : memref<128x128xf32, #tpu.memory_space<vmem_shared>>) target(%dma_start3A_43 : memref<128x128xf32, #tpu.memory_space<vmem>>) target_semaphore(%run_scoped3A : memref<!tpu.dma_semaphore, #tpu.memory_space<semaphore_mem>>)
      %dma_wait3A = arith.constant 0 : i32
      %dma_wait3A_46 = arith.constant 0 : i32
      %dma_wait3A_47 = tpu.memref_slice %arg11[%dma_wait3A, %dma_wait3A_46] : memref<128x128xf32, #tpu.memory_space<vmem>> -> memref<128x128xf32, #tpu.memory_space<vmem>>
      %dma_wait3A_48 = arith.constant 0 : i32
      %dma_wait3A_49 = tpu.memref_slice %arg6[%add3A_28, %dma_wait3A_48] : memref<10112x128xf32, #tpu.memory_space<vmem_shared>> -> memref<128x128xf32, #tpu.memory_space<vmem_shared>>
      %dma_wait3A_50 = arith.constant 0 : i32
      %dma_wait3A_51 = arith.constant 0 : i32
      %dma_wait3A_52 = tpu.memref_slice %arg11[%dma_wait3A_50, %dma_wait3A_51] : memref<128x128xf32, #tpu.memory_space<vmem>> -> memref<128x128xf32, #tpu.memory_space<vmem>>
      %dma_wait3A_53 = arith.constant 0 : i32
      %dma_wait3A_54 = tpu.memref_slice %arg6[%add3A_28, %dma_wait3A_53] : memref<10112x128xf32, #tpu.memory_space<vmem_shared>> -> memref<128x128xf32, #tpu.memory_space<vmem_shared>>
      tpu.wait_dma2 semaphore(%run_scoped3A : memref<!tpu.dma_semaphore, #tpu.memory_space<semaphore_mem>>) src(%dma_wait3A_54 : memref<128x128xf32, #tpu.memory_space<vmem_shared>>) dst(%dma_wait3A_52 : memref<128x128xf32, #tpu.memory_space<vmem>>)
      tpu.yield
    }) : () -> ()
    "tpu.region"() ({
      %run_scoped3A = tpu.sem_alloc : memref<!tpu.dma_semaphore, #tpu.memory_space<semaphore_mem>>
      %dma_start3A = arith.constant 0 : i32
      %dma_start3A_37 = arith.constant 0 : i32
      %dma_start3A_38 = tpu.memref_slice %arg11[%dma_start3A, %dma_start3A_37] : memref<128x128xf32, #tpu.memory_space<vmem>> -> memref<128x128xf32, #tpu.memory_space<vmem>>
      %dma_start3A_39 = arith.constant 0 : i32
      %dma_start3A_40 = tpu.memref_slice %arg5[%arg0, %add3A_28, %dma_start3A_39] : memref<2x10112x128xf32, #tpu.memory_space<hbm>> -> memref<1x128x128xf32, #tpu.memory_space<hbm>>
      %dma_start3A_41 = tpu.memref_squeeze %dma_start3A_40 : memref<1x128x128xf32, #tpu.memory_space<hbm>> -> memref<128x128xf32, #tpu.memory_space<hbm>>
      %dma_start3A_42 = arith.constant 0 : i32
      %dma_start3A_43 = tpu.memref_slice %arg5[%arg0, %add3A_28, %dma_start3A_42] : memref<2x10112x128xf32, #tpu.memory_space<hbm>> -> memref<1x128x128xf32, #tpu.memory_space<hbm>>
      %dma_start3A_44 = tpu.memref_squeeze %dma_start3A_43 : memref<1x128x128xf32, #tpu.memory_space<hbm>> -> memref<128x128xf32, #tpu.memory_space<hbm>>
      %dma_start3A_45 = arith.constant 0 : i32
      %dma_start3A_46 = arith.constant 0 : i32
      %dma_start3A_47 = tpu.memref_slice %arg11[%dma_start3A_45, %dma_start3A_46] : memref<128x128xf32, #tpu.memory_space<vmem>> -> memref<128x128xf32, #tpu.memory_space<vmem>>
      tpu.enqueue_dma source(%dma_start3A_47 : memref<128x128xf32, #tpu.memory_space<vmem>>) target(%dma_start3A_44 : memref<128x128xf32, #tpu.memory_space<hbm>>) target_semaphore(%run_scoped3A : memref<!tpu.dma_semaphore, #tpu.memory_space<semaphore_mem>>)
      %dma_wait3A = arith.constant 0 : i32
      %dma_wait3A_48 = arith.constant 0 : i32
      %dma_wait3A_49 = tpu.memref_slice %arg11[%dma_wait3A, %dma_wait3A_48] : memref<128x128xf32, #tpu.memory_space<vmem>> -> memref<128x128xf32, #tpu.memory_space<vmem>>
      %dma_wait3A_50 = arith.constant 0 : i32
      %dma_wait3A_51 = tpu.memref_slice %arg5[%arg0, %add3A_28, %dma_wait3A_50] : memref<2x10112x128xf32, #tpu.memory_space<hbm>> -> memref<1x128x128xf32, #tpu.memory_space<hbm>>
      %dma_wait3A_52 = tpu.memref_squeeze %dma_wait3A_51 : memref<1x128x128xf32, #tpu.memory_space<hbm>> -> memref<128x128xf32, #tpu.memory_space<hbm>>
      %dma_wait3A_53 = arith.constant 0 : i32
      %dma_wait3A_54 = tpu.memref_slice %arg5[%arg0, %add3A_28, %dma_wait3A_53] : memref<2x10112x128xf32, #tpu.memory_space<hbm>> -> memref<1x128x128xf32, #tpu.memory_space<hbm>>
      %dma_wait3A_55 = tpu.memref_squeeze %dma_wait3A_54 : memref<1x128x128xf32, #tpu.memory_space<hbm>> -> memref<128x128xf32, #tpu.memory_space<hbm>>
      %dma_wait3A_56 = arith.constant 0 : i32
      %dma_wait3A_57 = arith.constant 0 : i32
      %dma_wait3A_58 = tpu.memref_slice %arg11[%dma_wait3A_56, %dma_wait3A_57] : memref<128x128xf32, #tpu.memory_space<vmem>> -> memref<128x128xf32, #tpu.memory_space<vmem>>
      tpu.wait_dma2 semaphore(%run_scoped3A : memref<!tpu.dma_semaphore, #tpu.memory_space<semaphore_mem>>) src(%dma_wait3A_58 : memref<128x128xf32, #tpu.memory_space<vmem>>) dst(%dma_wait3A_55 : memref<128x128xf32, #tpu.memory_space<hbm>>)
      tpu.yield
    }) : () -> ()
    %add3A_29 = arith.constant 128 : i32
    %add3A_30 = arith.addi %mul3A_0, %add3A_29 : i32
    "tpu.region"() ({
      %run_scoped3A = tpu.sem_alloc : memref<!tpu.dma_semaphore, #tpu.memory_space<semaphore_mem>>
      %dma_start3A = arith.constant 0 : i32
      %dma_start3A_37 = arith.constant 0 : i32
      %dma_start3A_38 = tpu.memref_slice %arg11[%dma_start3A, %dma_start3A_37] : memref<128x128xf32, #tpu.memory_space<vmem>> -> memref<128x128xf32, #tpu.memory_space<vmem>>
      %dma_start3A_39 = arith.constant 0 : i32
      %dma_start3A_40 = tpu.memref_slice %arg6[%add3A_30, %dma_start3A_39] : memref<10112x128xf32, #tpu.memory_space<vmem_shared>> -> memref<128x128xf32, #tpu.memory_space<vmem_shared>>
      %dma_start3A_41 = arith.constant 0 : i32
      %dma_start3A_42 = arith.constant 0 : i32
      %dma_start3A_43 = tpu.memref_slice %arg11[%dma_start3A_41, %dma_start3A_42] : memref<128x128xf32, #tpu.memory_space<vmem>> -> memref<128x128xf32, #tpu.memory_space<vmem>>
      %dma_start3A_44 = arith.constant 0 : i32
      %dma_start3A_45 = tpu.memref_slice %arg6[%add3A_30, %dma_start3A_44] : memref<10112x128xf32, #tpu.memory_space<vmem_shared>> -> memref<128x128xf32, #tpu.memory_space<vmem_shared>>
      tpu.enqueue_dma source(%dma_start3A_45 : memref<128x128xf32, #tpu.memory_space<vmem_shared>>) target(%dma_start3A_43 : memref<128x128xf32, #tpu.memory_space<vmem>>) target_semaphore(%run_scoped3A : memref<!tpu.dma_semaphore, #tpu.memory_space<semaphore_mem>>)
      %dma_wait3A = arith.constant 0 : i32
      %dma_wait3A_46 = arith.constant 0 : i32
      %dma_wait3A_47 = tpu.memref_slice %arg11[%dma_wait3A, %dma_wait3A_46] : memref<128x128xf32, #tpu.memory_space<vmem>> -> memref<128x128xf32, #tpu.memory_space<vmem>>
      %dma_wait3A_48 = arith.constant 0 : i32
      %dma_wait3A_49 = tpu.memref_slice %arg6[%add3A_30, %dma_wait3A_48] : memref<10112x128xf32, #tpu.memory_space<vmem_shared>> -> memref<128x128xf32, #tpu.memory_space<vmem_shared>>
      %dma_wait3A_50 = arith.constant 0 : i32
      %dma_wait3A_51 = arith.constant 0 : i32
      %dma_wait3A_52 = tpu.memref_slice %arg11[%dma_wait3A_50, %dma_wait3A_51] : memref<128x128xf32, #tpu.memory_space<vmem>> -> memref<128x128xf32, #tpu.memory_space<vmem>>
      %dma_wait3A_53 = arith.constant 0 : i32
      %dma_wait3A_54 = tpu.memref_slice %arg6[%add3A_30, %dma_wait3A_53] : memref<10112x128xf32, #tpu.memory_space<vmem_shared>> -> memref<128x128xf32, #tpu.memory_space<vmem_shared>>
      tpu.wait_dma2 semaphore(%run_scoped3A : memref<!tpu.dma_semaphore, #tpu.memory_space<semaphore_mem>>) src(%dma_wait3A_54 : memref<128x128xf32, #tpu.memory_space<vmem_shared>>) dst(%dma_wait3A_52 : memref<128x128xf32, #tpu.memory_space<vmem>>)
      tpu.yield
    }) : () -> ()
    "tpu.region"() ({
      %run_scoped3A = tpu.sem_alloc : memref<!tpu.dma_semaphore, #tpu.memory_space<semaphore_mem>>
      %dma_start3A = arith.constant 0 : i32
      %dma_start3A_37 = arith.constant 0 : i32
      %dma_start3A_38 = tpu.memref_slice %arg11[%dma_start3A, %dma_start3A_37] : memref<128x128xf32, #tpu.memory_space<vmem>> -> memref<128x128xf32, #tpu.memory_space<vmem>>
      %dma_start3A_39 = arith.constant 0 : i32
      %dma_start3A_40 = tpu.memref_slice %arg5[%arg0, %add3A_30, %dma_start3A_39] : memref<2x10112x128xf32, #tpu.memory_space<hbm>> -> memref<1x128x128xf32, #tpu.memory_space<hbm>>
      %dma_start3A_41 = tpu.memref_squeeze %dma_start3A_40 : memref<1x128x128xf32, #tpu.memory_space<hbm>> -> memref<128x128xf32, #tpu.memory_space<hbm>>
      %dma_start3A_42 = arith.constant 0 : i32
      %dma_start3A_43 = tpu.memref_slice %arg5[%arg0, %add3A_30, %dma_start3A_42] : memref<2x10112x128xf32, #tpu.memory_space<hbm>> -> memref<1x128x128xf32, #tpu.memory_space<hbm>>
      %dma_start3A_44 = tpu.memref_squeeze %dma_start3A_43 : memref<1x128x128xf32, #tpu.memory_space<hbm>> -> memref<128x128xf32, #tpu.memory_space<hbm>>
      %dma_start3A_45 = arith.constant 0 : i32
      %dma_start3A_46 = arith.constant 0 : i32
      %dma_start3A_47 = tpu.memref_slice %arg11[%dma_start3A_45, %dma_start3A_46] : memref<128x128xf32, #tpu.memory_space<vmem>> -> memref<128x128xf32, #tpu.memory_space<vmem>>
      tpu.enqueue_dma source(%dma_start3A_47 : memref<128x128xf32, #tpu.memory_space<vmem>>) target(%dma_start3A_44 : memref<128x128xf32, #tpu.memory_space<hbm>>) target_semaphore(%run_scoped3A : memref<!tpu.dma_semaphore, #tpu.memory_space<semaphore_mem>>)
      %dma_wait3A = arith.constant 0 : i32
      %dma_wait3A_48 = arith.constant 0 : i32
      %dma_wait3A_49 = tpu.memref_slice %arg11[%dma_wait3A, %dma_wait3A_48] : memref<128x128xf32, #tpu.memory_space<vmem>> -> memref<128x128xf32, #tpu.memory_space<vmem>>
      %dma_wait3A_50 = arith.constant 0 : i32
      %dma_wait3A_51 = tpu.memref_slice %arg5[%arg0, %add3A_30, %dma_wait3A_50] : memref<2x10112x128xf32, #tpu.memory_space<hbm>> -> memref<1x128x128xf32, #tpu.memory_space<hbm>>
      %dma_wait3A_52 = tpu.memref_squeeze %dma_wait3A_51 : memref<1x128x128xf32, #tpu.memory_space<hbm>> -> memref<128x128xf32, #tpu.memory_space<hbm>>
      %dma_wait3A_53 = arith.constant 0 : i32
      %dma_wait3A_54 = tpu.memref_slice %arg5[%arg0, %add3A_30, %dma_wait3A_53] : memref<2x10112x128xf32, #tpu.memory_space<hbm>> -> memref<1x128x128xf32, #tpu.memory_space<hbm>>
      %dma_wait3A_55 = tpu.memref_squeeze %dma_wait3A_54 : memref<1x128x128xf32, #tpu.memory_space<hbm>> -> memref<128x128xf32, #tpu.memory_space<hbm>>
      %dma_wait3A_56 = arith.constant 0 : i32
      %dma_wait3A_57 = arith.constant 0 : i32
      %dma_wait3A_58 = tpu.memref_slice %arg11[%dma_wait3A_56, %dma_wait3A_57] : memref<128x128xf32, #tpu.memory_space<vmem>> -> memref<128x128xf32, #tpu.memory_space<vmem>>
      tpu.wait_dma2 semaphore(%run_scoped3A : memref<!tpu.dma_semaphore, #tpu.memory_space<semaphore_mem>>) src(%dma_wait3A_58 : memref<128x128xf32, #tpu.memory_space<vmem>>) dst(%dma_wait3A_55 : memref<128x128xf32, #tpu.memory_space<hbm>>)
      tpu.yield
    }) : () -> ()
    %add3A_31 = arith.constant 256 : i32
    %add3A_32 = arith.addi %mul3A_0, %add3A_31 : i32
    "tpu.region"() ({
      %run_scoped3A = tpu.sem_alloc : memref<!tpu.dma_semaphore, #tpu.memory_space<semaphore_mem>>
      %dma_start3A = arith.constant 0 : i32
      %dma_start3A_37 = arith.constant 0 : i32
      %dma_start3A_38 = tpu.memref_slice %arg11[%dma_start3A, %dma_start3A_37] : memref<128x128xf32, #tpu.memory_space<vmem>> -> memref<128x128xf32, #tpu.memory_space<vmem>>
      %dma_start3A_39 = arith.constant 0 : i32
      %dma_start3A_40 = tpu.memref_slice %arg6[%add3A_32, %dma_start3A_39] : memref<10112x128xf32, #tpu.memory_space<vmem_shared>> -> memref<128x128xf32, #tpu.memory_space<vmem_shared>>
      %dma_start3A_41 = arith.constant 0 : i32
      %dma_start3A_42 = arith.constant 0 : i32
      %dma_start3A_43 = tpu.memref_slice %arg11[%dma_start3A_41, %dma_start3A_42] : memref<128x128xf32, #tpu.memory_space<vmem>> -> memref<128x128xf32, #tpu.memory_space<vmem>>
      %dma_start3A_44 = arith.constant 0 : i32
      %dma_start3A_45 = tpu.memref_slice %arg6[%add3A_32, %dma_start3A_44] : memref<10112x128xf32, #tpu.memory_space<vmem_shared>> -> memref<128x128xf32, #tpu.memory_space<vmem_shared>>
      tpu.enqueue_dma source(%dma_start3A_45 : memref<128x128xf32, #tpu.memory_space<vmem_shared>>) target(%dma_start3A_43 : memref<128x128xf32, #tpu.memory_space<vmem>>) target_semaphore(%run_scoped3A : memref<!tpu.dma_semaphore, #tpu.memory_space<semaphore_mem>>)
      %dma_wait3A = arith.constant 0 : i32
      %dma_wait3A_46 = arith.constant 0 : i32
      %dma_wait3A_47 = tpu.memref_slice %arg11[%dma_wait3A, %dma_wait3A_46] : memref<128x128xf32, #tpu.memory_space<vmem>> -> memref<128x128xf32, #tpu.memory_space<vmem>>
      %dma_wait3A_48 = arith.constant 0 : i32
      %dma_wait3A_49 = tpu.memref_slice %arg6[%add3A_32, %dma_wait3A_48] : memref<10112x128xf32, #tpu.memory_space<vmem_shared>> -> memref<128x128xf32, #tpu.memory_space<vmem_shared>>
      %dma_wait3A_50 = arith.constant 0 : i32
      %dma_wait3A_51 = arith.constant 0 : i32
      %dma_wait3A_52 = tpu.memref_slice %arg11[%dma_wait3A_50, %dma_wait3A_51] : memref<128x128xf32, #tpu.memory_space<vmem>> -> memref<128x128xf32, #tpu.memory_space<vmem>>
      %dma_wait3A_53 = arith.constant 0 : i32
      %dma_wait3A_54 = tpu.memref_slice %arg6[%add3A_32, %dma_wait3A_53] : memref<10112x128xf32, #tpu.memory_space<vmem_shared>> -> memref<128x128xf32, #tpu.memory_space<vmem_shared>>
      tpu.wait_dma2 semaphore(%run_scoped3A : memref<!tpu.dma_semaphore, #tpu.memory_space<semaphore_mem>>) src(%dma_wait3A_54 : memref<128x128xf32, #tpu.memory_space<vmem_shared>>) dst(%dma_wait3A_52 : memref<128x128xf32, #tpu.memory_space<vmem>>)
      tpu.yield
    }) : () -> ()
    "tpu.region"() ({
      %run_scoped3A = tpu.sem_alloc : memref<!tpu.dma_semaphore, #tpu.memory_space<semaphore_mem>>
      %dma_start3A = arith.constant 0 : i32
      %dma_start3A_37 = arith.constant 0 : i32
      %dma_start3A_38 = tpu.memref_slice %arg11[%dma_start3A, %dma_start3A_37] : memref<128x128xf32, #tpu.memory_space<vmem>> -> memref<128x128xf32, #tpu.memory_space<vmem>>
      %dma_start3A_39 = arith.constant 0 : i32
      %dma_start3A_40 = tpu.memref_slice %arg5[%arg0, %add3A_32, %dma_start3A_39] : memref<2x10112x128xf32, #tpu.memory_space<hbm>> -> memref<1x128x128xf32, #tpu.memory_space<hbm>>
      %dma_start3A_41 = tpu.memref_squeeze %dma_start3A_40 : memref<1x128x128xf32, #tpu.memory_space<hbm>> -> memref<128x128xf32, #tpu.memory_space<hbm>>
      %dma_start3A_42 = arith.constant 0 : i32
      %dma_start3A_43 = tpu.memref_slice %arg5[%arg0, %add3A_32, %dma_start3A_42] : memref<2x10112x128xf32, #tpu.memory_space<hbm>> -> memref<1x128x128xf32, #tpu.memory_space<hbm>>
      %dma_start3A_44 = tpu.memref_squeeze %dma_start3A_43 : memref<1x128x128xf32, #tpu.memory_space<hbm>> -> memref<128x128xf32, #tpu.memory_space<hbm>>
      %dma_start3A_45 = arith.constant 0 : i32
      %dma_start3A_46 = arith.constant 0 : i32
      %dma_start3A_47 = tpu.memref_slice %arg11[%dma_start3A_45, %dma_start3A_46] : memref<128x128xf32, #tpu.memory_space<vmem>> -> memref<128x128xf32, #tpu.memory_space<vmem>>
      tpu.enqueue_dma source(%dma_start3A_47 : memref<128x128xf32, #tpu.memory_space<vmem>>) target(%dma_start3A_44 : memref<128x128xf32, #tpu.memory_space<hbm>>) target_semaphore(%run_scoped3A : memref<!tpu.dma_semaphore, #tpu.memory_space<semaphore_mem>>)
      %dma_wait3A = arith.constant 0 : i32
      %dma_wait3A_48 = arith.constant 0 : i32
      %dma_wait3A_49 = tpu.memref_slice %arg11[%dma_wait3A, %dma_wait3A_48] : memref<128x128xf32, #tpu.memory_space<vmem>> -> memref<128x128xf32, #tpu.memory_space<vmem>>
      %dma_wait3A_50 = arith.constant 0 : i32
      %dma_wait3A_51 = tpu.memref_slice %arg5[%arg0, %add3A_32, %dma_wait3A_50] : memref<2x10112x128xf32, #tpu.memory_space<hbm>> -> memref<1x128x128xf32, #tpu.memory_space<hbm>>
      %dma_wait3A_52 = tpu.memref_squeeze %dma_wait3A_51 : memref<1x128x128xf32, #tpu.memory_space<hbm>> -> memref<128x128xf32, #tpu.memory_space<hbm>>
      %dma_wait3A_53 = arith.constant 0 : i32
      %dma_wait3A_54 = tpu.memref_slice %arg5[%arg0, %add3A_32, %dma_wait3A_53] : memref<2x10112x128xf32, #tpu.memory_space<hbm>> -> memref<1x128x128xf32, #tpu.memory_space<hbm>>
      %dma_wait3A_55 = tpu.memref_squeeze %dma_wait3A_54 : memref<1x128x128xf32, #tpu.memory_space<hbm>> -> memref<128x128xf32, #tpu.memory_space<hbm>>
      %dma_wait3A_56 = arith.constant 0 : i32
      %dma_wait3A_57 = arith.constant 0 : i32
      %dma_wait3A_58 = tpu.memref_slice %arg11[%dma_wait3A_56, %dma_wait3A_57] : memref<128x128xf32, #tpu.memory_space<vmem>> -> memref<128x128xf32, #tpu.memory_space<vmem>>
      tpu.wait_dma2 semaphore(%run_scoped3A : memref<!tpu.dma_semaphore, #tpu.memory_space<semaphore_mem>>) src(%dma_wait3A_58 : memref<128x128xf32, #tpu.memory_space<vmem>>) dst(%dma_wait3A_55 : memref<128x128xf32, #tpu.memory_space<hbm>>)
      tpu.yield
    }) : () -> ()
    %add3A_33 = arith.constant 384 : i32
    %add3A_34 = arith.addi %mul3A_0, %add3A_33 : i32
    "tpu.region"() ({
      %run_scoped3A = tpu.sem_alloc : memref<!tpu.dma_semaphore, #tpu.memory_space<semaphore_mem>>
      %dma_start3A = arith.constant 0 : i32
      %dma_start3A_37 = arith.constant 0 : i32
      %dma_start3A_38 = tpu.memref_slice %arg11[%dma_start3A, %dma_start3A_37] : memref<128x128xf32, #tpu.memory_space<vmem>> -> memref<128x128xf32, #tpu.memory_space<vmem>>
      %dma_start3A_39 = arith.constant 0 : i32
      %dma_start3A_40 = tpu.memref_slice %arg6[%add3A_34, %dma_start3A_39] : memref<10112x128xf32, #tpu.memory_space<vmem_shared>> -> memref<128x128xf32, #tpu.memory_space<vmem_shared>>
      %dma_start3A_41 = arith.constant 0 : i32
      %dma_start3A_42 = arith.constant 0 : i32
      %dma_start3A_43 = tpu.memref_slice %arg11[%dma_start3A_41, %dma_start3A_42] : memref<128x128xf32, #tpu.memory_space<vmem>> -> memref<128x128xf32, #tpu.memory_space<vmem>>
      %dma_start3A_44 = arith.constant 0 : i32
      %dma_start3A_45 = tpu.memref_slice %arg6[%add3A_34, %dma_start3A_44] : memref<10112x128xf32, #tpu.memory_space<vmem_shared>> -> memref<128x128xf32, #tpu.memory_space<vmem_shared>>
      tpu.enqueue_dma source(%dma_start3A_45 : memref<128x128xf32, #tpu.memory_space<vmem_shared>>) target(%dma_start3A_43 : memref<128x128xf32, #tpu.memory_space<vmem>>) target_semaphore(%run_scoped3A : memref<!tpu.dma_semaphore, #tpu.memory_space<semaphore_mem>>)
      %dma_wait3A = arith.constant 0 : i32
      %dma_wait3A_46 = arith.constant 0 : i32
      %dma_wait3A_47 = tpu.memref_slice %arg11[%dma_wait3A, %dma_wait3A_46] : memref<128x128xf32, #tpu.memory_space<vmem>> -> memref<128x128xf32, #tpu.memory_space<vmem>>
      %dma_wait3A_48 = arith.constant 0 : i32
      %dma_wait3A_49 = tpu.memref_slice %arg6[%add3A_34, %dma_wait3A_48] : memref<10112x128xf32, #tpu.memory_space<vmem_shared>> -> memref<128x128xf32, #tpu.memory_space<vmem_shared>>
      %dma_wait3A_50 = arith.constant 0 : i32
      %dma_wait3A_51 = arith.constant 0 : i32
      %dma_wait3A_52 = tpu.memref_slice %arg11[%dma_wait3A_50, %dma_wait3A_51] : memref<128x128xf32, #tpu.memory_space<vmem>> -> memref<128x128xf32, #tpu.memory_space<vmem>>
      %dma_wait3A_53 = arith.constant 0 : i32
      %dma_wait3A_54 = tpu.memref_slice %arg6[%add3A_34, %dma_wait3A_53] : memref<10112x128xf32, #tpu.memory_space<vmem_shared>> -> memref<128x128xf32, #tpu.memory_space<vmem_shared>>
      tpu.wait_dma2 semaphore(%run_scoped3A : memref<!tpu.dma_semaphore, #tpu.memory_space<semaphore_mem>>) src(%dma_wait3A_54 : memref<128x128xf32, #tpu.memory_space<vmem_shared>>) dst(%dma_wait3A_52 : memref<128x128xf32, #tpu.memory_space<vmem>>)
      tpu.yield
    }) : () -> ()
    "tpu.region"() ({
      %run_scoped3A = tpu.sem_alloc : memref<!tpu.dma_semaphore, #tpu.memory_space<semaphore_mem>>
      %dma_start3A = arith.constant 0 : i32
      %dma_start3A_37 = arith.constant 0 : i32
      %dma_start3A_38 = tpu.memref_slice %arg11[%dma_start3A, %dma_start3A_37] : memref<128x128xf32, #tpu.memory_space<vmem>> -> memref<128x128xf32, #tpu.memory_space<vmem>>
      %dma_start3A_39 = arith.constant 0 : i32
      %dma_start3A_40 = tpu.memref_slice %arg5[%arg0, %add3A_34, %dma_start3A_39] : memref<2x10112x128xf32, #tpu.memory_space<hbm>> -> memref<1x128x128xf32, #tpu.memory_space<hbm>>
      %dma_start3A_41 = tpu.memref_squeeze %dma_start3A_40 : memref<1x128x128xf32, #tpu.memory_space<hbm>> -> memref<128x128xf32, #tpu.memory_space<hbm>>
      %dma_start3A_42 = arith.constant 0 : i32
      %dma_start3A_43 = tpu.memref_slice %arg5[%arg0, %add3A_34, %dma_start3A_42] : memref<2x10112x128xf32, #tpu.memory_space<hbm>> -> memref<1x128x128xf32, #tpu.memory_space<hbm>>
      %dma_start3A_44 = tpu.memref_squeeze %dma_start3A_43 : memref<1x128x128xf32, #tpu.memory_space<hbm>> -> memref<128x128xf32, #tpu.memory_space<hbm>>
      %dma_start3A_45 = arith.constant 0 : i32
      %dma_start3A_46 = arith.constant 0 : i32
      %dma_start3A_47 = tpu.memref_slice %arg11[%dma_start3A_45, %dma_start3A_46] : memref<128x128xf32, #tpu.memory_space<vmem>> -> memref<128x128xf32, #tpu.memory_space<vmem>>
      tpu.enqueue_dma source(%dma_start3A_47 : memref<128x128xf32, #tpu.memory_space<vmem>>) target(%dma_start3A_44 : memref<128x128xf32, #tpu.memory_space<hbm>>) target_semaphore(%run_scoped3A : memref<!tpu.dma_semaphore, #tpu.memory_space<semaphore_mem>>)
      %dma_wait3A = arith.constant 0 : i32
      %dma_wait3A_48 = arith.constant 0 : i32
      %dma_wait3A_49 = tpu.memref_slice %arg11[%dma_wait3A, %dma_wait3A_48] : memref<128x128xf32, #tpu.memory_space<vmem>> -> memref<128x128xf32, #tpu.memory_space<vmem>>
      %dma_wait3A_50 = arith.constant 0 : i32
      %dma_wait3A_51 = tpu.memref_slice %arg5[%arg0, %add3A_34, %dma_wait3A_50] : memref<2x10112x128xf32, #tpu.memory_space<hbm>> -> memref<1x128x128xf32, #tpu.memory_space<hbm>>
      %dma_wait3A_52 = tpu.memref_squeeze %dma_wait3A_51 : memref<1x128x128xf32, #tpu.memory_space<hbm>> -> memref<128x128xf32, #tpu.memory_space<hbm>>
      %dma_wait3A_53 = arith.constant 0 : i32
      %dma_wait3A_54 = tpu.memref_slice %arg5[%arg0, %add3A_34, %dma_wait3A_53] : memref<2x10112x128xf32, #tpu.memory_space<hbm>> -> memref<1x128x128xf32, #tpu.memory_space<hbm>>
      %dma_wait3A_55 = tpu.memref_squeeze %dma_wait3A_54 : memref<1x128x128xf32, #tpu.memory_space<hbm>> -> memref<128x128xf32, #tpu.memory_space<hbm>>
      %dma_wait3A_56 = arith.constant 0 : i32
      %dma_wait3A_57 = arith.constant 0 : i32
      %dma_wait3A_58 = tpu.memref_slice %arg11[%dma_wait3A_56, %dma_wait3A_57] : memref<128x128xf32, #tpu.memory_space<vmem>> -> memref<128x128xf32, #tpu.memory_space<vmem>>
      tpu.wait_dma2 semaphore(%run_scoped3A : memref<!tpu.dma_semaphore, #tpu.memory_space<semaphore_mem>>) src(%dma_wait3A_58 : memref<128x128xf32, #tpu.memory_space<vmem>>) dst(%dma_wait3A_55 : memref<128x128xf32, #tpu.memory_space<hbm>>)
      tpu.yield
    }) : () -> ()
    %add3A_35 = arith.constant 512 : i32
    %add3A_36 = arith.addi %mul3A_0, %add3A_35 : i32
    "tpu.region"() ({
      %run_scoped3A = tpu.sem_alloc : memref<!tpu.dma_semaphore, #tpu.memory_space<semaphore_mem>>
      %dma_start3A = arith.constant 0 : i32
      %dma_start3A_37 = arith.constant 0 : i32
      %dma_start3A_38 = tpu.memref_slice %arg11[%dma_start3A, %dma_start3A_37] : memref<128x128xf32, #tpu.memory_space<vmem>> -> memref<120x128xf32, #tpu.memory_space<vmem>>
      %dma_start3A_39 = arith.constant 0 : i32
      %dma_start3A_40 = tpu.memref_slice %arg6[%add3A_36, %dma_start3A_39] : memref<10112x128xf32, #tpu.memory_space<vmem_shared>> -> memref<120x128xf32, #tpu.memory_space<vmem_shared>>
      %dma_start3A_41 = arith.constant 0 : i32
      %dma_start3A_42 = arith.constant 0 : i32
      %dma_start3A_43 = tpu.memref_slice %arg11[%dma_start3A_41, %dma_start3A_42] : memref<128x128xf32, #tpu.memory_space<vmem>> -> memref<120x128xf32, #tpu.memory_space<vmem>>
      %dma_start3A_44 = arith.constant 0 : i32
      %dma_start3A_45 = tpu.memref_slice %arg6[%add3A_36, %dma_start3A_44] : memref<10112x128xf32, #tpu.memory_space<vmem_shared>> -> memref<120x128xf32, #tpu.memory_space<vmem_shared>>
      tpu.enqueue_dma source(%dma_start3A_45 : memref<120x128xf32, #tpu.memory_space<vmem_shared>>) target(%dma_start3A_43 : memref<120x128xf32, #tpu.memory_space<vmem>>) target_semaphore(%run_scoped3A : memref<!tpu.dma_semaphore, #tpu.memory_space<semaphore_mem>>)
      %dma_wait3A = arith.constant 0 : i32
      %dma_wait3A_46 = arith.constant 0 : i32
      %dma_wait3A_47 = tpu.memref_slice %arg11[%dma_wait3A, %dma_wait3A_46] : memref<128x128xf32, #tpu.memory_space<vmem>> -> memref<120x128xf32, #tpu.memory_space<vmem>>
      %dma_wait3A_48 = arith.constant 0 : i32
      %dma_wait3A_49 = tpu.memref_slice %arg6[%add3A_36, %dma_wait3A_48] : memref<10112x128xf32, #tpu.memory_space<vmem_shared>> -> memref<120x128xf32, #tpu.memory_space<vmem_shared>>
      %dma_wait3A_50 = arith.constant 0 : i32
      %dma_wait3A_51 = arith.constant 0 : i32
      %dma_wait3A_52 = tpu.memref_slice %arg11[%dma_wait3A_50, %dma_wait3A_51] : memref<128x128xf32, #tpu.memory_space<vmem>> -> memref<120x128xf32, #tpu.memory_space<vmem>>
      %dma_wait3A_53 = arith.constant 0 : i32
      %dma_wait3A_54 = tpu.memref_slice %arg6[%add3A_36, %dma_wait3A_53] : memref<10112x128xf32, #tpu.memory_space<vmem_shared>> -> memref<120x128xf32, #tpu.memory_space<vmem_shared>>
      tpu.wait_dma2 semaphore(%run_scoped3A : memref<!tpu.dma_semaphore, #tpu.memory_space<semaphore_mem>>) src(%dma_wait3A_54 : memref<120x128xf32, #tpu.memory_space<vmem_shared>>) dst(%dma_wait3A_52 : memref<120x128xf32, #tpu.memory_space<vmem>>)
      tpu.yield
    }) : () -> ()
    "tpu.region"() ({
      %run_scoped3A = tpu.sem_alloc : memref<!tpu.dma_semaphore, #tpu.memory_space<semaphore_mem>>
      %dma_start3A = arith.constant 0 : i32
      %dma_start3A_37 = arith.constant 0 : i32
      %dma_start3A_38 = tpu.memref_slice %arg11[%dma_start3A, %dma_start3A_37] : memref<128x128xf32, #tpu.memory_space<vmem>> -> memref<120x128xf32, #tpu.memory_space<vmem>>
      %dma_start3A_39 = arith.constant 0 : i32
      %dma_start3A_40 = tpu.memref_slice %arg5[%arg0, %add3A_36, %dma_start3A_39] : memref<2x10112x128xf32, #tpu.memory_space<hbm>> -> memref<1x120x128xf32, #tpu.memory_space<hbm>>
      %dma_start3A_41 = tpu.memref_squeeze %dma_start3A_40 : memref<1x120x128xf32, #tpu.memory_space<hbm>> -> memref<120x128xf32, #tpu.memory_space<hbm>>
      %dma_start3A_42 = arith.constant 0 : i32
      %dma_start3A_43 = tpu.memref_slice %arg5[%arg0, %add3A_36, %dma_start3A_42] : memref<2x10112x128xf32, #tpu.memory_space<hbm>> -> memref<1x120x128xf32, #tpu.memory_space<hbm>>
      %dma_start3A_44 = tpu.memref_squeeze %dma_start3A_43 : memref<1x120x128xf32, #tpu.memory_space<hbm>> -> memref<120x128xf32, #tpu.memory_space<hbm>>
      %dma_start3A_45 = arith.constant 0 : i32
      %dma_start3A_46 = arith.constant 0 : i32
      %dma_start3A_47 = tpu.memref_slice %arg11[%dma_start3A_45, %dma_start3A_46] : memref<128x128xf32, #tpu.memory_space<vmem>> -> memref<120x128xf32, #tpu.memory_space<vmem>>
      tpu.enqueue_dma source(%dma_start3A_47 : memref<120x128xf32, #tpu.memory_space<vmem>>) target(%dma_start3A_44 : memref<120x128xf32, #tpu.memory_space<hbm>>) target_semaphore(%run_scoped3A : memref<!tpu.dma_semaphore, #tpu.memory_space<semaphore_mem>>)
      %dma_wait3A = arith.constant 0 : i32
      %dma_wait3A_48 = arith.constant 0 : i32
      %dma_wait3A_49 = tpu.memref_slice %arg11[%dma_wait3A, %dma_wait3A_48] : memref<128x128xf32, #tpu.memory_space<vmem>> -> memref<120x128xf32, #tpu.memory_space<vmem>>
      %dma_wait3A_50 = arith.constant 0 : i32
      %dma_wait3A_51 = tpu.memref_slice %arg5[%arg0, %add3A_36, %dma_wait3A_50] : memref<2x10112x128xf32, #tpu.memory_space<hbm>> -> memref<1x120x128xf32, #tpu.memory_space<hbm>>
      %dma_wait3A_52 = tpu.memref_squeeze %dma_wait3A_51 : memref<1x120x128xf32, #tpu.memory_space<hbm>> -> memref<120x128xf32, #tpu.memory_space<hbm>>
      %dma_wait3A_53 = arith.constant 0 : i32
      %dma_wait3A_54 = tpu.memref_slice %arg5[%arg0, %add3A_36, %dma_wait3A_53] : memref<2x10112x128xf32, #tpu.memory_space<hbm>> -> memref<1x120x128xf32, #tpu.memory_space<hbm>>
      %dma_wait3A_55 = tpu.memref_squeeze %dma_wait3A_54 : memref<1x120x128xf32, #tpu.memory_space<hbm>> -> memref<120x128xf32, #tpu.memory_space<hbm>>
      %dma_wait3A_56 = arith.constant 0 : i32
      %dma_wait3A_57 = arith.constant 0 : i32
      %dma_wait3A_58 = tpu.memref_slice %arg11[%dma_wait3A_56, %dma_wait3A_57] : memref<128x128xf32, #tpu.memory_space<vmem>> -> memref<120x128xf32, #tpu.memory_space<vmem>>
      tpu.wait_dma2 semaphore(%run_scoped3A : memref<!tpu.dma_semaphore, #tpu.memory_space<semaphore_mem>>) src(%dma_wait3A_58 : memref<120x128xf32, #tpu.memory_space<vmem>>) dst(%dma_wait3A_55 : memref<120x128xf32, #tpu.memory_space<hbm>>)
      tpu.yield
    }) : () -> ()
    return
  }
}

#map = affine_map<(d0, d1) -> (0, 0, 0, 0)>
#map1 = affine_map<(d0, d1) -> (0, 0)>
#map2 = affine_map<(d0, d1) -> (0, 0, 0)>
module attributes {stable_mosaic.version = 14 : i64} {
  func.func @_sc2_body(%arg0: i32, %arg1: i32, %arg2: memref<2x16x81x128xi32, #tpu.memory_space<hbm>>, %arg3: memref<2x16x81x128xi32, #tpu.memory_space<hbm>>, %arg4: memref<10112x128xf32, #tpu.memory_space<hbm>>, %arg5: memref<2x10112x128xf32, #tpu.memory_space<hbm>>, %arg6: memref<10112x128xf32, #tpu.memory_space<vmem_shared>>, %arg7: memref<128xi32, #tpu.memory_space<vmem>>, %arg8: memref<128xi32, #tpu.memory_space<vmem>>, %arg9: memref<128x128xf32, #tpu.memory_space<vmem>>, %arg10: memref<128x128xf32, #tpu.memory_space<vmem>>, %arg11: memref<128x128xf32, #tpu.memory_space<vmem>>) attributes {dimension_semantics = [#tpu.dimension_semantics<core_parallel>, #tpu.dimension_semantics<subcore_parallel>], iteration_bounds = array<i64: 2, 16>, scalar_prefetch = 0 : i64, scratch_operands = 6 : i64, tpu.core_type = #tpu.core_type<sc_vector_subcore>, window_params = [{transform_indices = #map}, {transform_indices = #map}, {transform_indices = #map1}, {transform_indices = #map2}]} {
    %mul3A = arith.constant 632 : i32
    %mul3A_0 = arith.muli %arg1, %mul3A : i32
    %broadcast_in_dim3A = arith.constant 0.000000e+00 : f32
    %broadcast_in_dim3A_1 = vector.broadcast %broadcast_in_dim3A : f32 to vector<16xf32>
    %scan3A = arith.constant 0 : i32
    %scan3A_2 = arith.constant 0 : i32
    %scan3A_3 = arith.constant 128 : i32
    %scan3A_4 = arith.addi %scan3A_2, %scan3A_3 : i32
    %scan3A_5 = arith.constant 1 : i32
    scf.for %scan3A_33 = %scan3A_2 to %scan3A_4 step %scan3A_5  : i32 {
      %swap3A = arith.index_cast %scan3A_33 : i32 to index
      %swap3A_34 = arith.constant 0 : index
      %swap3A_35 = tpu.vector_load %arg11[%swap3A, %swap3A_34] {strides = array<i32>} : memref<128x128xf32, #tpu.memory_space<vmem>>, vector<1x16xf32>,
      %swap3A_36 = vector.shape_cast %swap3A_35 : vector<1x16xf32> to vector<16xf32>
      %swap3A_37 = vector.shape_cast %broadcast_in_dim3A_1 : vector<16xf32> to vector<1x16xf32>
      tpu.vector_store %arg11[%swap3A, %swap3A_34], %swap3A_37 {strides = array<i32>} : memref<128x128xf32, #tpu.memory_space<vmem>>, vector<1x16xf32>,
      %swap3A_38 = arith.index_cast %scan3A_33 : i32 to index
      %swap3A_39 = arith.constant 16 : index
      %swap3A_40 = tpu.vector_load %arg11[%swap3A_38, %swap3A_39] {strides = array<i32>} : memref<128x128xf32, #tpu.memory_space<vmem>>, vector<1x16xf32>,
      %swap3A_41 = vector.shape_cast %swap3A_40 : vector<1x16xf32> to vector<16xf32>
      %swap3A_42 = vector.shape_cast %broadcast_in_dim3A_1 : vector<16xf32> to vector<1x16xf32>
      tpu.vector_store %arg11[%swap3A_38, %swap3A_39], %swap3A_42 {strides = array<i32>} : memref<128x128xf32, #tpu.memory_space<vmem>>, vector<1x16xf32>,
      %swap3A_43 = arith.index_cast %scan3A_33 : i32 to index
      %swap3A_44 = arith.constant 32 : index
      %swap3A_45 = tpu.vector_load %arg11[%swap3A_43, %swap3A_44] {strides = array<i32>} : memref<128x128xf32, #tpu.memory_space<vmem>>, vector<1x16xf32>,
      %swap3A_46 = vector.shape_cast %swap3A_45 : vector<1x16xf32> to vector<16xf32>
      %swap3A_47 = vector.shape_cast %broadcast_in_dim3A_1 : vector<16xf32> to vector<1x16xf32>
      tpu.vector_store %arg11[%swap3A_43, %swap3A_44], %swap3A_47 {strides = array<i32>} : memref<128x128xf32, #tpu.memory_space<vmem>>, vector<1x16xf32>,
      %swap3A_48 = arith.index_cast %scan3A_33 : i32 to index
      %swap3A_49 = arith.constant 48 : index
      %swap3A_50 = tpu.vector_load %arg11[%swap3A_48, %swap3A_49] {strides = array<i32>} : memref<128x128xf32, #tpu.memory_space<vmem>>, vector<1x16xf32>,
      %swap3A_51 = vector.shape_cast %swap3A_50 : vector<1x16xf32> to vector<16xf32>
      %swap3A_52 = vector.shape_cast %broadcast_in_dim3A_1 : vector<16xf32> to vector<1x16xf32>
      tpu.vector_store %arg11[%swap3A_48, %swap3A_49], %swap3A_52 {strides = array<i32>} : memref<128x128xf32, #tpu.memory_space<vmem>>, vector<1x16xf32>,
      %swap3A_53 = arith.index_cast %scan3A_33 : i32 to index
      %swap3A_54 = arith.constant 64 : index
      %swap3A_55 = tpu.vector_load %arg11[%swap3A_53, %swap3A_54] {strides = array<i32>} : memref<128x128xf32, #tpu.memory_space<vmem>>, vector<1x16xf32>,
      %swap3A_56 = vector.shape_cast %swap3A_55 : vector<1x16xf32> to vector<16xf32>
      %swap3A_57 = vector.shape_cast %broadcast_in_dim3A_1 : vector<16xf32> to vector<1x16xf32>
      tpu.vector_store %arg11[%swap3A_53, %swap3A_54], %swap3A_57 {strides = array<i32>} : memref<128x128xf32, #tpu.memory_space<vmem>>, vector<1x16xf32>,
      %swap3A_58 = arith.index_cast %scan3A_33 : i32 to index
      %swap3A_59 = arith.constant 80 : index
      %swap3A_60 = tpu.vector_load %arg11[%swap3A_58, %swap3A_59] {strides = array<i32>} : memref<128x128xf32, #tpu.memory_space<vmem>>, vector<1x16xf32>,
      %swap3A_61 = vector.shape_cast %swap3A_60 : vector<1x16xf32> to vector<16xf32>
      %swap3A_62 = vector.shape_cast %broadcast_in_dim3A_1 : vector<16xf32> to vector<1x16xf32>
      tpu.vector_store %arg11[%swap3A_58, %swap3A_59], %swap3A_62 {strides = array<i32>} : memref<128x128xf32, #tpu.memory_space<vmem>>, vector<1x16xf32>,
      %swap3A_63 = arith.index_cast %scan3A_33 : i32 to index
      %swap3A_64 = arith.constant 96 : index
      %swap3A_65 = tpu.vector_load %arg11[%swap3A_63, %swap3A_64] {strides = array<i32>} : memref<128x128xf32, #tpu.memory_space<vmem>>, vector<1x16xf32>,
      %swap3A_66 = vector.shape_cast %swap3A_65 : vector<1x16xf32> to vector<16xf32>
      %swap3A_67 = vector.shape_cast %broadcast_in_dim3A_1 : vector<16xf32> to vector<1x16xf32>
      tpu.vector_store %arg11[%swap3A_63, %swap3A_64], %swap3A_67 {strides = array<i32>} : memref<128x128xf32, #tpu.memory_space<vmem>>, vector<1x16xf32>,
      %swap3A_68 = arith.index_cast %scan3A_33 : i32 to index
      %swap3A_69 = arith.constant 112 : index
      %swap3A_70 = tpu.vector_load %arg11[%swap3A_68, %swap3A_69] {strides = array<i32>} : memref<128x128xf32, #tpu.memory_space<vmem>>, vector<1x16xf32>,
      %swap3A_71 = vector.shape_cast %swap3A_70 : vector<1x16xf32> to vector<16xf32>
      %swap3A_72 = vector.shape_cast %broadcast_in_dim3A_1 : vector<16xf32> to vector<1x16xf32>
      tpu.vector_store %arg11[%swap3A_68, %swap3A_69], %swap3A_72 {strides = array<i32>} : memref<128x128xf32, #tpu.memory_space<vmem>>, vector<1x16xf32>,
    }
    %scan3A_6 = arith.constant 128 : i32
    %add3A = arith.constant 0 : i32
    %add3A_7 = arith.addi %mul3A_0, %add3A : i32
    "tpu.region"() ({
      %run_scoped3A = tpu.sem_alloc : memref<!tpu.dma_semaphore, #tpu.memory_space<semaphore_mem>>
      %dma_start3A = arith.constant 0 : i32
      %dma_start3A_33 = arith.constant 0 : i32
      %dma_start3A_34 = tpu.memref_slice %arg11[%dma_start3A, %dma_start3A_33] : memref<128x128xf32, #tpu.memory_space<vmem>> -> memref<128x128xf32, #tpu.memory_space<vmem>>
      %dma_start3A_35 = arith.constant 0 : i32
      %dma_start3A_36 = tpu.memref_slice %arg6[%add3A_7, %dma_start3A_35] : memref<10112x128xf32, #tpu.memory_space<vmem_shared>> -> memref<128x128xf32, #tpu.memory_space<vmem_shared>>
      %dma_start3A_37 = arith.constant 0 : i32
      %dma_start3A_38 = tpu.memref_slice %arg6[%add3A_7, %dma_start3A_37] : memref<10112x128xf32, #tpu.memory_space<vmem_shared>> -> memref<128x128xf32, #tpu.memory_space<vmem_shared>>
      %dma_start3A_39 = arith.constant 0 : i32
      %dma_start3A_40 = arith.constant 0 : i32
      %dma_start3A_41 = tpu.memref_slice %arg11[%dma_start3A_39, %dma_start3A_40] : memref<128x128xf32, #tpu.memory_space<vmem>> -> memref<128x128xf32, #tpu.memory_space<vmem>>
      tpu.enqueue_dma source(%dma_start3A_41 : memref<128x128xf32, #tpu.memory_space<vmem>>) target(%dma_start3A_38 : memref<128x128xf32, #tpu.memory_space<vmem_shared>>) target_semaphore(%run_scoped3A : memref<!tpu.dma_semaphore, #tpu.memory_space<semaphore_mem>>)
      %dma_wait3A = arith.constant 0 : i32
      %dma_wait3A_42 = arith.constant 0 : i32
      %dma_wait3A_43 = tpu.memref_slice %arg11[%dma_wait3A, %dma_wait3A_42] : memref<128x128xf32, #tpu.memory_space<vmem>> -> memref<128x128xf32, #tpu.memory_space<vmem>>
      %dma_wait3A_44 = arith.constant 0 : i32
      %dma_wait3A_45 = tpu.memref_slice %arg6[%add3A_7, %dma_wait3A_44] : memref<10112x128xf32, #tpu.memory_space<vmem_shared>> -> memref<128x128xf32, #tpu.memory_space<vmem_shared>>
      %dma_wait3A_46 = arith.constant 0 : i32
      %dma_wait3A_47 = tpu.memref_slice %arg6[%add3A_7, %dma_wait3A_46] : memref<10112x128xf32, #tpu.memory_space<vmem_shared>> -> memref<128x128xf32, #tpu.memory_space<vmem_shared>>
      %dma_wait3A_48 = arith.constant 0 : i32
      %dma_wait3A_49 = arith.constant 0 : i32
      %dma_wait3A_50 = tpu.memref_slice %arg11[%dma_wait3A_48, %dma_wait3A_49] : memref<128x128xf32, #tpu.memory_space<vmem>> -> memref<128x128xf32, #tpu.memory_space<vmem>>
      tpu.wait_dma2 semaphore(%run_scoped3A : memref<!tpu.dma_semaphore, #tpu.memory_space<semaphore_mem>>) src(%dma_wait3A_50 : memref<128x128xf32, #tpu.memory_space<vmem>>) dst(%dma_wait3A_47 : memref<128x128xf32, #tpu.memory_space<vmem_shared>>)
      tpu.yield
    }) : () -> ()
    %add3A_8 = arith.constant 128 : i32
    %add3A_9 = arith.addi %mul3A_0, %add3A_8 : i32
    "tpu.region"() ({
      %run_scoped3A = tpu.sem_alloc : memref<!tpu.dma_semaphore, #tpu.memory_space<semaphore_mem>>
      %dma_start3A = arith.constant 0 : i32
      %dma_start3A_33 = arith.constant 0 : i32
      %dma_start3A_34 = tpu.memref_slice %arg11[%dma_start3A, %dma_start3A_33] : memref<128x128xf32, #tpu.memory_space<vmem>> -> memref<128x128xf32, #tpu.memory_space<vmem>>
      %dma_start3A_35 = arith.constant 0 : i32
      %dma_start3A_36 = tpu.memref_slice %arg6[%add3A_9, %dma_start3A_35] : memref<10112x128xf32, #tpu.memory_space<vmem_shared>> -> memref<128x128xf32, #tpu.memory_space<vmem_shared>>
      %dma_start3A_37 = arith.constant 0 : i32
      %dma_start3A_38 = tpu.memref_slice %arg6[%add3A_9, %dma_start3A_37] : memref<10112x128xf32, #tpu.memory_space<vmem_shared>> -> memref<128x128xf32, #tpu.memory_space<vmem_shared>>
      %dma_start3A_39 = arith.constant 0 : i32
      %dma_start3A_40 = arith.constant 0 : i32
      %dma_start3A_41 = tpu.memref_slice %arg11[%dma_start3A_39, %dma_start3A_40] : memref<128x128xf32, #tpu.memory_space<vmem>> -> memref<128x128xf32, #tpu.memory_space<vmem>>
      tpu.enqueue_dma source(%dma_start3A_41 : memref<128x128xf32, #tpu.memory_space<vmem>>) target(%dma_start3A_38 : memref<128x128xf32, #tpu.memory_space<vmem_shared>>) target_semaphore(%run_scoped3A : memref<!tpu.dma_semaphore, #tpu.memory_space<semaphore_mem>>)
      %dma_wait3A = arith.constant 0 : i32
      %dma_wait3A_42 = arith.constant 0 : i32
      %dma_wait3A_43 = tpu.memref_slice %arg11[%dma_wait3A, %dma_wait3A_42] : memref<128x128xf32, #tpu.memory_space<vmem>> -> memref<128x128xf32, #tpu.memory_space<vmem>>
      %dma_wait3A_44 = arith.constant 0 : i32
      %dma_wait3A_45 = tpu.memref_slice %arg6[%add3A_9, %dma_wait3A_44] : memref<10112x128xf32, #tpu.memory_space<vmem_shared>> -> memref<128x128xf32, #tpu.memory_space<vmem_shared>>
      %dma_wait3A_46 = arith.constant 0 : i32
      %dma_wait3A_47 = tpu.memref_slice %arg6[%add3A_9, %dma_wait3A_46] : memref<10112x128xf32, #tpu.memory_space<vmem_shared>> -> memref<128x128xf32, #tpu.memory_space<vmem_shared>>
      %dma_wait3A_48 = arith.constant 0 : i32
      %dma_wait3A_49 = arith.constant 0 : i32
      %dma_wait3A_50 = tpu.memref_slice %arg11[%dma_wait3A_48, %dma_wait3A_49] : memref<128x128xf32, #tpu.memory_space<vmem>> -> memref<128x128xf32, #tpu.memory_space<vmem>>
      tpu.wait_dma2 semaphore(%run_scoped3A : memref<!tpu.dma_semaphore, #tpu.memory_space<semaphore_mem>>) src(%dma_wait3A_50 : memref<128x128xf32, #tpu.memory_space<vmem>>) dst(%dma_wait3A_47 : memref<128x128xf32, #tpu.memory_space<vmem_shared>>)
      tpu.yield
    }) : () -> ()
    %add3A_10 = arith.constant 256 : i32
    %add3A_11 = arith.addi %mul3A_0, %add3A_10 : i32
    "tpu.region"() ({
      %run_scoped3A = tpu.sem_alloc : memref<!tpu.dma_semaphore, #tpu.memory_space<semaphore_mem>>
      %dma_start3A = arith.constant 0 : i32
      %dma_start3A_33 = arith.constant 0 : i32
      %dma_start3A_34 = tpu.memref_slice %arg11[%dma_start3A, %dma_start3A_33] : memref<128x128xf32, #tpu.memory_space<vmem>> -> memref<128x128xf32, #tpu.memory_space<vmem>>
      %dma_start3A_35 = arith.constant 0 : i32
      %dma_start3A_36 = tpu.memref_slice %arg6[%add3A_11, %dma_start3A_35] : memref<10112x128xf32, #tpu.memory_space<vmem_shared>> -> memref<128x128xf32, #tpu.memory_space<vmem_shared>>
      %dma_start3A_37 = arith.constant 0 : i32
      %dma_start3A_38 = tpu.memref_slice %arg6[%add3A_11, %dma_start3A_37] : memref<10112x128xf32, #tpu.memory_space<vmem_shared>> -> memref<128x128xf32, #tpu.memory_space<vmem_shared>>
      %dma_start3A_39 = arith.constant 0 : i32
      %dma_start3A_40 = arith.constant 0 : i32
      %dma_start3A_41 = tpu.memref_slice %arg11[%dma_start3A_39, %dma_start3A_40] : memref<128x128xf32, #tpu.memory_space<vmem>> -> memref<128x128xf32, #tpu.memory_space<vmem>>
      tpu.enqueue_dma source(%dma_start3A_41 : memref<128x128xf32, #tpu.memory_space<vmem>>) target(%dma_start3A_38 : memref<128x128xf32, #tpu.memory_space<vmem_shared>>) target_semaphore(%run_scoped3A : memref<!tpu.dma_semaphore, #tpu.memory_space<semaphore_mem>>)
      %dma_wait3A = arith.constant 0 : i32
      %dma_wait3A_42 = arith.constant 0 : i32
      %dma_wait3A_43 = tpu.memref_slice %arg11[%dma_wait3A, %dma_wait3A_42] : memref<128x128xf32, #tpu.memory_space<vmem>> -> memref<128x128xf32, #tpu.memory_space<vmem>>
      %dma_wait3A_44 = arith.constant 0 : i32
      %dma_wait3A_45 = tpu.memref_slice %arg6[%add3A_11, %dma_wait3A_44] : memref<10112x128xf32, #tpu.memory_space<vmem_shared>> -> memref<128x128xf32, #tpu.memory_space<vmem_shared>>
      %dma_wait3A_46 = arith.constant 0 : i32
      %dma_wait3A_47 = tpu.memref_slice %arg6[%add3A_11, %dma_wait3A_46] : memref<10112x128xf32, #tpu.memory_space<vmem_shared>> -> memref<128x128xf32, #tpu.memory_space<vmem_shared>>
      %dma_wait3A_48 = arith.constant 0 : i32
      %dma_wait3A_49 = arith.constant 0 : i32
      %dma_wait3A_50 = tpu.memref_slice %arg11[%dma_wait3A_48, %dma_wait3A_49] : memref<128x128xf32, #tpu.memory_space<vmem>> -> memref<128x128xf32, #tpu.memory_space<vmem>>
      tpu.wait_dma2 semaphore(%run_scoped3A : memref<!tpu.dma_semaphore, #tpu.memory_space<semaphore_mem>>) src(%dma_wait3A_50 : memref<128x128xf32, #tpu.memory_space<vmem>>) dst(%dma_wait3A_47 : memref<128x128xf32, #tpu.memory_space<vmem_shared>>)
      tpu.yield
    }) : () -> ()
    %add3A_12 = arith.constant 384 : i32
    %add3A_13 = arith.addi %mul3A_0, %add3A_12 : i32
    "tpu.region"() ({
      %run_scoped3A = tpu.sem_alloc : memref<!tpu.dma_semaphore, #tpu.memory_space<semaphore_mem>>
      %dma_start3A = arith.constant 0 : i32
      %dma_start3A_33 = arith.constant 0 : i32
      %dma_start3A_34 = tpu.memref_slice %arg11[%dma_start3A, %dma_start3A_33] : memref<128x128xf32, #tpu.memory_space<vmem>> -> memref<128x128xf32, #tpu.memory_space<vmem>>
      %dma_start3A_35 = arith.constant 0 : i32
      %dma_start3A_36 = tpu.memref_slice %arg6[%add3A_13, %dma_start3A_35] : memref<10112x128xf32, #tpu.memory_space<vmem_shared>> -> memref<128x128xf32, #tpu.memory_space<vmem_shared>>
      %dma_start3A_37 = arith.constant 0 : i32
      %dma_start3A_38 = tpu.memref_slice %arg6[%add3A_13, %dma_start3A_37] : memref<10112x128xf32, #tpu.memory_space<vmem_shared>> -> memref<128x128xf32, #tpu.memory_space<vmem_shared>>
      %dma_start3A_39 = arith.constant 0 : i32
      %dma_start3A_40 = arith.constant 0 : i32
      %dma_start3A_41 = tpu.memref_slice %arg11[%dma_start3A_39, %dma_start3A_40] : memref<128x128xf32, #tpu.memory_space<vmem>> -> memref<128x128xf32, #tpu.memory_space<vmem>>
      tpu.enqueue_dma source(%dma_start3A_41 : memref<128x128xf32, #tpu.memory_space<vmem>>) target(%dma_start3A_38 : memref<128x128xf32, #tpu.memory_space<vmem_shared>>) target_semaphore(%run_scoped3A : memref<!tpu.dma_semaphore, #tpu.memory_space<semaphore_mem>>)
      %dma_wait3A = arith.constant 0 : i32
      %dma_wait3A_42 = arith.constant 0 : i32
      %dma_wait3A_43 = tpu.memref_slice %arg11[%dma_wait3A, %dma_wait3A_42] : memref<128x128xf32, #tpu.memory_space<vmem>> -> memref<128x128xf32, #tpu.memory_space<vmem>>
      %dma_wait3A_44 = arith.constant 0 : i32
      %dma_wait3A_45 = tpu.memref_slice %arg6[%add3A_13, %dma_wait3A_44] : memref<10112x128xf32, #tpu.memory_space<vmem_shared>> -> memref<128x128xf32, #tpu.memory_space<vmem_shared>>
      %dma_wait3A_46 = arith.constant 0 : i32
      %dma_wait3A_47 = tpu.memref_slice %arg6[%add3A_13, %dma_wait3A_46] : memref<10112x128xf32, #tpu.memory_space<vmem_shared>> -> memref<128x128xf32, #tpu.memory_space<vmem_shared>>
      %dma_wait3A_48 = arith.constant 0 : i32
      %dma_wait3A_49 = arith.constant 0 : i32
      %dma_wait3A_50 = tpu.memref_slice %arg11[%dma_wait3A_48, %dma_wait3A_49] : memref<128x128xf32, #tpu.memory_space<vmem>> -> memref<128x128xf32, #tpu.memory_space<vmem>>
      tpu.wait_dma2 semaphore(%run_scoped3A : memref<!tpu.dma_semaphore, #tpu.memory_space<semaphore_mem>>) src(%dma_wait3A_50 : memref<128x128xf32, #tpu.memory_space<vmem>>) dst(%dma_wait3A_47 : memref<128x128xf32, #tpu.memory_space<vmem_shared>>)
      tpu.yield
    }) : () -> ()
    %add3A_14 = arith.constant 512 : i32
    %add3A_15 = arith.addi %mul3A_0, %add3A_14 : i32
    "tpu.region"() ({
      %run_scoped3A = tpu.sem_alloc : memref<!tpu.dma_semaphore, #tpu.memory_space<semaphore_mem>>
      %dma_start3A = arith.constant 0 : i32
      %dma_start3A_33 = arith.constant 0 : i32
      %dma_start3A_34 = tpu.memref_slice %arg11[%dma_start3A, %dma_start3A_33] : memref<128x128xf32, #tpu.memory_space<vmem>> -> memref<120x128xf32, #tpu.memory_space<vmem>>
      %dma_start3A_35 = arith.constant 0 : i32
      %dma_start3A_36 = tpu.memref_slice %arg6[%add3A_15, %dma_start3A_35] : memref<10112x128xf32, #tpu.memory_space<vmem_shared>> -> memref<120x128xf32, #tpu.memory_space<vmem_shared>>
      %dma_start3A_37 = arith.constant 0 : i32
      %dma_start3A_38 = tpu.memref_slice %arg6[%add3A_15, %dma_start3A_37] : memref<10112x128xf32, #tpu.memory_space<vmem_shared>> -> memref<120x128xf32, #tpu.memory_space<vmem_shared>>
      %dma_start3A_39 = arith.constant 0 : i32
      %dma_start3A_40 = arith.constant 0 : i32
      %dma_start3A_41 = tpu.memref_slice %arg11[%dma_start3A_39, %dma_start3A_40] : memref<128x128xf32, #tpu.memory_space<vmem>> -> memref<120x128xf32, #tpu.memory_space<vmem>>
      tpu.enqueue_dma source(%dma_start3A_41 : memref<120x128xf32, #tpu.memory_space<vmem>>) target(%dma_start3A_38 : memref<120x128xf32, #tpu.memory_space<vmem_shared>>) target_semaphore(%run_scoped3A : memref<!tpu.dma_semaphore, #tpu.memory_space<semaphore_mem>>)
      %dma_wait3A = arith.constant 0 : i32
      %dma_wait3A_42 = arith.constant 0 : i32
      %dma_wait3A_43 = tpu.memref_slice %arg11[%dma_wait3A, %dma_wait3A_42] : memref<128x128xf32, #tpu.memory_space<vmem>> -> memref<120x128xf32, #tpu.memory_space<vmem>>
      %dma_wait3A_44 = arith.constant 0 : i32
      %dma_wait3A_45 = tpu.memref_slice %arg6[%add3A_15, %dma_wait3A_44] : memref<10112x128xf32, #tpu.memory_space<vmem_shared>> -> memref<120x128xf32, #tpu.memory_space<vmem_shared>>
      %dma_wait3A_46 = arith.constant 0 : i32
      %dma_wait3A_47 = tpu.memref_slice %arg6[%add3A_15, %dma_wait3A_46] : memref<10112x128xf32, #tpu.memory_space<vmem_shared>> -> memref<120x128xf32, #tpu.memory_space<vmem_shared>>
      %dma_wait3A_48 = arith.constant 0 : i32
      %dma_wait3A_49 = arith.constant 0 : i32
      %dma_wait3A_50 = tpu.memref_slice %arg11[%dma_wait3A_48, %dma_wait3A_49] : memref<128x128xf32, #tpu.memory_space<vmem>> -> memref<120x128xf32, #tpu.memory_space<vmem>>
      tpu.wait_dma2 semaphore(%run_scoped3A : memref<!tpu.dma_semaphore, #tpu.memory_space<semaphore_mem>>) src(%dma_wait3A_50 : memref<120x128xf32, #tpu.memory_space<vmem>>) dst(%dma_wait3A_47 : memref<120x128xf32, #tpu.memory_space<vmem_shared>>)
      tpu.yield
    }) : () -> ()
    %barrier3A = arith.constant 0 : index
    tpu.barrier barrier_id(%barrier3A)
    %scan3A_16 = arith.constant 0 : i32
    %scan3A_17 = arith.constant 0 : i32
    %scan3A_18 = arith.constant 81 : i32
    %scan3A_19 = arith.addi %scan3A_17, %scan3A_18 : i32
    %scan3A_20 = arith.constant 1 : i32
    scf.for %scan3A_33 = %scan3A_17 to %scan3A_19 step %scan3A_20  : i32 {
      "tpu.region"() ({
        %run_scoped3A = tpu.sem_alloc : memref<!tpu.dma_semaphore, #tpu.memory_space<semaphore_mem>>
        %dma_start3A = arith.constant 0 : i32
        %dma_start3A_40 = tpu.memref_slice %arg2[%arg0, %arg1, %scan3A_33, %dma_start3A] : memref<2x16x81x128xi32, #tpu.memory_space<hbm>> -> memref<1x1x1x128xi32, #tpu.memory_space<hbm>>
        %dma_start3A_41 = tpu.memref_squeeze %dma_start3A_40 : memref<1x1x1x128xi32, #tpu.memory_space<hbm>> -> memref<128xi32, #tpu.memory_space<hbm>>
        %dma_start3A_42 = arith.constant 0 : i32
        %dma_start3A_43 = tpu.memref_slice %arg2[%arg0, %arg1, %scan3A_33, %dma_start3A_42] : memref<2x16x81x128xi32, #tpu.memory_space<hbm>> -> memref<1x1x1x128xi32, #tpu.memory_space<hbm>>
        %dma_start3A_44 = tpu.memref_squeeze %dma_start3A_43 : memref<1x1x1x128xi32, #tpu.memory_space<hbm>> -> memref<128xi32, #tpu.memory_space<hbm>>
        tpu.enqueue_dma source(%dma_start3A_44 : memref<128xi32, #tpu.memory_space<hbm>>) target(%arg7 : memref<128xi32, #tpu.memory_space<vmem>>) target_semaphore(%run_scoped3A : memref<!tpu.dma_semaphore, #tpu.memory_space<semaphore_mem>>)
        %dma_wait3A = arith.constant 0 : i32
        %dma_wait3A_45 = tpu.memref_slice %arg2[%arg0, %arg1, %scan3A_33, %dma_wait3A] : memref<2x16x81x128xi32, #tpu.memory_space<hbm>> -> memref<1x1x1x128xi32, #tpu.memory_space<hbm>>
        %dma_wait3A_46 = tpu.memref_squeeze %dma_wait3A_45 : memref<1x1x1x128xi32, #tpu.memory_space<hbm>> -> memref<128xi32, #tpu.memory_space<hbm>>
        %dma_wait3A_47 = arith.constant 0 : i32
        %dma_wait3A_48 = tpu.memref_slice %arg2[%arg0, %arg1, %scan3A_33, %dma_wait3A_47] : memref<2x16x81x128xi32, #tpu.memory_space<hbm>> -> memref<1x1x1x128xi32, #tpu.memory_space<hbm>>
        %dma_wait3A_49 = tpu.memref_squeeze %dma_wait3A_48 : memref<1x1x1x128xi32, #tpu.memory_space<hbm>> -> memref<128xi32, #tpu.memory_space<hbm>>
        tpu.wait_dma2 semaphore(%run_scoped3A : memref<!tpu.dma_semaphore, #tpu.memory_space<semaphore_mem>>) src(%dma_wait3A_49 : memref<128xi32, #tpu.memory_space<hbm>>) dst(%arg7 : memref<128xi32, #tpu.memory_space<vmem>>)
        tpu.yield
      }) : () -> ()
      "tpu.region"() ({
        %run_scoped3A = tpu.sem_alloc : memref<!tpu.dma_semaphore, #tpu.memory_space<semaphore_mem>>
        %dma_start3A = arith.constant 0 : i32
        %dma_start3A_40 = tpu.memref_slice %arg3[%arg0, %arg1, %scan3A_33, %dma_start3A] : memref<2x16x81x128xi32, #tpu.memory_space<hbm>> -> memref<1x1x1x128xi32, #tpu.memory_space<hbm>>
        %dma_start3A_41 = tpu.memref_squeeze %dma_start3A_40 : memref<1x1x1x128xi32, #tpu.memory_space<hbm>> -> memref<128xi32, #tpu.memory_space<hbm>>
        %dma_start3A_42 = arith.constant 0 : i32
        %dma_start3A_43 = tpu.memref_slice %arg3[%arg0, %arg1, %scan3A_33, %dma_start3A_42] : memref<2x16x81x128xi32, #tpu.memory_space<hbm>> -> memref<1x1x1x128xi32, #tpu.memory_space<hbm>>
        %dma_start3A_44 = tpu.memref_squeeze %dma_start3A_43 : memref<1x1x1x128xi32, #tpu.memory_space<hbm>> -> memref<128xi32, #tpu.memory_space<hbm>>
        tpu.enqueue_dma source(%dma_start3A_44 : memref<128xi32, #tpu.memory_space<hbm>>) target(%arg8 : memref<128xi32, #tpu.memory_space<vmem>>) target_semaphore(%run_scoped3A : memref<!tpu.dma_semaphore, #tpu.memory_space<semaphore_mem>>)
        %dma_wait3A = arith.constant 0 : i32
        %dma_wait3A_45 = tpu.memref_slice %arg3[%arg0, %arg1, %scan3A_33, %dma_wait3A] : memref<2x16x81x128xi32, #tpu.memory_space<hbm>> -> memref<1x1x1x128xi32, #tpu.memory_space<hbm>>
        %dma_wait3A_46 = tpu.memref_squeeze %dma_wait3A_45 : memref<1x1x1x128xi32, #tpu.memory_space<hbm>> -> memref<128xi32, #tpu.memory_space<hbm>>
        %dma_wait3A_47 = arith.constant 0 : i32
        %dma_wait3A_48 = tpu.memref_slice %arg3[%arg0, %arg1, %scan3A_33, %dma_wait3A_47] : memref<2x16x81x128xi32, #tpu.memory_space<hbm>> -> memref<1x1x1x128xi32, #tpu.memory_space<hbm>>
        %dma_wait3A_49 = tpu.memref_squeeze %dma_wait3A_48 : memref<1x1x1x128xi32, #tpu.memory_space<hbm>> -> memref<128xi32, #tpu.memory_space<hbm>>
        tpu.wait_dma2 semaphore(%run_scoped3A : memref<!tpu.dma_semaphore, #tpu.memory_space<semaphore_mem>>) src(%dma_wait3A_49 : memref<128xi32, #tpu.memory_space<hbm>>) dst(%arg8 : memref<128xi32, #tpu.memory_space<vmem>>)
        tpu.yield
      }) : () -> ()
      "tpu.region"() ({
        %run_scoped3A = tpu.sem_alloc : memref<!tpu.dma_semaphore, #tpu.memory_space<semaphore_mem>>
        %dma_start3A = arith.constant 0 : i32
        %dma_start3A_40 = arith.constant 0 : i32
        %dma_start3A_41 = tpu.memref_slice %arg4[%dma_start3A, %dma_start3A_40] : memref<10112x128xf32, #tpu.memory_space<hbm>> -> memref<10112x128xf32, #tpu.memory_space<hbm>>
        tpu.enqueue_indirect_dma source(%dma_start3A_41 : memref<10112x128xf32, #tpu.memory_space<hbm>>) target(%arg9 : memref<128x128xf32, #tpu.memory_space<vmem>>) offsets(%arg7 : memref<128xi32, #tpu.memory_space<vmem>>) semaphore(%run_scoped3A : memref<!tpu.dma_semaphore, #tpu.memory_space<semaphore_mem>>)
        %dma_wait3A = arith.constant 0 : i32
        %dma_wait3A_42 = arith.constant 0 : i32
        %dma_wait3A_43 = tpu.memref_slice %arg4[%dma_wait3A, %dma_wait3A_42] : memref<10112x128xf32, #tpu.memory_space<hbm>> -> memref<10112x128xf32, #tpu.memory_space<hbm>>
        tpu.wait_indirect_dma semaphore(%run_scoped3A : memref<!tpu.dma_semaphore, #tpu.memory_space<semaphore_mem>>) src(%dma_wait3A_43 : memref<10112x128xf32, #tpu.memory_space<hbm>>) dst(%arg9 : memref<128x128xf32, #tpu.memory_space<vmem>>)
        tpu.yield
      }) : () -> ()
      "tpu.region"() ({
        %run_scoped3A = tpu.sem_alloc : memref<!tpu.dma_semaphore, #tpu.memory_space<semaphore_mem>>
        %dma_start3A = arith.constant 0 : i32
        %dma_start3A_40 = arith.constant 0 : i32
        %dma_start3A_41 = tpu.memref_slice %arg4[%dma_start3A, %dma_start3A_40] : memref<10112x128xf32, #tpu.memory_space<hbm>> -> memref<10112x128xf32, #tpu.memory_space<hbm>>
        tpu.enqueue_indirect_dma source(%dma_start3A_41 : memref<10112x128xf32, #tpu.memory_space<hbm>>) target(%arg10 : memref<128x128xf32, #tpu.memory_space<vmem>>) offsets(%arg8 : memref<128xi32, #tpu.memory_space<vmem>>) semaphore(%run_scoped3A : memref<!tpu.dma_semaphore, #tpu.memory_space<semaphore_mem>>)
        %dma_wait3A = arith.constant 0 : i32
        %dma_wait3A_42 = arith.constant 0 : i32
        %dma_wait3A_43 = tpu.memref_slice %arg4[%dma_wait3A, %dma_wait3A_42] : memref<10112x128xf32, #tpu.memory_space<hbm>> -> memref<10112x128xf32, #tpu.memory_space<hbm>>
        tpu.wait_indirect_dma semaphore(%run_scoped3A : memref<!tpu.dma_semaphore, #tpu.memory_space<semaphore_mem>>) src(%dma_wait3A_43 : memref<10112x128xf32, #tpu.memory_space<hbm>>) dst(%arg10 : memref<128x128xf32, #tpu.memory_space<vmem>>)
        tpu.yield
      }) : () -> ()
      %scan3A_34 = arith.constant 0 : i32
      %scan3A_35 = arith.constant 0 : i32
      %scan3A_36 = arith.constant 128 : i32
      %scan3A_37 = arith.addi %scan3A_35, %scan3A_36 : i32
      %scan3A_38 = arith.constant 1 : i32
      scf.for %scan3A_40 = %scan3A_35 to %scan3A_37 step %scan3A_38  : i32 {
        %get3A = arith.index_cast %scan3A_40 : i32 to index
        %get3A_41 = arith.constant 16 : index
        %get3A_42 = tpu.vector_load %arg9[%get3A, %get3A_41] {strides = array<i32>} : memref<128x128xf32, #tpu.memory_space<vmem>>, vector<1x16xf32>,
        %get3A_43 = vector.shape_cast %get3A_42 : vector<1x16xf32> to vector<16xf32>
        %get3A_44 = arith.index_cast %scan3A_40 : i32 to index
        %get3A_45 = arith.constant 32 : index
        %get3A_46 = tpu.vector_load %arg10[%get3A_44, %get3A_45] {strides = array<i32>} : memref<128x128xf32, #tpu.memory_space<vmem>>, vector<1x16xf32>,
        %get3A_47 = vector.shape_cast %get3A_46 : vector<1x16xf32> to vector<16xf32>
        %add3A_48 = arith.addf %get3A_43, %get3A_47 : vector<16xf32>
        %mul3A_49 = arith.constant 2.000000e-01 : f32
        %mul3A_50 = vector.broadcast %mul3A_49 : f32 to vector<16xf32>
        %mul3A_51 = arith.mulf %mul3A_50, %add3A_48 : vector<16xf32>
        %max3A = arith.maximumf %add3A_48, %mul3A_51 : vector<16xf32>
        %exp3A = math.exp %max3A : vector<16xf32>
        %swap3A = arith.index_cast %scan3A_40 : i32 to index
        %swap3A_52 = arith.constant 16 : index
        %swap3A_53 = tpu.vector_load %arg11[%swap3A, %swap3A_52] {strides = array<i32>} : memref<128x128xf32, #tpu.memory_space<vmem>>, vector<1x16xf32>,
        %swap3A_54 = vector.shape_cast %swap3A_53 : vector<1x16xf32> to vector<16xf32>
        %swap3A_55 = vector.shape_cast %exp3A : vector<16xf32> to vector<1x16xf32>
        tpu.vector_store %arg11[%swap3A, %swap3A_52], %swap3A_55 {strides = array<i32>} : memref<128x128xf32, #tpu.memory_space<vmem>>, vector<1x16xf32>,
        %get3A_56 = arith.index_cast %scan3A_40 : i32 to index
        %get3A_57 = arith.constant 0 : index
        %get3A_58 = tpu.vector_load %arg9[%get3A_56, %get3A_57] {strides = array<i32>} : memref<128x128xf32, #tpu.memory_space<vmem>>, vector<1x16xf32>,
        %get3A_59 = vector.shape_cast %get3A_58 : vector<1x16xf32> to vector<16xf32>
        %mul3A_60 = arith.mulf %get3A_59, %exp3A : vector<16xf32>
        %swap3A_61 = arith.index_cast %scan3A_40 : i32 to index
        %swap3A_62 = arith.constant 0 : index
        %swap3A_63 = tpu.vector_load %arg11[%swap3A_61, %swap3A_62] {strides = array<i32>} : memref<128x128xf32, #tpu.memory_space<vmem>>, vector<1x16xf32>,
        %swap3A_64 = vector.shape_cast %swap3A_63 : vector<1x16xf32> to vector<16xf32>
        %swap3A_65 = vector.shape_cast %mul3A_60 : vector<16xf32> to vector<1x16xf32>
        tpu.vector_store %arg11[%swap3A_61, %swap3A_62], %swap3A_65 {strides = array<i32>} : memref<128x128xf32, #tpu.memory_space<vmem>>, vector<1x16xf32>,
      }
      %scan3A_39 = arith.constant 128 : i32
      "tpu.region"() ({
        %run_scoped3A = tpu.sem_alloc : memref<!tpu.dma_semaphore, #tpu.memory_space<semaphore_mem>>
        %dma_start3A = arith.constant 0 : i32
        %dma_start3A_40 = arith.constant 0 : i32
        %dma_start3A_41 = tpu.memref_slice %arg6[%dma_start3A, %dma_start3A_40] : memref<10112x128xf32, #tpu.memory_space<vmem_shared>> -> memref<10112x128xf32, #tpu.memory_space<vmem_shared>>
        tpu.enqueue_indirect_dma source(%arg11 : memref<128x128xf32, #tpu.memory_space<vmem>>) target(%dma_start3A_41 : memref<10112x128xf32, #tpu.memory_space<vmem_shared>>) offsets(%arg8 : memref<128xi32, #tpu.memory_space<vmem>>) semaphore(%run_scoped3A : memref<!tpu.dma_semaphore, #tpu.memory_space<semaphore_mem>>) {add = true}
        %dma_wait3A = arith.constant 0 : i32
        %dma_wait3A_42 = arith.constant 0 : i32
        %dma_wait3A_43 = tpu.memref_slice %arg6[%dma_wait3A, %dma_wait3A_42] : memref<10112x128xf32, #tpu.memory_space<vmem_shared>> -> memref<10112x128xf32, #tpu.memory_space<vmem_shared>>
        tpu.wait_indirect_dma semaphore(%run_scoped3A : memref<!tpu.dma_semaphore, #tpu.memory_space<semaphore_mem>>) src(%arg11 : memref<128x128xf32, #tpu.memory_space<vmem>>) dst(%dma_wait3A_43 : memref<10112x128xf32, #tpu.memory_space<vmem_shared>>)
        tpu.yield
      }) : () -> ()
    }
    %scan3A_21 = arith.constant 81 : i32
    %barrier3A_22 = arith.constant 0 : index
    tpu.barrier barrier_id(%barrier3A_22)
    %add3A_23 = arith.constant 0 : i32
    %add3A_24 = arith.addi %mul3A_0, %add3A_23 : i32
    "tpu.region"() ({
      %run_scoped3A = tpu.sem_alloc : memref<!tpu.dma_semaphore, #tpu.memory_space<semaphore_mem>>
      %dma_start3A = arith.constant 0 : i32
      %dma_start3A_33 = arith.constant 0 : i32
      %dma_start3A_34 = tpu.memref_slice %arg11[%dma_start3A, %dma_start3A_33] : memref<128x128xf32, #tpu.memory_space<vmem>> -> memref<128x128xf32, #tpu.memory_space<vmem>>
      %dma_start3A_35 = arith.constant 0 : i32
      %dma_start3A_36 = tpu.memref_slice %arg6[%add3A_24, %dma_start3A_35] : memref<10112x128xf32, #tpu.memory_space<vmem_shared>> -> memref<128x128xf32, #tpu.memory_space<vmem_shared>>
      %dma_start3A_37 = arith.constant 0 : i32
      %dma_start3A_38 = arith.constant 0 : i32
      %dma_start3A_39 = tpu.memref_slice %arg11[%dma_start3A_37, %dma_start3A_38] : memref<128x128xf32, #tpu.memory_space<vmem>> -> memref<128x128xf32, #tpu.memory_space<vmem>>
      %dma_start3A_40 = arith.constant 0 : i32
      %dma_start3A_41 = tpu.memref_slice %arg6[%add3A_24, %dma_start3A_40] : memref<10112x128xf32, #tpu.memory_space<vmem_shared>> -> memref<128x128xf32, #tpu.memory_space<vmem_shared>>
      tpu.enqueue_dma source(%dma_start3A_41 : memref<128x128xf32, #tpu.memory_space<vmem_shared>>) target(%dma_start3A_39 : memref<128x128xf32, #tpu.memory_space<vmem>>) target_semaphore(%run_scoped3A : memref<!tpu.dma_semaphore, #tpu.memory_space<semaphore_mem>>)
      %dma_wait3A = arith.constant 0 : i32
      %dma_wait3A_42 = arith.constant 0 : i32
      %dma_wait3A_43 = tpu.memref_slice %arg11[%dma_wait3A, %dma_wait3A_42] : memref<128x128xf32, #tpu.memory_space<vmem>> -> memref<128x128xf32, #tpu.memory_space<vmem>>
      %dma_wait3A_44 = arith.constant 0 : i32
      %dma_wait3A_45 = tpu.memref_slice %arg6[%add3A_24, %dma_wait3A_44] : memref<10112x128xf32, #tpu.memory_space<vmem_shared>> -> memref<128x128xf32, #tpu.memory_space<vmem_shared>>
      %dma_wait3A_46 = arith.constant 0 : i32
      %dma_wait3A_47 = arith.constant 0 : i32
      %dma_wait3A_48 = tpu.memref_slice %arg11[%dma_wait3A_46, %dma_wait3A_47] : memref<128x128xf32, #tpu.memory_space<vmem>> -> memref<128x128xf32, #tpu.memory_space<vmem>>
      %dma_wait3A_49 = arith.constant 0 : i32
      %dma_wait3A_50 = tpu.memref_slice %arg6[%add3A_24, %dma_wait3A_49] : memref<10112x128xf32, #tpu.memory_space<vmem_shared>> -> memref<128x128xf32, #tpu.memory_space<vmem_shared>>
      tpu.wait_dma2 semaphore(%run_scoped3A : memref<!tpu.dma_semaphore, #tpu.memory_space<semaphore_mem>>) src(%dma_wait3A_50 : memref<128x128xf32, #tpu.memory_space<vmem_shared>>) dst(%dma_wait3A_48 : memref<128x128xf32, #tpu.memory_space<vmem>>)
      tpu.yield
    }) : () -> ()
    "tpu.region"() ({
      %run_scoped3A = tpu.sem_alloc : memref<!tpu.dma_semaphore, #tpu.memory_space<semaphore_mem>>
      %dma_start3A = arith.constant 0 : i32
      %dma_start3A_33 = arith.constant 0 : i32
      %dma_start3A_34 = tpu.memref_slice %arg11[%dma_start3A, %dma_start3A_33] : memref<128x128xf32, #tpu.memory_space<vmem>> -> memref<128x128xf32, #tpu.memory_space<vmem>>
      %dma_start3A_35 = arith.constant 0 : i32
      %dma_start3A_36 = tpu.memref_slice %arg5[%arg0, %add3A_24, %dma_start3A_35] : memref<2x10112x128xf32, #tpu.memory_space<hbm>> -> memref<1x128x128xf32, #tpu.memory_space<hbm>>
      %dma_start3A_37 = tpu.memref_squeeze %dma_start3A_36 : memref<1x128x128xf32, #tpu.memory_space<hbm>> -> memref<128x128xf32, #tpu.memory_space<hbm>>
      %dma_start3A_38 = arith.constant 0 : i32
      %dma_start3A_39 = tpu.memref_slice %arg5[%arg0, %add3A_24, %dma_start3A_38] : memref<2x10112x128xf32, #tpu.memory_space<hbm>> -> memref<1x128x128xf32, #tpu.memory_space<hbm>>
      %dma_start3A_40 = tpu.memref_squeeze %dma_start3A_39 : memref<1x128x128xf32, #tpu.memory_space<hbm>> -> memref<128x128xf32, #tpu.memory_space<hbm>>
      %dma_start3A_41 = arith.constant 0 : i32
      %dma_start3A_42 = arith.constant 0 : i32
      %dma_start3A_43 = tpu.memref_slice %arg11[%dma_start3A_41, %dma_start3A_42] : memref<128x128xf32, #tpu.memory_space<vmem>> -> memref<128x128xf32, #tpu.memory_space<vmem>>
      tpu.enqueue_dma source(%dma_start3A_43 : memref<128x128xf32, #tpu.memory_space<vmem>>) target(%dma_start3A_40 : memref<128x128xf32, #tpu.memory_space<hbm>>) target_semaphore(%run_scoped3A : memref<!tpu.dma_semaphore, #tpu.memory_space<semaphore_mem>>)
      %dma_wait3A = arith.constant 0 : i32
      %dma_wait3A_44 = arith.constant 0 : i32
      %dma_wait3A_45 = tpu.memref_slice %arg11[%dma_wait3A, %dma_wait3A_44] : memref<128x128xf32, #tpu.memory_space<vmem>> -> memref<128x128xf32, #tpu.memory_space<vmem>>
      %dma_wait3A_46 = arith.constant 0 : i32
      %dma_wait3A_47 = tpu.memref_slice %arg5[%arg0, %add3A_24, %dma_wait3A_46] : memref<2x10112x128xf32, #tpu.memory_space<hbm>> -> memref<1x128x128xf32, #tpu.memory_space<hbm>>
      %dma_wait3A_48 = tpu.memref_squeeze %dma_wait3A_47 : memref<1x128x128xf32, #tpu.memory_space<hbm>> -> memref<128x128xf32, #tpu.memory_space<hbm>>
      %dma_wait3A_49 = arith.constant 0 : i32
      %dma_wait3A_50 = tpu.memref_slice %arg5[%arg0, %add3A_24, %dma_wait3A_49] : memref<2x10112x128xf32, #tpu.memory_space<hbm>> -> memref<1x128x128xf32, #tpu.memory_space<hbm>>
      %dma_wait3A_51 = tpu.memref_squeeze %dma_wait3A_50 : memref<1x128x128xf32, #tpu.memory_space<hbm>> -> memref<128x128xf32, #tpu.memory_space<hbm>>
      %dma_wait3A_52 = arith.constant 0 : i32
      %dma_wait3A_53 = arith.constant 0 : i32
      %dma_wait3A_54 = tpu.memref_slice %arg11[%dma_wait3A_52, %dma_wait3A_53] : memref<128x128xf32, #tpu.memory_space<vmem>> -> memref<128x128xf32, #tpu.memory_space<vmem>>
      tpu.wait_dma2 semaphore(%run_scoped3A : memref<!tpu.dma_semaphore, #tpu.memory_space<semaphore_mem>>) src(%dma_wait3A_54 : memref<128x128xf32, #tpu.memory_space<vmem>>) dst(%dma_wait3A_51 : memref<128x128xf32, #tpu.memory_space<hbm>>)
      tpu.yield
    }) : () -> ()
    %add3A_25 = arith.constant 128 : i32
    %add3A_26 = arith.addi %mul3A_0, %add3A_25 : i32
    "tpu.region"() ({
      %run_scoped3A = tpu.sem_alloc : memref<!tpu.dma_semaphore, #tpu.memory_space<semaphore_mem>>
      %dma_start3A = arith.constant 0 : i32
      %dma_start3A_33 = arith.constant 0 : i32
      %dma_start3A_34 = tpu.memref_slice %arg11[%dma_start3A, %dma_start3A_33] : memref<128x128xf32, #tpu.memory_space<vmem>> -> memref<128x128xf32, #tpu.memory_space<vmem>>
      %dma_start3A_35 = arith.constant 0 : i32
      %dma_start3A_36 = tpu.memref_slice %arg6[%add3A_26, %dma_start3A_35] : memref<10112x128xf32, #tpu.memory_space<vmem_shared>> -> memref<128x128xf32, #tpu.memory_space<vmem_shared>>
      %dma_start3A_37 = arith.constant 0 : i32
      %dma_start3A_38 = arith.constant 0 : i32
      %dma_start3A_39 = tpu.memref_slice %arg11[%dma_start3A_37, %dma_start3A_38] : memref<128x128xf32, #tpu.memory_space<vmem>> -> memref<128x128xf32, #tpu.memory_space<vmem>>
      %dma_start3A_40 = arith.constant 0 : i32
      %dma_start3A_41 = tpu.memref_slice %arg6[%add3A_26, %dma_start3A_40] : memref<10112x128xf32, #tpu.memory_space<vmem_shared>> -> memref<128x128xf32, #tpu.memory_space<vmem_shared>>
      tpu.enqueue_dma source(%dma_start3A_41 : memref<128x128xf32, #tpu.memory_space<vmem_shared>>) target(%dma_start3A_39 : memref<128x128xf32, #tpu.memory_space<vmem>>) target_semaphore(%run_scoped3A : memref<!tpu.dma_semaphore, #tpu.memory_space<semaphore_mem>>)
      %dma_wait3A = arith.constant 0 : i32
      %dma_wait3A_42 = arith.constant 0 : i32
      %dma_wait3A_43 = tpu.memref_slice %arg11[%dma_wait3A, %dma_wait3A_42] : memref<128x128xf32, #tpu.memory_space<vmem>> -> memref<128x128xf32, #tpu.memory_space<vmem>>
      %dma_wait3A_44 = arith.constant 0 : i32
      %dma_wait3A_45 = tpu.memref_slice %arg6[%add3A_26, %dma_wait3A_44] : memref<10112x128xf32, #tpu.memory_space<vmem_shared>> -> memref<128x128xf32, #tpu.memory_space<vmem_shared>>
      %dma_wait3A_46 = arith.constant 0 : i32
      %dma_wait3A_47 = arith.constant 0 : i32
      %dma_wait3A_48 = tpu.memref_slice %arg11[%dma_wait3A_46, %dma_wait3A_47] : memref<128x128xf32, #tpu.memory_space<vmem>> -> memref<128x128xf32, #tpu.memory_space<vmem>>
      %dma_wait3A_49 = arith.constant 0 : i32
      %dma_wait3A_50 = tpu.memref_slice %arg6[%add3A_26, %dma_wait3A_49] : memref<10112x128xf32, #tpu.memory_space<vmem_shared>> -> memref<128x128xf32, #tpu.memory_space<vmem_shared>>
      tpu.wait_dma2 semaphore(%run_scoped3A : memref<!tpu.dma_semaphore, #tpu.memory_space<semaphore_mem>>) src(%dma_wait3A_50 : memref<128x128xf32, #tpu.memory_space<vmem_shared>>) dst(%dma_wait3A_48 : memref<128x128xf32, #tpu.memory_space<vmem>>)
      tpu.yield
    }) : () -> ()
    "tpu.region"() ({
      %run_scoped3A = tpu.sem_alloc : memref<!tpu.dma_semaphore, #tpu.memory_space<semaphore_mem>>
      %dma_start3A = arith.constant 0 : i32
      %dma_start3A_33 = arith.constant 0 : i32
      %dma_start3A_34 = tpu.memref_slice %arg11[%dma_start3A, %dma_start3A_33] : memref<128x128xf32, #tpu.memory_space<vmem>> -> memref<128x128xf32, #tpu.memory_space<vmem>>
      %dma_start3A_35 = arith.constant 0 : i32
      %dma_start3A_36 = tpu.memref_slice %arg5[%arg0, %add3A_26, %dma_start3A_35] : memref<2x10112x128xf32, #tpu.memory_space<hbm>> -> memref<1x128x128xf32, #tpu.memory_space<hbm>>
      %dma_start3A_37 = tpu.memref_squeeze %dma_start3A_36 : memref<1x128x128xf32, #tpu.memory_space<hbm>> -> memref<128x128xf32, #tpu.memory_space<hbm>>
      %dma_start3A_38 = arith.constant 0 : i32
      %dma_start3A_39 = tpu.memref_slice %arg5[%arg0, %add3A_26, %dma_start3A_38] : memref<2x10112x128xf32, #tpu.memory_space<hbm>> -> memref<1x128x128xf32, #tpu.memory_space<hbm>>
      %dma_start3A_40 = tpu.memref_squeeze %dma_start3A_39 : memref<1x128x128xf32, #tpu.memory_space<hbm>> -> memref<128x128xf32, #tpu.memory_space<hbm>>
      %dma_start3A_41 = arith.constant 0 : i32
      %dma_start3A_42 = arith.constant 0 : i32
      %dma_start3A_43 = tpu.memref_slice %arg11[%dma_start3A_41, %dma_start3A_42] : memref<128x128xf32, #tpu.memory_space<vmem>> -> memref<128x128xf32, #tpu.memory_space<vmem>>
      tpu.enqueue_dma source(%dma_start3A_43 : memref<128x128xf32, #tpu.memory_space<vmem>>) target(%dma_start3A_40 : memref<128x128xf32, #tpu.memory_space<hbm>>) target_semaphore(%run_scoped3A : memref<!tpu.dma_semaphore, #tpu.memory_space<semaphore_mem>>)
      %dma_wait3A = arith.constant 0 : i32
      %dma_wait3A_44 = arith.constant 0 : i32
      %dma_wait3A_45 = tpu.memref_slice %arg11[%dma_wait3A, %dma_wait3A_44] : memref<128x128xf32, #tpu.memory_space<vmem>> -> memref<128x128xf32, #tpu.memory_space<vmem>>
      %dma_wait3A_46 = arith.constant 0 : i32
      %dma_wait3A_47 = tpu.memref_slice %arg5[%arg0, %add3A_26, %dma_wait3A_46] : memref<2x10112x128xf32, #tpu.memory_space<hbm>> -> memref<1x128x128xf32, #tpu.memory_space<hbm>>
      %dma_wait3A_48 = tpu.memref_squeeze %dma_wait3A_47 : memref<1x128x128xf32, #tpu.memory_space<hbm>> -> memref<128x128xf32, #tpu.memory_space<hbm>>
      %dma_wait3A_49 = arith.constant 0 : i32
      %dma_wait3A_50 = tpu.memref_slice %arg5[%arg0, %add3A_26, %dma_wait3A_49] : memref<2x10112x128xf32, #tpu.memory_space<hbm>> -> memref<1x128x128xf32, #tpu.memory_space<hbm>>
      %dma_wait3A_51 = tpu.memref_squeeze %dma_wait3A_50 : memref<1x128x128xf32, #tpu.memory_space<hbm>> -> memref<128x128xf32, #tpu.memory_space<hbm>>
      %dma_wait3A_52 = arith.constant 0 : i32
      %dma_wait3A_53 = arith.constant 0 : i32
      %dma_wait3A_54 = tpu.memref_slice %arg11[%dma_wait3A_52, %dma_wait3A_53] : memref<128x128xf32, #tpu.memory_space<vmem>> -> memref<128x128xf32, #tpu.memory_space<vmem>>
      tpu.wait_dma2 semaphore(%run_scoped3A : memref<!tpu.dma_semaphore, #tpu.memory_space<semaphore_mem>>) src(%dma_wait3A_54 : memref<128x128xf32, #tpu.memory_space<vmem>>) dst(%dma_wait3A_51 : memref<128x128xf32, #tpu.memory_space<hbm>>)
      tpu.yield
    }) : () -> ()
    %add3A_27 = arith.constant 256 : i32
    %add3A_28 = arith.addi %mul3A_0, %add3A_27 : i32
    "tpu.region"() ({
      %run_scoped3A = tpu.sem_alloc : memref<!tpu.dma_semaphore, #tpu.memory_space<semaphore_mem>>
      %dma_start3A = arith.constant 0 : i32
      %dma_start3A_33 = arith.constant 0 : i32
      %dma_start3A_34 = tpu.memref_slice %arg11[%dma_start3A, %dma_start3A_33] : memref<128x128xf32, #tpu.memory_space<vmem>> -> memref<128x128xf32, #tpu.memory_space<vmem>>
      %dma_start3A_35 = arith.constant 0 : i32
      %dma_start3A_36 = tpu.memref_slice %arg6[%add3A_28, %dma_start3A_35] : memref<10112x128xf32, #tpu.memory_space<vmem_shared>> -> memref<128x128xf32, #tpu.memory_space<vmem_shared>>
      %dma_start3A_37 = arith.constant 0 : i32
      %dma_start3A_38 = arith.constant 0 : i32
      %dma_start3A_39 = tpu.memref_slice %arg11[%dma_start3A_37, %dma_start3A_38] : memref<128x128xf32, #tpu.memory_space<vmem>> -> memref<128x128xf32, #tpu.memory_space<vmem>>
      %dma_start3A_40 = arith.constant 0 : i32
      %dma_start3A_41 = tpu.memref_slice %arg6[%add3A_28, %dma_start3A_40] : memref<10112x128xf32, #tpu.memory_space<vmem_shared>> -> memref<128x128xf32, #tpu.memory_space<vmem_shared>>
      tpu.enqueue_dma source(%dma_start3A_41 : memref<128x128xf32, #tpu.memory_space<vmem_shared>>) target(%dma_start3A_39 : memref<128x128xf32, #tpu.memory_space<vmem>>) target_semaphore(%run_scoped3A : memref<!tpu.dma_semaphore, #tpu.memory_space<semaphore_mem>>)
      %dma_wait3A = arith.constant 0 : i32
      %dma_wait3A_42 = arith.constant 0 : i32
      %dma_wait3A_43 = tpu.memref_slice %arg11[%dma_wait3A, %dma_wait3A_42] : memref<128x128xf32, #tpu.memory_space<vmem>> -> memref<128x128xf32, #tpu.memory_space<vmem>>
      %dma_wait3A_44 = arith.constant 0 : i32
      %dma_wait3A_45 = tpu.memref_slice %arg6[%add3A_28, %dma_wait3A_44] : memref<10112x128xf32, #tpu.memory_space<vmem_shared>> -> memref<128x128xf32, #tpu.memory_space<vmem_shared>>
      %dma_wait3A_46 = arith.constant 0 : i32
      %dma_wait3A_47 = arith.constant 0 : i32
      %dma_wait3A_48 = tpu.memref_slice %arg11[%dma_wait3A_46, %dma_wait3A_47] : memref<128x128xf32, #tpu.memory_space<vmem>> -> memref<128x128xf32, #tpu.memory_space<vmem>>
      %dma_wait3A_49 = arith.constant 0 : i32
      %dma_wait3A_50 = tpu.memref_slice %arg6[%add3A_28, %dma_wait3A_49] : memref<10112x128xf32, #tpu.memory_space<vmem_shared>> -> memref<128x128xf32, #tpu.memory_space<vmem_shared>>
      tpu.wait_dma2 semaphore(%run_scoped3A : memref<!tpu.dma_semaphore, #tpu.memory_space<semaphore_mem>>) src(%dma_wait3A_50 : memref<128x128xf32, #tpu.memory_space<vmem_shared>>) dst(%dma_wait3A_48 : memref<128x128xf32, #tpu.memory_space<vmem>>)
      tpu.yield
    }) : () -> ()
    "tpu.region"() ({
      %run_scoped3A = tpu.sem_alloc : memref<!tpu.dma_semaphore, #tpu.memory_space<semaphore_mem>>
      %dma_start3A = arith.constant 0 : i32
      %dma_start3A_33 = arith.constant 0 : i32
      %dma_start3A_34 = tpu.memref_slice %arg11[%dma_start3A, %dma_start3A_33] : memref<128x128xf32, #tpu.memory_space<vmem>> -> memref<128x128xf32, #tpu.memory_space<vmem>>
      %dma_start3A_35 = arith.constant 0 : i32
      %dma_start3A_36 = tpu.memref_slice %arg5[%arg0, %add3A_28, %dma_start3A_35] : memref<2x10112x128xf32, #tpu.memory_space<hbm>> -> memref<1x128x128xf32, #tpu.memory_space<hbm>>
      %dma_start3A_37 = tpu.memref_squeeze %dma_start3A_36 : memref<1x128x128xf32, #tpu.memory_space<hbm>> -> memref<128x128xf32, #tpu.memory_space<hbm>>
      %dma_start3A_38 = arith.constant 0 : i32
      %dma_start3A_39 = tpu.memref_slice %arg5[%arg0, %add3A_28, %dma_start3A_38] : memref<2x10112x128xf32, #tpu.memory_space<hbm>> -> memref<1x128x128xf32, #tpu.memory_space<hbm>>
      %dma_start3A_40 = tpu.memref_squeeze %dma_start3A_39 : memref<1x128x128xf32, #tpu.memory_space<hbm>> -> memref<128x128xf32, #tpu.memory_space<hbm>>
      %dma_start3A_41 = arith.constant 0 : i32
      %dma_start3A_42 = arith.constant 0 : i32
      %dma_start3A_43 = tpu.memref_slice %arg11[%dma_start3A_41, %dma_start3A_42] : memref<128x128xf32, #tpu.memory_space<vmem>> -> memref<128x128xf32, #tpu.memory_space<vmem>>
      tpu.enqueue_dma source(%dma_start3A_43 : memref<128x128xf32, #tpu.memory_space<vmem>>) target(%dma_start3A_40 : memref<128x128xf32, #tpu.memory_space<hbm>>) target_semaphore(%run_scoped3A : memref<!tpu.dma_semaphore, #tpu.memory_space<semaphore_mem>>)
      %dma_wait3A = arith.constant 0 : i32
      %dma_wait3A_44 = arith.constant 0 : i32
      %dma_wait3A_45 = tpu.memref_slice %arg11[%dma_wait3A, %dma_wait3A_44] : memref<128x128xf32, #tpu.memory_space<vmem>> -> memref<128x128xf32, #tpu.memory_space<vmem>>
      %dma_wait3A_46 = arith.constant 0 : i32
      %dma_wait3A_47 = tpu.memref_slice %arg5[%arg0, %add3A_28, %dma_wait3A_46] : memref<2x10112x128xf32, #tpu.memory_space<hbm>> -> memref<1x128x128xf32, #tpu.memory_space<hbm>>
      %dma_wait3A_48 = tpu.memref_squeeze %dma_wait3A_47 : memref<1x128x128xf32, #tpu.memory_space<hbm>> -> memref<128x128xf32, #tpu.memory_space<hbm>>
      %dma_wait3A_49 = arith.constant 0 : i32
      %dma_wait3A_50 = tpu.memref_slice %arg5[%arg0, %add3A_28, %dma_wait3A_49] : memref<2x10112x128xf32, #tpu.memory_space<hbm>> -> memref<1x128x128xf32, #tpu.memory_space<hbm>>
      %dma_wait3A_51 = tpu.memref_squeeze %dma_wait3A_50 : memref<1x128x128xf32, #tpu.memory_space<hbm>> -> memref<128x128xf32, #tpu.memory_space<hbm>>
      %dma_wait3A_52 = arith.constant 0 : i32
      %dma_wait3A_53 = arith.constant 0 : i32
      %dma_wait3A_54 = tpu.memref_slice %arg11[%dma_wait3A_52, %dma_wait3A_53] : memref<128x128xf32, #tpu.memory_space<vmem>> -> memref<128x128xf32, #tpu.memory_space<vmem>>
      tpu.wait_dma2 semaphore(%run_scoped3A : memref<!tpu.dma_semaphore, #tpu.memory_space<semaphore_mem>>) src(%dma_wait3A_54 : memref<128x128xf32, #tpu.memory_space<vmem>>) dst(%dma_wait3A_51 : memref<128x128xf32, #tpu.memory_space<hbm>>)
      tpu.yield
    }) : () -> ()
    %add3A_29 = arith.constant 384 : i32
    %add3A_30 = arith.addi %mul3A_0, %add3A_29 : i32
    "tpu.region"() ({
      %run_scoped3A = tpu.sem_alloc : memref<!tpu.dma_semaphore, #tpu.memory_space<semaphore_mem>>
      %dma_start3A = arith.constant 0 : i32
      %dma_start3A_33 = arith.constant 0 : i32
      %dma_start3A_34 = tpu.memref_slice %arg11[%dma_start3A, %dma_start3A_33] : memref<128x128xf32, #tpu.memory_space<vmem>> -> memref<128x128xf32, #tpu.memory_space<vmem>>
      %dma_start3A_35 = arith.constant 0 : i32
      %dma_start3A_36 = tpu.memref_slice %arg6[%add3A_30, %dma_start3A_35] : memref<10112x128xf32, #tpu.memory_space<vmem_shared>> -> memref<128x128xf32, #tpu.memory_space<vmem_shared>>
      %dma_start3A_37 = arith.constant 0 : i32
      %dma_start3A_38 = arith.constant 0 : i32
      %dma_start3A_39 = tpu.memref_slice %arg11[%dma_start3A_37, %dma_start3A_38] : memref<128x128xf32, #tpu.memory_space<vmem>> -> memref<128x128xf32, #tpu.memory_space<vmem>>
      %dma_start3A_40 = arith.constant 0 : i32
      %dma_start3A_41 = tpu.memref_slice %arg6[%add3A_30, %dma_start3A_40] : memref<10112x128xf32, #tpu.memory_space<vmem_shared>> -> memref<128x128xf32, #tpu.memory_space<vmem_shared>>
      tpu.enqueue_dma source(%dma_start3A_41 : memref<128x128xf32, #tpu.memory_space<vmem_shared>>) target(%dma_start3A_39 : memref<128x128xf32, #tpu.memory_space<vmem>>) target_semaphore(%run_scoped3A : memref<!tpu.dma_semaphore, #tpu.memory_space<semaphore_mem>>)
      %dma_wait3A = arith.constant 0 : i32
      %dma_wait3A_42 = arith.constant 0 : i32
      %dma_wait3A_43 = tpu.memref_slice %arg11[%dma_wait3A, %dma_wait3A_42] : memref<128x128xf32, #tpu.memory_space<vmem>> -> memref<128x128xf32, #tpu.memory_space<vmem>>
      %dma_wait3A_44 = arith.constant 0 : i32
      %dma_wait3A_45 = tpu.memref_slice %arg6[%add3A_30, %dma_wait3A_44] : memref<10112x128xf32, #tpu.memory_space<vmem_shared>> -> memref<128x128xf32, #tpu.memory_space<vmem_shared>>
      %dma_wait3A_46 = arith.constant 0 : i32
      %dma_wait3A_47 = arith.constant 0 : i32
      %dma_wait3A_48 = tpu.memref_slice %arg11[%dma_wait3A_46, %dma_wait3A_47] : memref<128x128xf32, #tpu.memory_space<vmem>> -> memref<128x128xf32, #tpu.memory_space<vmem>>
      %dma_wait3A_49 = arith.constant 0 : i32
      %dma_wait3A_50 = tpu.memref_slice %arg6[%add3A_30, %dma_wait3A_49] : memref<10112x128xf32, #tpu.memory_space<vmem_shared>> -> memref<128x128xf32, #tpu.memory_space<vmem_shared>>
      tpu.wait_dma2 semaphore(%run_scoped3A : memref<!tpu.dma_semaphore, #tpu.memory_space<semaphore_mem>>) src(%dma_wait3A_50 : memref<128x128xf32, #tpu.memory_space<vmem_shared>>) dst(%dma_wait3A_48 : memref<128x128xf32, #tpu.memory_space<vmem>>)
      tpu.yield
    }) : () -> ()
    "tpu.region"() ({
      %run_scoped3A = tpu.sem_alloc : memref<!tpu.dma_semaphore, #tpu.memory_space<semaphore_mem>>
      %dma_start3A = arith.constant 0 : i32
      %dma_start3A_33 = arith.constant 0 : i32
      %dma_start3A_34 = tpu.memref_slice %arg11[%dma_start3A, %dma_start3A_33] : memref<128x128xf32, #tpu.memory_space<vmem>> -> memref<128x128xf32, #tpu.memory_space<vmem>>
      %dma_start3A_35 = arith.constant 0 : i32
      %dma_start3A_36 = tpu.memref_slice %arg5[%arg0, %add3A_30, %dma_start3A_35] : memref<2x10112x128xf32, #tpu.memory_space<hbm>> -> memref<1x128x128xf32, #tpu.memory_space<hbm>>
      %dma_start3A_37 = tpu.memref_squeeze %dma_start3A_36 : memref<1x128x128xf32, #tpu.memory_space<hbm>> -> memref<128x128xf32, #tpu.memory_space<hbm>>
      %dma_start3A_38 = arith.constant 0 : i32
      %dma_start3A_39 = tpu.memref_slice %arg5[%arg0, %add3A_30, %dma_start3A_38] : memref<2x10112x128xf32, #tpu.memory_space<hbm>> -> memref<1x128x128xf32, #tpu.memory_space<hbm>>
      %dma_start3A_40 = tpu.memref_squeeze %dma_start3A_39 : memref<1x128x128xf32, #tpu.memory_space<hbm>> -> memref<128x128xf32, #tpu.memory_space<hbm>>
      %dma_start3A_41 = arith.constant 0 : i32
      %dma_start3A_42 = arith.constant 0 : i32
      %dma_start3A_43 = tpu.memref_slice %arg11[%dma_start3A_41, %dma_start3A_42] : memref<128x128xf32, #tpu.memory_space<vmem>> -> memref<128x128xf32, #tpu.memory_space<vmem>>
      tpu.enqueue_dma source(%dma_start3A_43 : memref<128x128xf32, #tpu.memory_space<vmem>>) target(%dma_start3A_40 : memref<128x128xf32, #tpu.memory_space<hbm>>) target_semaphore(%run_scoped3A : memref<!tpu.dma_semaphore, #tpu.memory_space<semaphore_mem>>)
      %dma_wait3A = arith.constant 0 : i32
      %dma_wait3A_44 = arith.constant 0 : i32
      %dma_wait3A_45 = tpu.memref_slice %arg11[%dma_wait3A, %dma_wait3A_44] : memref<128x128xf32, #tpu.memory_space<vmem>> -> memref<128x128xf32, #tpu.memory_space<vmem>>
      %dma_wait3A_46 = arith.constant 0 : i32
      %dma_wait3A_47 = tpu.memref_slice %arg5[%arg0, %add3A_30, %dma_wait3A_46] : memref<2x10112x128xf32, #tpu.memory_space<hbm>> -> memref<1x128x128xf32, #tpu.memory_space<hbm>>
      %dma_wait3A_48 = tpu.memref_squeeze %dma_wait3A_47 : memref<1x128x128xf32, #tpu.memory_space<hbm>> -> memref<128x128xf32, #tpu.memory_space<hbm>>
      %dma_wait3A_49 = arith.constant 0 : i32
      %dma_wait3A_50 = tpu.memref_slice %arg5[%arg0, %add3A_30, %dma_wait3A_49] : memref<2x10112x128xf32, #tpu.memory_space<hbm>> -> memref<1x128x128xf32, #tpu.memory_space<hbm>>
      %dma_wait3A_51 = tpu.memref_squeeze %dma_wait3A_50 : memref<1x128x128xf32, #tpu.memory_space<hbm>> -> memref<128x128xf32, #tpu.memory_space<hbm>>
      %dma_wait3A_52 = arith.constant 0 : i32
      %dma_wait3A_53 = arith.constant 0 : i32
      %dma_wait3A_54 = tpu.memref_slice %arg11[%dma_wait3A_52, %dma_wait3A_53] : memref<128x128xf32, #tpu.memory_space<vmem>> -> memref<128x128xf32, #tpu.memory_space<vmem>>
      tpu.wait_dma2 semaphore(%run_scoped3A : memref<!tpu.dma_semaphore, #tpu.memory_space<semaphore_mem>>) src(%dma_wait3A_54 : memref<128x128xf32, #tpu.memory_space<vmem>>) dst(%dma_wait3A_51 : memref<128x128xf32, #tpu.memory_space<hbm>>)
      tpu.yield
    }) : () -> ()
    %add3A_31 = arith.constant 512 : i32
    %add3A_32 = arith.addi %mul3A_0, %add3A_31 : i32
    "tpu.region"() ({
      %run_scoped3A = tpu.sem_alloc : memref<!tpu.dma_semaphore, #tpu.memory_space<semaphore_mem>>
      %dma_start3A = arith.constant 0 : i32
      %dma_start3A_33 = arith.constant 0 : i32
      %dma_start3A_34 = tpu.memref_slice %arg11[%dma_start3A, %dma_start3A_33] : memref<128x128xf32, #tpu.memory_space<vmem>> -> memref<120x128xf32, #tpu.memory_space<vmem>>
      %dma_start3A_35 = arith.constant 0 : i32
      %dma_start3A_36 = tpu.memref_slice %arg6[%add3A_32, %dma_start3A_35] : memref<10112x128xf32, #tpu.memory_space<vmem_shared>> -> memref<120x128xf32, #tpu.memory_space<vmem_shared>>
      %dma_start3A_37 = arith.constant 0 : i32
      %dma_start3A_38 = arith.constant 0 : i32
      %dma_start3A_39 = tpu.memref_slice %arg11[%dma_start3A_37, %dma_start3A_38] : memref<128x128xf32, #tpu.memory_space<vmem>> -> memref<120x128xf32, #tpu.memory_space<vmem>>
      %dma_start3A_40 = arith.constant 0 : i32
      %dma_start3A_41 = tpu.memref_slice %arg6[%add3A_32, %dma_start3A_40] : memref<10112x128xf32, #tpu.memory_space<vmem_shared>> -> memref<120x128xf32, #tpu.memory_space<vmem_shared>>
      tpu.enqueue_dma source(%dma_start3A_41 : memref<120x128xf32, #tpu.memory_space<vmem_shared>>) target(%dma_start3A_39 : memref<120x128xf32, #tpu.memory_space<vmem>>) target_semaphore(%run_scoped3A : memref<!tpu.dma_semaphore, #tpu.memory_space<semaphore_mem>>)
      %dma_wait3A = arith.constant 0 : i32
      %dma_wait3A_42 = arith.constant 0 : i32
      %dma_wait3A_43 = tpu.memref_slice %arg11[%dma_wait3A, %dma_wait3A_42] : memref<128x128xf32, #tpu.memory_space<vmem>> -> memref<120x128xf32, #tpu.memory_space<vmem>>
      %dma_wait3A_44 = arith.constant 0 : i32
      %dma_wait3A_45 = tpu.memref_slice %arg6[%add3A_32, %dma_wait3A_44] : memref<10112x128xf32, #tpu.memory_space<vmem_shared>> -> memref<120x128xf32, #tpu.memory_space<vmem_shared>>
      %dma_wait3A_46 = arith.constant 0 : i32
      %dma_wait3A_47 = arith.constant 0 : i32
      %dma_wait3A_48 = tpu.memref_slice %arg11[%dma_wait3A_46, %dma_wait3A_47] : memref<128x128xf32, #tpu.memory_space<vmem>> -> memref<120x128xf32, #tpu.memory_space<vmem>>
      %dma_wait3A_49 = arith.constant 0 : i32
      %dma_wait3A_50 = tpu.memref_slice %arg6[%add3A_32, %dma_wait3A_49] : memref<10112x128xf32, #tpu.memory_space<vmem_shared>> -> memref<120x128xf32, #tpu.memory_space<vmem_shared>>
      tpu.wait_dma2 semaphore(%run_scoped3A : memref<!tpu.dma_semaphore, #tpu.memory_space<semaphore_mem>>) src(%dma_wait3A_50 : memref<120x128xf32, #tpu.memory_space<vmem_shared>>) dst(%dma_wait3A_48 : memref<120x128xf32, #tpu.memory_space<vmem>>)
      tpu.yield
    }) : () -> ()
    "tpu.region"() ({
      %run_scoped3A = tpu.sem_alloc : memref<!tpu.dma_semaphore, #tpu.memory_space<semaphore_mem>>
      %dma_start3A = arith.constant 0 : i32
      %dma_start3A_33 = arith.constant 0 : i32
      %dma_start3A_34 = tpu.memref_slice %arg11[%dma_start3A, %dma_start3A_33] : memref<128x128xf32, #tpu.memory_space<vmem>> -> memref<120x128xf32, #tpu.memory_space<vmem>>
      %dma_start3A_35 = arith.constant 0 : i32
      %dma_start3A_36 = tpu.memref_slice %arg5[%arg0, %add3A_32, %dma_start3A_35] : memref<2x10112x128xf32, #tpu.memory_space<hbm>> -> memref<1x120x128xf32, #tpu.memory_space<hbm>>
      %dma_start3A_37 = tpu.memref_squeeze %dma_start3A_36 : memref<1x120x128xf32, #tpu.memory_space<hbm>> -> memref<120x128xf32, #tpu.memory_space<hbm>>
      %dma_start3A_38 = arith.constant 0 : i32
      %dma_start3A_39 = tpu.memref_slice %arg5[%arg0, %add3A_32, %dma_start3A_38] : memref<2x10112x128xf32, #tpu.memory_space<hbm>> -> memref<1x120x128xf32, #tpu.memory_space<hbm>>
      %dma_start3A_40 = tpu.memref_squeeze %dma_start3A_39 : memref<1x120x128xf32, #tpu.memory_space<hbm>> -> memref<120x128xf32, #tpu.memory_space<hbm>>
      %dma_start3A_41 = arith.constant 0 : i32
      %dma_start3A_42 = arith.constant 0 : i32
      %dma_start3A_43 = tpu.memref_slice %arg11[%dma_start3A_41, %dma_start3A_42] : memref<128x128xf32, #tpu.memory_space<vmem>> -> memref<120x128xf32, #tpu.memory_space<vmem>>
      tpu.enqueue_dma source(%dma_start3A_43 : memref<120x128xf32, #tpu.memory_space<vmem>>) target(%dma_start3A_40 : memref<120x128xf32, #tpu.memory_space<hbm>>) target_semaphore(%run_scoped3A : memref<!tpu.dma_semaphore, #tpu.memory_space<semaphore_mem>>)
      %dma_wait3A = arith.constant 0 : i32
      %dma_wait3A_44 = arith.constant 0 : i32
      %dma_wait3A_45 = tpu.memref_slice %arg11[%dma_wait3A, %dma_wait3A_44] : memref<128x128xf32, #tpu.memory_space<vmem>> -> memref<120x128xf32, #tpu.memory_space<vmem>>
      %dma_wait3A_46 = arith.constant 0 : i32
      %dma_wait3A_47 = tpu.memref_slice %arg5[%arg0, %add3A_32, %dma_wait3A_46] : memref<2x10112x128xf32, #tpu.memory_space<hbm>> -> memref<1x120x128xf32, #tpu.memory_space<hbm>>
      %dma_wait3A_48 = tpu.memref_squeeze %dma_wait3A_47 : memref<1x120x128xf32, #tpu.memory_space<hbm>> -> memref<120x128xf32, #tpu.memory_space<hbm>>
      %dma_wait3A_49 = arith.constant 0 : i32
      %dma_wait3A_50 = tpu.memref_slice %arg5[%arg0, %add3A_32, %dma_wait3A_49] : memref<2x10112x128xf32, #tpu.memory_space<hbm>> -> memref<1x120x128xf32, #tpu.memory_space<hbm>>
      %dma_wait3A_51 = tpu.memref_squeeze %dma_wait3A_50 : memref<1x120x128xf32, #tpu.memory_space<hbm>> -> memref<120x128xf32, #tpu.memory_space<hbm>>
      %dma_wait3A_52 = arith.constant 0 : i32
      %dma_wait3A_53 = arith.constant 0 : i32
      %dma_wait3A_54 = tpu.memref_slice %arg11[%dma_wait3A_52, %dma_wait3A_53] : memref<128x128xf32, #tpu.memory_space<vmem>> -> memref<120x128xf32, #tpu.memory_space<vmem>>
      tpu.wait_dma2 semaphore(%run_scoped3A : memref<!tpu.dma_semaphore, #tpu.memory_space<semaphore_mem>>) src(%dma_wait3A_54 : memref<120x128xf32, #tpu.memory_space<vmem>>) dst(%dma_wait3A_51 : memref<120x128xf32, #tpu.memory_space<hbm>>)
      tpu.yield
    }) : () -> ()
    return
  }
}

module attributes {stable_mosaic.version = 14 : i64} {
  func.func @_tc1_body(%arg0: i32, %arg1: memref<1264x128xf32, #tpu.memory_space<vmem>>, %arg2: memref<128x128xf32, #tpu.memory_space<vmem>>, %arg3: memref<1264x128xf32, #tpu.memory_space<vmem>>) attributes {dimension_semantics = [#tpu.dimension_semantics<arbitrary>], iteration_bounds = array<i64: 8>, scalar_prefetch = 0 : i64, scratch_operands = 0 : i64, tpu.core_type = #tpu.core_type<tc>, window_params = [{transform_indices = @transform_0, window_bounds = array<i64: 1264, 128>}, {pipeline_mode = #tpu.pipeline_mode<synchronous>, transform_indices = @transform_1, window_bounds = array<i64: 128, 128>}, {transform_indices = @transform_2, window_bounds = array<i64: 1264, 128>}]} {
    %get3A = arith.constant 0 : index
    %get3A_0 = arith.constant 0 : index
    %get3A_1 = vector.load %arg1[%get3A, %get3A_0] : memref<1264x128xf32, #tpu.memory_space<vmem>>, vector<1264x128xf32>
    %get3A_2 = arith.constant 0 : index
    %get3A_3 = arith.constant 0 : index
    %get3A_4 = vector.load %arg2[%get3A_2, %get3A_3] : memref<128x128xf32, #tpu.memory_space<vmem>>, vector<128x128xf32>
    %dot_general3A = arith.constant dense<0.000000e+00> : vector<1264x128xf32>
    %dot_general3A_5 = tpu.matmul %get3A_1, %get3A_4, %dot_general3A {dimension_numbers = #tpu.dot_dimension_numbers<[1], [0], [0], [1], [0, 0, 1, 1], [], []>, precision = #tpu.contract_precision<fp32>, transpose_lhs_hint = false} : vector<1264x128xf32>, vector<128x128xf32>, vector<1264x128xf32> -> vector<1264x128xf32>
    %swap3A = arith.constant 0 : index
    %swap3A_6 = arith.constant 0 : index
    %swap3A_7 = vector.load %arg3[%swap3A, %swap3A_6] : memref<1264x128xf32, #tpu.memory_space<vmem>>, vector<1264x128xf32>
    tpu.vector_store %arg3[%swap3A, %swap3A_6], %dot_general3A_5 {strides = array<i32>} : memref<1264x128xf32, #tpu.memory_space<vmem>>, vector<1264x128xf32>,
    return
  }
  func.func @transform_0(%arg0: i32) -> (i32, i32) {
    %c0_i32 = arith.constant 0 : i32
    %c0_i32_0 = arith.constant 0 : i32
    return %arg0, %c0_i32 : i32, i32
  }
  func.func @transform_1(%arg0: i32) -> (i32, i32) {
    %c0_i32 = arith.constant 0 : i32
    %c0_i32_0 = arith.constant 0 : i32
    %c0_i32_1 = arith.constant 0 : i32
    return %c0_i32, %c0_i32_0 : i32, i32
  }
  func.func @transform_2(%arg0: i32) -> (i32, i32) {
    %c0_i32 = arith.constant 0 : i32
    %c0_i32_0 = arith.constant 0 : i32
    return %arg0, %c0_i32 : i32, i32
  }
}

module attributes {stable_mosaic.version = 14 : i64} {
  func.func @_tc2_body(%arg0: i32, %arg1: memref<2x1264x128xf32, #tpu.memory_space<vmem>>, %arg2: memref<64x16xf32, #tpu.memory_space<vmem>>, %arg3: memref<128x8xf32, #tpu.memory_space<vmem>>, %arg4: memref<8x64xf32, #tpu.memory_space<vmem>>, %arg5: memref<16x128xf32, #tpu.memory_space<vmem>>, %arg6: memref<1x64xf32, #tpu.memory_space<vmem>>, %arg7: memref<1264x128xf32, #tpu.memory_space<vmem>>) attributes {dimension_semantics = [#tpu.dimension_semantics<arbitrary>], iteration_bounds = array<i64: 8>, scalar_prefetch = 0 : i64, scratch_operands = 0 : i64, tpu.core_type = #tpu.core_type<tc>, window_params = [{transform_indices = @transform_0, window_bounds = array<i64: 2, 1264, 128>}, {pipeline_mode = #tpu.pipeline_mode<synchronous>, transform_indices = @transform_1, window_bounds = array<i64: 64, 16>}, {pipeline_mode = #tpu.pipeline_mode<synchronous>, transform_indices = @transform_2, window_bounds = array<i64: 128, 8>}, {pipeline_mode = #tpu.pipeline_mode<synchronous>, transform_indices = @transform_3, window_bounds = array<i64: 8, 64>}, {pipeline_mode = #tpu.pipeline_mode<synchronous>, transform_indices = @transform_4, window_bounds = array<i64: 16, 128>}, {pipeline_mode = #tpu.pipeline_mode<synchronous>, transform_indices = @transform_5, window_bounds = array<i64: 1, 64>}, {transform_indices = @transform_6, window_bounds = array<i64: 1264, 128>}]} {
    %get3A = arith.constant 0 : index
    %get3A_0 = arith.constant 0 : index
    %get3A_1 = arith.constant 0 : index
    %get3A_2 = vector.load %arg1[%get3A, %get3A_0, %get3A_1] : memref<2x1264x128xf32, #tpu.memory_space<vmem>>, vector<1x1264x128xf32>
    %get3A_3 = vector.shape_cast %get3A_2 : vector<1x1264x128xf32> to vector<1264x128xf32>
    %get3A_4 = arith.constant 1 : index
    %get3A_5 = arith.constant 0 : index
    %get3A_6 = arith.constant 0 : index
    %get3A_7 = vector.load %arg1[%get3A_4, %get3A_5, %get3A_6] : memref<2x1264x128xf32, #tpu.memory_space<vmem>>, vector<1x1264x128xf32>
    %get3A_8 = vector.shape_cast %get3A_7 : vector<1x1264x128xf32> to vector<1264x128xf32>
    %add3A = arith.addf %get3A_3, %get3A_8 : vector<1264x128xf32>
    %get3A_9 = arith.constant 0 : index
    %get3A_10 = arith.constant 0 : index
    %get3A_11 = vector.load %arg3[%get3A_9, %get3A_10] : memref<128x8xf32, #tpu.memory_space<vmem>>, vector<128x8xf32>
    %dot_general3A = arith.constant dense<0.000000e+00> : vector<1264x8xf32>
    %dot_general3A_12 = tpu.matmul %add3A, %get3A_11, %dot_general3A {dimension_numbers = #tpu.dot_dimension_numbers<[1], [0], [0], [1], [0, 0, 1, 1], [], []>, precision = #tpu.contract_precision<fp32>, transpose_lhs_hint = false} : vector<1264x128xf32>, vector<128x8xf32>, vector<1264x8xf32> -> vector<1264x8xf32>
    %add3A_13 = arith.constant 1.000000e-16 : f32
    %add3A_14 = vector.broadcast %add3A_13 : f32 to vector<1264x8xf32>
    %add3A_15 = arith.addf %dot_general3A_12, %add3A_14 : vector<1264x8xf32>
    %div3A = arith.constant 1.000000e+00 : f32
    %div3A_16 = vector.broadcast %div3A : f32 to vector<1264x8xf32>
    %div3A_17 = arith.divf %div3A_16, %add3A_15 : vector<1264x8xf32>
    %get3A_18 = arith.constant 0 : index
    %get3A_19 = arith.constant 0 : index
    %get3A_20 = vector.load %arg4[%get3A_18, %get3A_19] : memref<8x64xf32, #tpu.memory_space<vmem>>, vector<8x64xf32>
    %dot_general3A_21 = arith.constant dense<0.000000e+00> : vector<1264x64xf32>
    %dot_general3A_22 = tpu.matmul %div3A_17, %get3A_20, %dot_general3A_21 {dimension_numbers = #tpu.dot_dimension_numbers<[1], [0], [0], [1], [0, 0, 1, 1], [], []>, precision = #tpu.contract_precision<fp32>, transpose_lhs_hint = false} : vector<1264x8xf32>, vector<8x64xf32>, vector<1264x64xf32> -> vector<1264x64xf32>
    %slice3A = vector.extract_strided_slice %add3A {offsets = [0, 0], sizes = [1264, 64], strides = [1, 1]} : vector<1264x128xf32> to vector<1264x64xf32>
    %mul3A = arith.mulf %slice3A, %dot_general3A_22 : vector<1264x64xf32>
    %get3A_23 = arith.constant 0 : index
    %get3A_24 = arith.constant 0 : index
    %get3A_25 = vector.load %arg6[%get3A_23, %get3A_24] : memref<1x64xf32, #tpu.memory_space<vmem>>, vector<1x64xf32>
    %add3A_26 = vector.broadcast %get3A_25 : vector<1x64xf32> to vector<1264x64xf32>
    %add3A_27 = arith.addf %mul3A, %add3A_26 : vector<1264x64xf32>
    %gt3A = arith.constant 0.000000e+00 : f32
    %gt3A_28 = vector.broadcast %gt3A : f32 to vector<1264x64xf32>
    %gt3A_29 = arith.cmpf ogt, %add3A_27, %gt3A_28 : vector<1264x64xf32>
    %min3A = arith.constant 0.000000e+00 : f32
    %min3A_30 = vector.broadcast %min3A : f32 to vector<1264x64xf32>
    %min3A_31 = arith.minimumf %add3A_27, %min3A_30 : vector<1264x64xf32>
    %exp3A = math.exp %min3A_31 : vector<1264x64xf32>
    %sub3A = arith.constant 1.000000e+00 : f32
    %sub3A_32 = vector.broadcast %sub3A : f32 to vector<1264x64xf32>
    %sub3A_33 = arith.subf %exp3A, %sub3A_32 : vector<1264x64xf32>
    %select_n3A = arith.select %gt3A_29, %add3A_27, %sub3A_33 : vector<1264x64xi1>, vector<1264x64xf32>
    %get3A_34 = arith.constant 0 : index
    %get3A_35 = arith.constant 0 : index
    %get3A_36 = vector.load %arg2[%get3A_34, %get3A_35] : memref<64x16xf32, #tpu.memory_space<vmem>>, vector<64x16xf32>
    %dot_general3A_37 = arith.constant dense<0.000000e+00> : vector<1264x16xf32>
    %dot_general3A_38 = tpu.matmul %select_n3A, %get3A_36, %dot_general3A_37 {dimension_numbers = #tpu.dot_dimension_numbers<[1], [0], [0], [1], [0, 0, 1, 1], [], []>, precision = #tpu.contract_precision<fp32>, transpose_lhs_hint = false} : vector<1264x64xf32>, vector<64x16xf32>, vector<1264x16xf32> -> vector<1264x16xf32>
    %get3A_39 = arith.constant 0 : index
    %get3A_40 = arith.constant 0 : index
    %get3A_41 = vector.load %arg5[%get3A_39, %get3A_40] : memref<16x128xf32, #tpu.memory_space<vmem>>, vector<16x128xf32>
    %dot_general3A_42 = arith.constant dense<0.000000e+00> : vector<1264x128xf32>
    %dot_general3A_43 = tpu.matmul %dot_general3A_38, %get3A_41, %dot_general3A_42 {dimension_numbers = #tpu.dot_dimension_numbers<[1], [0], [0], [1], [0, 0, 1, 1], [], []>, precision = #tpu.contract_precision<fp32>, transpose_lhs_hint = false} : vector<1264x16xf32>, vector<16x128xf32>, vector<1264x128xf32> -> vector<1264x128xf32>
    %swap3A = arith.constant 0 : index
    %swap3A_44 = arith.constant 0 : index
    %swap3A_45 = vector.load %arg7[%swap3A, %swap3A_44] : memref<1264x128xf32, #tpu.memory_space<vmem>>, vector<1264x128xf32>
    tpu.vector_store %arg7[%swap3A, %swap3A_44], %dot_general3A_43 {strides = array<i32>} : memref<1264x128xf32, #tpu.memory_space<vmem>>, vector<1264x128xf32>,
    return
  }
  func.func @transform_0(%arg0: i32) -> (i32, i32, i32) {
    %c0_i32 = arith.constant 0 : i32
    %c0_i32_0 = arith.constant 0 : i32
    %c0_i32_1 = arith.constant 0 : i32
    return %c0_i32, %arg0, %c0_i32_0 : i32, i32, i32
  }
  func.func @transform_1(%arg0: i32) -> (i32, i32) {
    %c0_i32 = arith.constant 0 : i32
    %c0_i32_0 = arith.constant 0 : i32
    %c0_i32_1 = arith.constant 0 : i32
    return %c0_i32, %c0_i32_0 : i32, i32
  }
  func.func @transform_2(%arg0: i32) -> (i32, i32) {
    %c0_i32 = arith.constant 0 : i32
    %c0_i32_0 = arith.constant 0 : i32
    %c0_i32_1 = arith.constant 0 : i32
    return %c0_i32, %c0_i32_0 : i32, i32
  }
  func.func @transform_3(%arg0: i32) -> (i32, i32) {
    %c0_i32 = arith.constant 0 : i32
    %c0_i32_0 = arith.constant 0 : i32
    %c0_i32_1 = arith.constant 0 : i32
    return %c0_i32, %c0_i32_0 : i32, i32
  }
  func.func @transform_4(%arg0: i32) -> (i32, i32) {
    %c0_i32 = arith.constant 0 : i32
    %c0_i32_0 = arith.constant 0 : i32
    %c0_i32_1 = arith.constant 0 : i32
    return %c0_i32, %c0_i32_0 : i32, i32
  }
  func.func @transform_5(%arg0: i32) -> (i32, i32) {
    %c0_i32 = arith.constant 0 : i32
    %c0_i32_0 = arith.constant 0 : i32
    %c0_i32_1 = arith.constant 0 : i32
    return %c0_i32, %c0_i32_0 : i32, i32
  }
  func.func @transform_6(%arg0: i32) -> (i32, i32) {
    %c0_i32 = arith.constant 0 : i32
    %c0_i32_0 = arith.constant 0 : i32
    return %arg0, %c0_i32 : i32, i32
  }
}

module attributes {stable_mosaic.version = 14 : i64} {
  func.func @_tc3_body(%arg0: i32, %arg1: memref<2x1264x128xf32, #tpu.memory_space<vmem>>, %arg2: memref<128x16xf32, #tpu.memory_space<vmem>>, %arg3: memref<1x16xf32, #tpu.memory_space<vmem>>, %arg4: memref<1264x16xf32, #tpu.memory_space<vmem>>) attributes {dimension_semantics = [#tpu.dimension_semantics<arbitrary>], iteration_bounds = array<i64: 8>, scalar_prefetch = 0 : i64, scratch_operands = 0 : i64, tpu.core_type = #tpu.core_type<tc>, window_params = [{transform_indices = @transform_0, window_bounds = array<i64: 2, 1264, 128>}, {pipeline_mode = #tpu.pipeline_mode<synchronous>, transform_indices = @transform_1, window_bounds = array<i64: 128, 16>}, {pipeline_mode = #tpu.pipeline_mode<synchronous>, transform_indices = @transform_2, window_bounds = array<i64: 1, 16>}, {transform_indices = @transform_3, window_bounds = array<i64: 1264, 16>}]} {
    %get3A = arith.constant 0 : index
    %get3A_0 = arith.constant 0 : index
    %get3A_1 = arith.constant 0 : index
    %get3A_2 = vector.load %arg1[%get3A, %get3A_0, %get3A_1] : memref<2x1264x128xf32, #tpu.memory_space<vmem>>, vector<1x1264x128xf32>
    %get3A_3 = vector.shape_cast %get3A_2 : vector<1x1264x128xf32> to vector<1264x128xf32>
    %get3A_4 = arith.constant 1 : index
    %get3A_5 = arith.constant 0 : index
    %get3A_6 = arith.constant 0 : index
    %get3A_7 = vector.load %arg1[%get3A_4, %get3A_5, %get3A_6] : memref<2x1264x128xf32, #tpu.memory_space<vmem>>, vector<1x1264x128xf32>
    %get3A_8 = vector.shape_cast %get3A_7 : vector<1x1264x128xf32> to vector<1264x128xf32>
    %add3A = arith.addf %get3A_3, %get3A_8 : vector<1264x128xf32>
    %get3A_9 = arith.constant 0 : index
    %get3A_10 = arith.constant 0 : index
    %get3A_11 = vector.load %arg2[%get3A_9, %get3A_10] : memref<128x16xf32, #tpu.memory_space<vmem>>, vector<128x16xf32>
    %dot_general3A = arith.constant dense<0.000000e+00> : vector<1264x16xf32>
    %dot_general3A_12 = tpu.matmul %add3A, %get3A_11, %dot_general3A {dimension_numbers = #tpu.dot_dimension_numbers<[1], [0], [0], [1], [0, 0, 1, 1], [], []>, precision = #tpu.contract_precision<fp32>, transpose_lhs_hint = false} : vector<1264x128xf32>, vector<128x16xf32>, vector<1264x16xf32> -> vector<1264x16xf32>
    %slice3A = vector.extract_strided_slice %add3A {offsets = [0, 0], sizes = [1264, 16], strides = [1, 1]} : vector<1264x128xf32> to vector<1264x16xf32>
    %add3A_13 = arith.constant 1.000000e-16 : f32
    %add3A_14 = vector.broadcast %add3A_13 : f32 to vector<1264x16xf32>
    %add3A_15 = arith.addf %dot_general3A_12, %add3A_14 : vector<1264x16xf32>
    %div3A = arith.divf %slice3A, %add3A_15 : vector<1264x16xf32>
    %get3A_16 = arith.constant 0 : index
    %get3A_17 = arith.constant 0 : index
    %get3A_18 = vector.load %arg3[%get3A_16, %get3A_17] : memref<1x16xf32, #tpu.memory_space<vmem>>, vector<1x16xf32>
    %add3A_19 = vector.broadcast %get3A_18 : vector<1x16xf32> to vector<1264x16xf32>
    %add3A_20 = arith.addf %div3A, %add3A_19 : vector<1264x16xf32>
    %reduce_max3A = arith.constant dense<0xFF800000> : vector<1264xf32>
    %reduce_max3A_21 = vector.multi_reduction <maximumf>, %add3A_20, %reduce_max3A [1] : vector<1264x16xf32> to vector<1264xf32>
    %broadcast_in_dim3A = vector.shape_cast %reduce_max3A_21 : vector<1264xf32> to vector<1264x1xf32>
    %sub3A = vector.broadcast %broadcast_in_dim3A : vector<1264x1xf32> to vector<1264x16xf32>
    %sub3A_22 = arith.subf %add3A_20, %sub3A : vector<1264x16xf32>
    %exp3A = math.exp %sub3A_22 : vector<1264x16xf32>
    %reduce_sum3A = arith.constant dense<0.000000e+00> : vector<1264xf32>
    %reduce_sum3A_23 = vector.multi_reduction <add>, %exp3A, %reduce_sum3A [1] : vector<1264x16xf32> to vector<1264xf32>
    %broadcast_in_dim3A_24 = vector.shape_cast %reduce_sum3A_23 : vector<1264xf32> to vector<1264x1xf32>
    %log3A = math.log %broadcast_in_dim3A_24 : vector<1264x1xf32>
    %sub3A_25 = vector.broadcast %log3A : vector<1264x1xf32> to vector<1264x16xf32>
    %sub3A_26 = arith.subf %sub3A_22, %sub3A_25 : vector<1264x16xf32>
    %swap3A = arith.constant 0 : index
    %swap3A_27 = arith.constant 0 : index
    %swap3A_28 = vector.load %arg4[%swap3A, %swap3A_27] : memref<1264x16xf32, #tpu.memory_space<vmem>>, vector<1264x16xf32>
    tpu.vector_store %arg4[%swap3A, %swap3A_27], %sub3A_26 {strides = array<i32>} : memref<1264x16xf32, #tpu.memory_space<vmem>>, vector<1264x16xf32>,
    return
  }
  func.func @transform_0(%arg0: i32) -> (i32, i32, i32) {
    %c0_i32 = arith.constant 0 : i32
    %c0_i32_0 = arith.constant 0 : i32
    %c0_i32_1 = arith.constant 0 : i32
    return %c0_i32, %arg0, %c0_i32_0 : i32, i32, i32
  }
  func.func @transform_1(%arg0: i32) -> (i32, i32) {
    %c0_i32 = arith.constant 0 : i32
    %c0_i32_0 = arith.constant 0 : i32
    %c0_i32_1 = arith.constant 0 : i32
    return %c0_i32, %c0_i32_0 : i32, i32
  }
  func.func @transform_2(%arg0: i32) -> (i32, i32) {
    %c0_i32 = arith.constant 0 : i32
    %c0_i32_0 = arith.constant 0 : i32
    %c0_i32_1 = arith.constant 0 : i32
    return %c0_i32, %c0_i32_0 : i32, i32
  }
  func.func @transform_3(%arg0: i32) -> (i32, i32) {
    %c0_i32 = arith.constant 0 : i32
    %c0_i32_0 = arith.constant 0 : i32
    return %arg0, %c0_i32 : i32, i32
  }
}

</mosaic_0001>

<sc_bundles>
// kernel: kernel.10.cloned.1.call-start
scs
__scs_entry_jumppad:
0x0: {  	(pc) =	sbr.rel $0x88, $3  }
0x1: {  	(tag) =	ssettag $0x0;
	lr =	simm.s32 $0x1  }
0x2: {  	[smem:$0x3F97] =	sst lr;
	_ =	strace $0xD0000000  }
0x3: {  	_ = 	snop  }
0x4: {  	_ = 	snop  }
0x5: {  	_ = 	snop  }
0x6: {  	_ = 	snop  }
0x7: {  	_ = 	snop  }
__scs_overlays_trampoline_lowered:
0x8: {  	[smem:$0x3FA6] =	sst s0  }
0x9: {  	[smem:$0x3FA7] =	sst s1  }
0xa: {  	[smem:$0x3FA8] =	sst s2  }
0xb: {  	[smem:$0x3FA9] =	sst s3  }
0xc: {  	[smem:$0x3FAA] =	sst s4  }
0xd: {  	[smem:$0x3FAB] =	sst s5  }
0xe: {  	[smem:$0x3FAC] =	sst s6  }
0xf: {  	[smem:$0x3FAD] =	sst s7  }
0x10: {  	[smem:$0x3FAE] =	sst s8  }
0x11: {  	[smem:$0x3FAF] =	sst s9;
	s0 =	simm.s32 @!p0 $0x0  }
0x12: {  	s1 =	sld [smem:$0x3F95];
	s0 =	simm.s32 @p0 $0x1  }
0x13: {  	[smem:$0x3FB0] =	sst s0;
	s0 =	simm.s32 @!p1 $0x0  }
0x14: {  	s2 =	sld [smem:$0x3F94];
	s0 =	simm.s32 @p1 $0x1  }
0x15: {  	[smem:$0x3FB1] =	sst s0;
	s0 =	simm.s32 @!p2 $0x0  }
0x16: {  	s3 =	sld [smem:$0x3FDB];
	s0 =	simm.s32 @p2 $0x1  }
0x17: {  	s4 =	simm.s32 $0x1BF5;
	[smem:$0x3FB3] =	sst s0  }
0x18: {  	s0 =	sld [smem:$0x3F96];
	_ =	swait.ge [sflag:s4], $0x0  }
0x19: {  	s7 =	sld [smem:$0x3F97]  }
0x1a: {  	s8 =	sadd.s32 $0xFFFFE003, lr  }
0x1b: {  	s9 =	sadd.s32 $0xFFFFFEF7, lr;
	s5 =	simm.s32 $0xFFFFFFFF;
	p2 =	slt.u32 s8, $0xFFFFF086  }
0x1c: {  	p1 =	slt.u32 s9, $0xF7A;
	s5 =	simm.s32 @!p2 $0x0  }
0x1d: {  	s5 =	simm.s32 @p1 $0x1;
	p0 =	seq.s32 s7, s2  }
0x1e: {  	s7 =	smul.u32 @!p0 $0xF7A, s2;
	p2 =	seq.s32 @!p0 s5, $0x0  }
0x1f: {  	s9 =	smul.u32 $0xF7A, s1;
	s8 =	simm.s32 @!p0 $0x1BF5;
	p2 =	por !p2, p0  }
0x20: {  	[sflag:s8] =	ssyncset.s32 @!p0 $0xFFFFF086;
	s6 =	sadd.s32 @!p0 s3, s7;
	s7 =	simm.s32 @!p0 $0x108  }
0x21: {  	s3 =	sadd.s32 s3, s9;
	s6 =	sadd.s32 @!p0 $0x88, s6;
	s7 =	simm.s32 @p2 $0x1082  }
0x22: {  	[simem:s7], [sflag:s8] =	dma.local @!p0 [hbm:s6], $0xF7A  }
0x23: {  	s9 =	sor.u32 $0xD0000000, s2;
	s6 =	simm.s32 $0x108;
	_ =	swait.ge @!p0 [sflag:s8], $0x0  }
0x24: {  	s3 =	sadd.s32 $0x88, s3;
	s6 =	simm.s32 @!p1 $0x1082;
	[sflag:s4] =	ssyncset.s32 $0xFFFFF086  }
0x25: {  	[simem:s6], [sflag:s4] =	dma.local [hbm:s3], $0xF7A  }
0x26: {  	[smem:$0x3F97] =	sst s1;
	(tag) =	ssettag s2;
	_ =	strace s9  }
0x27: {  	s1 =	sld [smem:$0x3FA7]  }
0x28: {  	s2 =	sld [smem:$0x3FA8]  }
0x29: {  	s4 =	sld [smem:$0x3FAA]  }
0x2a: {  	p0 =	seq.s32 s5, $0x0;
	s5 =	sld [smem:$0x3FAB]  }
0x2b: {  	s6 =	sld [smem:$0x3FAC]  }
0x2c: {  	s7 =	sld [smem:$0x3FAD]  }
0x2d: {  	s3 =	simm.s32 $0x108;
	s8 =	sld [smem:$0x3FAE]  }
0x2e: {  	s3 =	simm.s32 @!p0 $0x1082;
	s9 =	sld [smem:$0x3FAF]  }
0x2f: {  	lr =	sadd.s32 s0, s3;
	s0 =	sld [smem:$0x3FA6]  }
0x30: {  	s3 =	sld [smem:$0x3FA9]  }
0x31: {  	[smem:$0x3FB2] =	sst s10  }
0x32: {  	s10 =	sld [smem:$0x3FB0];
	_ =	sdelay $0x3  }
0x33: {  	p0 =	seq.s32 s10, $0x1;
	s10 =	sld [smem:$0x3FB2];
	_ =	sdelay $0x3  }
0x34: {  	[smem:$0x3FB2] =	sst s10  }
0x35: {  	s10 =	sld [smem:$0x3FB1];
	_ =	sdelay $0x3  }
0x36: {  	p1 =	seq.s32 s10, $0x1;
	s10 =	sld [smem:$0x3FB2];
	_ =	sdelay $0x3  }
0x37: {  	[smem:$0x3FB2] =	sst s10  }
0x38: {  	s10 =	sld [smem:$0x3FB3]  }
0x39: {  	_ = 	snop;
	(pc) =	sbr.ind lr, $3  }
0x3a: {  	_ = 	snop  }
0x3b: {  	_ = 	snop  }
0x3c: {  	p2 =	seq.s32 s10, $0x1;
	s10 =	sld [smem:$0x3FB2]  }
0x3d: {  	_ =	shalt  }
0x3e: {  	_ =	shalt  }
0x3f: {  	_ =	shalt  }
0x40: {  	_ =	shalt  }
0x41: {  	_ =	shalt  }
0x42: {  	_ =	shalt  }
0x43: {  	_ =	shalt  }
0x44: {  	_ =	shalt  }
0x45: {  	_ =	shalt  }
0x46: {  	_ =	shalt  }
0x47: {  	_ =	shalt  }
0x48: {  	_ =	shalt  }
0x49: {  	_ =	shalt  }
0x4a: {  	_ =	shalt  }
0x4b: {  	_ =	shalt  }
0x4c: {  	_ =	shalt  }
0x4d: {  	_ =	shalt  }
0x4e: {  	_ =	shalt  }
0x4f: {  	_ =	shalt  }
0x50: {  	_ =	shalt  }
0x51: {  	_ =	shalt  }
0x52: {  	_ =	shalt  }
0x53: {  	_ =	shalt  }
0x54: {  	_ =	shalt  }
0x55: {  	_ =	shalt  }
0x56: {  	_ =	shalt  }
0x57: {  	_ =	shalt  }
0x58: {  	_ =	shalt  }
0x59: {  	_ =	shalt  }
0x5a: {  	_ =	shalt  }
0x5b: {  	_ =	shalt  }
0x5c: {  	_ =	shalt  }
0x5d: {  	_ =	shalt  }
0x5e: {  	_ =	shalt  }
0x5f: {  	_ =	shalt  }
0x60: {  	_ =	shalt  }
0x61: {  	_ =	shalt  }
0x62: {  	_ =	shalt  }
0x63: {  	_ =	shalt  }
0x64: {  	_ =	shalt  }
0x65: {  	_ =	shalt  }
0x66: {  	_ =	shalt  }
0x67: {  	_ =	shalt  }
0x68: {  	_ =	shalt  }
0x69: {  	_ =	shalt  }
0x6a: {  	_ =	shalt  }
0x6b: {  	_ =	shalt  }
0x6c: {  	_ =	shalt  }
0x6d: {  	_ =	shalt  }
0x6e: {  	_ =	shalt  }
0x6f: {  	_ =	shalt  }
0x70: {  	_ =	shalt  }
0x71: {  	_ =	shalt  }
0x72: {  	_ =	shalt  }
0x73: {  	_ =	shalt  }
0x74: {  	_ =	shalt  }
0x75: {  	_ =	shalt  }
0x76: {  	_ =	shalt  }
0x77: {  	_ =	shalt  }
0x78: {  	_ =	shalt  }
0x79: {  	_ =	shalt  }
0x7a: {  	_ =	shalt  }
0x7b: {  	_ =	shalt  }
0x7c: {  	_ =	shalt  }
0x7d: {  	_ =	shalt  }
0x7e: {  	_ =	shalt  }
0x7f: {  	_ =	shalt  }
0x80: {  	_ =	shalt  }
0x81: {  	_ =	shalt  }
0x82: {  	_ =	shalt  }
0x83: {  	_ =	shalt  }
0x84: {  	_ =	shalt  }
0x85: {  	_ =	shalt  }
0x86: {  	_ =	shalt  }
0x87: {  	_ =	shalt  }
.Lfunc_end0:
.L_simem_size_0:
called_computation.1_lowered:
.L_overlay_start_0:
0x88: {  	s2 =	sld [smem:$0x3FD9]  }
0x89: {  	s3 =	sld [smem:$0x3FFE];
	_ =	sdelay $0x1  }
0x8a: {  	s1 =	srdreg.scid  }
0x8b: {  	s0 =	sand.u32 $0x1, s1  }
0x8c: {  	s16 =	sshll.u32 s0, $0xA;
	s2 =	sadd.s32 s3, s2  }
0x8d: {  	s2 =	sadd.s32 s2, s16  }
0x8e: {  	[smem:$0x3FBE] =	sst s2  }
0x8f: {  	_ = 	snop  }
0x90: {  	(tm) =	ssettm $0x1  }
0x91: {  	s17 =	sld [smem:$0x3FFB];
	_ =	sdelay $0x3  }
0x92: {  	_ =	strace s17  }
0x93: {  	s2 =	sld [smem:$0x3FFC];
	_ =	sdelay $0x3  }
0x94: {  	_ =	strace s2  }
0x95: {  	s2 =	sld [smem:$0x3FFD];
	_ =	sdelay $0x3  }
0x96: {  	_ =	strace s2  }
0x97: {  	_ =	strace $0x8FFFFFFF  }
0x98: {  	s18 =	sld [smem:$0x3FDB];
	_ =	sdelay $0x1  }
0x99: {  	s19 =	simm.s32 $_scs_section_size  }
0x9a: {  	s4 =	simm.s32 $_size__tile_overlayer_lowered;
	s5 =	simm.s32 $_tile_overlayer_lowered  }
0x9b: {  	s22 =	simm.s32 $0x1BFF;
	s21 =	sshll.u32 s5, $0x1;
	s2 =	sadd.s32 s19, s18  }
0x9c: {  	s6 =	simm.s32 $0x0;
	s20 =	sshll.u32 s4, $0x1;
	s4 =	sadd.s32 s21, s2  }
0x9d: {  	[timem:s6], [sflag:s22] =	dma.local [hbm:s4], s20  }
0x9e: {  	_ =	swait.ge [sflag:s22], s20  }
0x9f: {  	s3 =	ssub.s32 $0x0, s20;
	[sflag:s22] =	ssyncset.done $0x0  }
0xa0: {  	[sflag:s22] =	ssyncadd.s32 s3;
	_ =	sdelay $0x1  }
0xa1: {  	s23 =	simm.s32 $0x1B8B  }
0xa2: {  	_ =	swait.ge [sflag:s23], $0x1  }
0xa3: {  	[sflag:s23] =	ssyncset.done $0x0  }
0xa4: {  	s25 =	simm.s32 $0x1B8E;
	s24 =	sld [smem:$0x3FFE];
	[sflag:s23] =	ssyncadd.s32 $0xFFFFFFFF  }
0xa5: {  	s26 =	simm.s32 $execute0_lowered;
	[smem:$0x3FD2] =	sst s25  }
0xa6: {  	s4 =	sshll.u32 s26, $0x1;
	_ =	strace $0x80000049;
	[dreg:$0x1] =	wrdreg $0xFFFFFFFF  }
0xa7: {  	s28 =	simm.s32 $_size_execute0_lowered;
	s2 =	sadd.s32 s2, s4;
	[dreg:$0x0] =	wrdreg $0x0  }
0xa8: {  	s4 =	sshll.u32 s28, $0x1;
	[dreg:$0x2] =	wrdreg s2  }
0xa9: {  	[dreg:$0x3] =	wrdreg s4  }
0xaa: {  	[dreg:$0x4] =	wrdreg $0xC0  }
0xab: {  	_ =	task [dreg:s6], $0x5FFFF  }
0xac: {  	[dreg:$0x1] =	wrdreg $0xFFFFFFFF  }
0xad: {  	[dreg:$0x0] =	wrdreg $0x60  }
0xae: {  	[dreg:$0x2] =	wrdreg s24  }
0xaf: {  	[dreg:$0x3] =	wrdreg $0x0  }
0xb0: {  	[dreg:$0x4] =	wrdreg $0x9  }
0xb1: {  	_ =	task.clear_ibuf [dreg:s6], $0x5FFFF;
	_ =	strace $0x90000049  }
0xb2: {  	s29 =	simm.s32 $0x9;
	_ =	strace $0x8000004B  }
0xb3: {  	_ =	swait.ge [sflag:s29], $0x1  }
0xb4: {  	[sflag:s29] =	ssyncadd.s32 $0xFFFFFFFF  }
0xb5: {  	_ =	strace $0x9000004B  }
0xb6: {  	_ =	sfence  }
0xb7: {  	s30 =	sld [smem:$0x0];
	_ =	sdelay $0x2  }
0xb8: {  	s31 =	sshll.u32 s1, $0xD;
	s1 =	sshrl.u32 s1, $0x2  }
0xb9: {  	s3 =	sand.u32 $0x4000, s31;
	s1 =	sadd.s32 s1, s30  }
0xba: {  	s0 =	sor.u32 s3, s0;
	s1 =	sshll.u32 s1, $0x11  }
0xbb: {  	s0 =	sor.u32 s1, s0  }
0xbc: {  	s0 =	sadd.s32 $0x8F2B, s0  }
0xbd: {  	[sflag:s0] =	ssyncadd.remote.s32 $0x1  }
0xbe: {  	_ =	sfence.sel $0xFFFF  }
0xbf: {  	[dreg:$0x0] =	wrdreg $0xFFFFFFFF;
	(pc) =	sbr.abs _section_cstart, $3  }
0xc0: {  	[dreg:$0x1] =	wrdreg $0xFFFFFFFF  }
0xc1: {  	_ =	task.clear_ibuf [dreg:s6], $0x2FFFF;
	_ =	strace $0x9FFFFFFF  }
0xc2: {  	(tm) =	ssettm $0x7FFFFFFF  }
0xc3: {  	_ =	shalt  }
tec
execute0_lowered:
.L_overlay_start_1:
0x0: {  	(tag) =	ssettag $0x1  }
0x1: {  	s1 =	rddreg [dreg:$0x0]  }
0x2: {  	s2 =	rddreg [dreg:$0x1];
	s4 =	simm.s32 $0x0  }
0x3: {  	s0 =	srdreg.scid;
	s14 =	stileid.u32;
	s21 =	simm.s32 $0x13C00  }
0x4: {  	s22 =	simm.s32 $0x13C80;
	s23 =	simm.s32 $0x80;
	s3 =	smul.u32 $0x4F000, s14  }
0x5: {  	s28 =	simm.s32 $0x0;
	[smem:$0x7FF] =	sst s4;
	s11 =	smul.u32 $0x13C00, s14  }
0x6: {  	s0 =	sand.u32 $0x1, s0;
	s5 =	sadd.s32 $0xB000, s1;
	s14 =	smul.u32 $0x2C00, s14  }
0x7: {  	s6 =	sadd.s32 $0x16000, s1;
	s13 =	sadd.s32 $0x3D800, s1;
	s16 =	smul.u32 $0x13C000, s0  }
0x8: {  	_ =	strace $0x8000004A;
	s7 =	ssub.s32 $0x2, s0;
	s0 =	smul.u32 $0x2C000, s0  }
0x9: {  	s8 =	sshrl.u32 s7, $0x1;
	s3 =	sshrl.u32 s3, $0x2;
	s12 =	sadd.s32 $0x4000, s11  }
0xa: {  	s24 =	sadd.s32 $0x8000, s11;
	s15 =	sadd.s32 $0xC000, s11;
	s17 =	sadd.s32 $0x10000, s11  }
0xb: {  	s18 =	ssub.s32 s7, s8;
	s7 =	sadd.s32 s3, s2;
	s8 =	sadd.s32 s12, s2  }
0xc: {  	s9 =	sadd.s32 s24, s2;
	s10 =	sadd.s32 s15, s2;
	s19 =	sadd.s32 s11, s16  }
0xd: {  	s12 =	sadd.s32 s16, s12;
	s11 =	sadd.s32 s17, s2;
	s29 =	sadd.s32 s16, s24  }
0xe: {  	s30 =	sadd.s32 s16, s15;
	s31 =	sadd.s32 s16, s17;
	s24 =	simm.s32 $0x13D00  }
0xf: {  	s19 =	sshrl.u32 s19, $0x3;
	s20 =	sshrl.u32 s12, $0x3;
	s12 =	sadd.s32 s14, s0  }
0x10: {  	s0 =	sshrl.u32 s29, $0x3;
	s3 =	sshrl.u32 s30, $0x3;
	s17 =	sshrl.u32 s31, $0x3  }
0x11: {  	s18 =	smax.u32 s18, $0x1;
	s25 =	sadd.s32 s13, s19;
	s26 =	sadd.s32 s13, s20  }
0x12: {  	s15 =	sadd.s32 s13, s0;
	s16 =	sadd.s32 s13, s3;
	s17 =	sadd.s32 s13, s17  }
0x13: {  	s19 =	simm.s32 $0x1BD00;
	s20 =	simm.s32 $0x1;
	[dreg:$0x3] =	wrdreg s25  }
0x14: {  	v0 =	vimm.f32 $0.0e+00;
	[dreg:$0x4] =	wrdreg s26;
	s25 =	simm.s32 $0x17D00;
	s26 =	simm.s32 $0x0  }
.LBB2_1:
0x15: {  	s0 =	simm.s32 $0x0;
	s3 =	simm.s32 $0x200  }
.LBB2_2:
0x16: {  	p0 =	sne.s32 s3, $0xFE00;
	[tilespmem:s0+$0x1BD70] =	vst v0  }
0x17: {  	[tilespmem:s0+$0x1BD00] =	vst v0  }
0x18: {  	[tilespmem:s0+$0x1BD10] =	vst v0  }
.Ltmp0:
0x19: {  	[tilespmem:s0+$0x1BD20] =	vst v0;
	(pc) =	sbr.rel @p0 .LBB2_2-.Ltmp0, $4  }
0x1a: {  	[tilespmem:s0+$0x1BD30] =	vst v0  }
0x1b: {  	[tilespmem:s0+$0x1BD40] =	vst v0  }
0x1c: {  	[tilespmem:s0+$0x1BD50] =	vst v0  }
0x1d: {  	[tilespmem:s0+$0x1BD60] =	vst v0;
	s0 =	sshra.s32 s3, $0x2;
	s3 =	sadd.s32 $0x200, s3  }
0x1e: {  	[tilespmem:s0+$0x1BD70] =	vst v0  }
0x1f: {  	[tilespmem:s0+$0x1BD00] =	vst v0  }
0x20: {  	[tilespmem:s0+$0x1BD10] =	vst v0  }
0x21: {  	[tilespmem:s0+$0x1BD20] =	vst v0  }
0x22: {  	[tilespmem:s0+$0x1BD30] =	vst v0  }
0x23: {  	[tilespmem:s0+$0x1BD40] =	vst v0  }
0x24: {  	[tilespmem:s0+$0x1BD50] =	vst v0  }
0x25: {  	[tilespmem:s0+$0x1BD60] =	vst v0  }
0x26: {  	[spmem:s7] =	stream.linear.scatter [tilespmem:s19], [sflag:$0x1], $0x4000, $0x38;
	[tilespmem:$0x1FD00] =	vst v63  }
0x27: {  	_ =	swait.ge [sflag:s20], $0x4000  }
0x28: {  	[sflag:s20] =	ssyncset.done $0x0  }
0x29: {  	[sflag:s20] =	ssyncadd.s32 $0xFFFFC000  }
0x2a: {  	[spmem:s8] =	stream.linear.scatter [tilespmem:s19], [sflag:$0x1], $0x4000, $0x38;
	[tilespmem:$0x1FD00] =	vst v63  }
0x2b: {  	_ =	swait.ge [sflag:s20], $0x4000  }
0x2c: {  	[sflag:s20] =	ssyncset.done $0x0  }
0x2d: {  	[sflag:s20] =	ssyncadd.s32 $0xFFFFC000  }
0x2e: {  	[spmem:s9] =	stream.linear.scatter [tilespmem:s19], [sflag:$0x1], $0x4000, $0x38;
	[tilespmem:$0x1FD00] =	vst v63  }
0x2f: {  	_ =	swait.ge [sflag:s20], $0x4000  }
0x30: {  	[sflag:s20] =	ssyncset.done $0x0  }
0x31: {  	[sflag:s20] =	ssyncadd.s32 $0xFFFFC000  }
0x32: {  	[spmem:s10] =	stream.linear.scatter [tilespmem:s19], [sflag:$0x1], $0x4000, $0x38;
	[tilespmem:$0x1FD00] =	vst v63  }
0x33: {  	_ =	swait.ge [sflag:s20], $0x4000  }
0x34: {  	[sflag:s20] =	ssyncset.done $0x0  }
0x35: {  	[sflag:s20] =	ssyncadd.s32 $0xFFFFC000  }
0x36: {  	[spmem:s11] =	stream.linear.scatter [tilespmem:s19], [sflag:$0x1], $0x3C00, $0x38;
	[tilespmem:$0x1FD00] =	vst v63  }
0x37: {  	_ =	swait.ge [sflag:s20], $0x3C00  }
0x38: {  	[sflag:s20] =	ssyncset.done $0x0  }
0x39: {  	[sflag:s20] =	ssyncadd.s32 $0xFFFFC400  }
0x3a: {  	s29 =	simm.s32 $0x0;
	[bflag:$0x0] =	sbarrier.arrive $0xFFFF  }
.LBB2_4:
0x3b: {  	s0 =	sshll.u32 s29, $0x7  }
0x3c: {  	s3 =	sand.u32 $0x3C00, s0  }
0x3d: {  	s0 =	sand.u32 $0x380, s0;
	s3 =	sadd.s32 s3, s12  }
0x3e: {  	s0 =	sor.u32 s0, s3  }
0x3f: {  	s0 =	sshrl.u32 s0, $0x3  }
0x40: {  	s14 =	sadd.s32 s1, s0  }
0x41: {  	[tilespmem:s21], [sflag:$0x1] =	stream.linear.gather [hbm4b:s14+s28], $0x80, $0x38;
	[tilespmem:$0x1FD00] =	vst v63  }
0x42: {  	_ =	swait.ge [sflag:s20], $0x80  }
0x43: {  	[sflag:s20] =	ssyncset.done $0x0  }
0x44: {  	s0 =	sadd.s32 s5, s0;
	[sflag:s20] =	ssyncadd.s32 $0xFFFFFF80  }
0x45: {  	[tilespmem:s22], [sflag:$0x1] =	stream.linear.gather [hbm4b:s0+s28], $0x80, $0x38;
	[tilespmem:$0x1FD00] =	vst v63  }
0x46: {  	_ =	swait.ge [sflag:s20], $0x80  }
0x47: {  	[sflag:s20] =	ssyncset.done $0x0  }
0x48: {  	[sflag:s20] =	ssyncadd.s32 $0xFFFFFF80  }
0x49: {  	[tilespmem:s24], [sflag:$0x1] =	stream.indirect.gather [hbm4b:s6+s23], $0x80, s21, s23, $0xb8;
	[tilespmem:$0x1FD00] =	vst v63  }
0x4a: {  	_ =	swait.ge [sflag:s20], $0x4000  }
0x4b: {  	[sflag:s20] =	ssyncset.done $0x0  }
0x4c: {  	[sflag:s20] =	ssyncadd.s32 $0xFFFFC000  }
0x4d: {  	[tilespmem:s25], [sflag:$0x1] =	stream.indirect.gather [hbm4b:s6+s23], $0x80, s22, s23, $0xb8;
	[tilespmem:$0x1FD00] =	vst v63  }
0x4e: {  	_ =	swait.ge [sflag:s20], $0x4000  }
0x4f: {  	[sflag:s20] =	ssyncset.done $0x0  }
0x50: {  	s0 =	simm.s32 $0x0;
	[sflag:s20] =	ssyncadd.s32 $0xFFFFC000  }
0x51: {  	v1 =	vld [tilespmem:s0+$0x13D10]  }
0x52: {  	v2 =	vld [tilespmem:s0+$0x17D20];
	_ =	sdelay $0x4  }
0x53: {  	s31 =	simm.s32 $0x80;
	v1 =	vadd.f32 v2, v1  }
0x54: {  	v3 =	vld [tilespmem:s31+$0x13D10]  }
0x55: {  	v4 =	vld [tilespmem:s31+$0x17D20];
	v2 =	vmul.f32 $2.000000030e-01, v1;
	_ =	sdelay $0x1  }
0x56: {  	v1 =	vmax.f32 v1, v2  }
0x57: {  	s30 =	simm.s32 $0x100;
	v1 =	vmul.f32 $1.442695020e+00, v1  }
0x58: {  	v5 =	vld [tilespmem:s30+$0x17D20]  }
0x59: {  	v2 =	vld [tilespmem:s30+$0x13D10];
	(erf) = vpow2.f32 v1;
	v1 =	vadd.f32 v4, v3;
	_ =	sdelay $0x1  }
0x5a: {  	v3 =	vmul.f32 $2.000000030e-01, v1;
	_ =	sdelay $0x1  }
0x5b: {  	s3 =	simm.s32 $0x180;
	v1 =	vmax.f32 v1, v3  }
0x5c: {  	v4 =	vadd.f32 v5, v2;
	v2 =	vld [tilespmem:s3+$0x13D10];
	v3 =	vmul.f32 $1.442695020e+00, v1  }
0x5d: {  	v1 =	vld [tilespmem:s0+$0x13D00]  }
0x5e: {  	(erf) = vpow2.f32 v3;
	v3 =	vld [tilespmem:s3+$0x17D20]  }
0x5f: {  	v5 =	vmul.f32 $2.000000030e-01, v4;
	_ =	sdelay $0x1  }
0x60: {  	s13 =	simm.s32 $0x800;
	v5 =	vmax.f32 v4, v5;
	v4 =	vpop (erf)  }
.LBB2_5:
0x61: {  	s14 =	sshra.s32 s13, $0x2;
	v5 =	vmul.f32 $1.442695020e+00, v5;
	[tilespmem:s0+$0x1BD10] =	vst v4;
	v4 =	vmul.f32 v4, v1;
	v1 =	vld [tilespmem:s31+$0x13D00];
	p0 =	sne.s32 s13, $0xFE00  }
.Ltmp1:
0x62: {  	s13 =	sadd.s32 $0x200, s13;
	v6 =	vadd.f32 v3, v2;
	v2 =	vld [tilespmem:s14+$0x13D10];
	(pc) =	sbr.rel @p0 .LBB2_5-.Ltmp1, $3  }
0x63: {  	v3 =	vld [tilespmem:s14+$0x17D20];
	(erf) = vpow2.f32 v5;
	[tilespmem:s0+$0x1BD00] =	vst v4;
	s0 =	smov.u32 s31;
	s31 =	smov.u32 s30;
	s30 =	smov.u32 s3  }
0x64: {  	s3 =	smov.u32 s14;
	v7 =	vmul.f32 $2.000000030e-01, v6;
	_ =	sdelay $0x1  }
0x65: {  	v5 =	vmax.f32 v6, v7;
	v4 =	vpop (erf)  }
0x66: {  	_ = 	snop  }
0x67: {  	v2 =	vadd.f32 v3, v2;
	_ =	sdelay $0x1  }
0x68: {  	v3 =	vmul.f32 $2.000000030e-01, v2;
	_ =	sdelay $0x1  }
0x69: {  	v5 =	vmul.f32 $1.442695020e+00, v5;
	v2 =	vmax.f32 v2, v3  }
0x6a: {  	v6 =	vld [tilespmem:s31+$0x13D00];
	v2 =	vmul.f32 $1.442695020e+00, v2  }
0x6b: {  	(erf) = vpow2.f32 v5;
	_ =	sdelay $0x1  }
0x6c: {  	v1 =	vmul.f32 v4, v1;
	(erf) = vpow2.f32 v2  }
0x6d: {  	[tilespmem:s0+$0x1BD10] =	vst v4;
	v2 =	vpop (erf)  }
0x6e: {  	[tilespmem:s0+$0x1BD00] =	vst v1;
	v3 =	vmul.f32 v2, v6  }
0x6f: {  	v1 =	vld [tilespmem:s30+$0x13D00];
	[tilespmem:s31+$0x1BD10] =	vst v2  }
0x70: {  	[tilespmem:s31+$0x1BD00] =	vst v3  }
0x71: {  	v2 =	vld [tilespmem:s3+$0x13D00];
	_ =	sdelay $0x1  }
0x72: {  	v3 =	vpop (erf)  }
0x73: {  	v1 =	vmul.f32 v3, v1  }
0x74: {  	[tilespmem:s30+$0x1BD10] =	vst v3;
	v3 =	vpop (erf)  }
0x75: {  	s29 =	sadd.s32 $0x1, s29;
	[tilespmem:s30+$0x1BD00] =	vst v1;
	v1 =	vmul.f32 v3, v2  }
0x76: {  	p0 =	sne.s32 s29, $0x51;
	[tilespmem:s3+$0x1BD10] =	vst v3  }
.Ltmp2:
0x77: {  	[tilespmem:s3+$0x1BD00] =	vst v1;
	(pc) =	sbr.rel @p0 .LBB2_4-.Ltmp2, $4  }
0x78: {  	[spmem:s2] =	stream.indirect.scatter.add.f32 [tilespmem:s19], [sflag:$0x1], $0x80, s22, s23, $0xb8;
	[tilespmem:$0x1FD00] =	vst v63  }
0x79: {  	_ =	swait.ge [sflag:s20], $0x4000  }
0x7a: {  	[sflag:s20] =	ssyncset.done $0x0  }
0x7b: {  	[sflag:s20] =	ssyncadd.s32 $0xFFFFC000  }
0x7c: {  	[bflag:$0x0] =	sbarrier.arrive $0xFFFF  }
0x7d: {  	[tilespmem:s19], [sflag:$0x1] =	stream.linear.gather [spmem:s7], $0x4000, $0x38;
	[tilespmem:$0x1FD00] =	vst v63  }
0x7e: {  	_ =	swait.ge [sflag:s20], $0x4000  }
0x7f: {  	[sflag:s20] =	ssyncset.done $0x0  }
0x80: {  	s0 =	rddreg [dreg:$0x3];
	[sflag:s20] =	ssyncadd.s32 $0xFFFFC000  }
0x81: {  	[hbm4b:s0+s4] =	stream.linear.scatter [tilespmem:s19], [sflag:$0x1], $0x4000, $0x38;
	[tilespmem:$0x1FD00] =	vst v63  }
0x82: {  	_ =	swait.ge [sflag:s20], $0x4000  }
0x83: {  	[sflag:s20] =	ssyncset.done $0x0  }
0x84: {  	[sflag:s20] =	ssyncadd.s32 $0xFFFFC000  }
0x85: {  	[tilespmem:s19], [sflag:$0x1] =	stream.linear.gather [spmem:s8], $0x4000, $0x38;
	[tilespmem:$0x1FD00] =	vst v63  }
0x86: {  	_ =	swait.ge [sflag:s20], $0x4000  }
0x87: {  	[sflag:s20] =	ssyncset.done $0x0  }
0x88: {  	s31 =	rddreg [dreg:$0x4];
	[sflag:s20] =	ssyncadd.s32 $0xFFFFC000  }
0x89: {  	[hbm4b:s31+s4] =	stream.linear.scatter [tilespmem:s19], [sflag:$0x1], $0x4000, $0x38;
	[tilespmem:$0x1FD00] =	vst v63  }
0x8a: {  	_ =	swait.ge [sflag:s20], $0x4000  }
0x8b: {  	[sflag:s20] =	ssyncset.done $0x0  }
0x8c: {  	[sflag:s20] =	ssyncadd.s32 $0xFFFFC000  }
0x8d: {  	[tilespmem:s19], [sflag:$0x1] =	stream.linear.gather [spmem:s9], $0x4000, $0x38;
	[tilespmem:$0x1FD00] =	vst v63  }
0x8e: {  	_ =	swait.ge [sflag:s20], $0x4000  }
0x8f: {  	[sflag:s20] =	ssyncset.done $0x0  }
0x90: {  	[sflag:s20] =	ssyncadd.s32 $0xFFFFC000  }
0x91: {  	[hbm4b:s15+s4] =	stream.linear.scatter [tilespmem:s19], [sflag:$0x1], $0x4000, $0x38;
	[tilespmem:$0x1FD00] =	vst v63  }
0x92: {  	_ =	swait.ge [sflag:s20], $0x4000  }
0x93: {  	[sflag:s20] =	ssyncset.done $0x0  }
0x94: {  	[sflag:s20] =	ssyncadd.s32 $0xFFFFC000  }
0x95: {  	[tilespmem:s19], [sflag:$0x1] =	stream.linear.gather [spmem:s10], $0x4000, $0x38;
	[tilespmem:$0x1FD00] =	vst v63  }
0x96: {  	_ =	swait.ge [sflag:s20], $0x4000  }
0x97: {  	[sflag:s20] =	ssyncset.done $0x0  }
0x98: {  	[sflag:s20] =	ssyncadd.s32 $0xFFFFC000  }
0x99: {  	[hbm4b:s16+s4] =	stream.linear.scatter [tilespmem:s19], [sflag:$0x1], $0x4000, $0x38;
	[tilespmem:$0x1FD00] =	vst v63  }
0x9a: {  	_ =	swait.ge [sflag:s20], $0x4000  }
0x9b: {  	[sflag:s20] =	ssyncset.done $0x0  }
0x9c: {  	[sflag:s20] =	ssyncadd.s32 $0xFFFFC000  }
0x9d: {  	[tilespmem:s19], [sflag:$0x1] =	stream.linear.gather [spmem:s11], $0x3C00, $0x38;
	[tilespmem:$0x1FD00] =	vst v63  }
0x9e: {  	s26 =	sadd.s32 $0x1, s26;
	_ =	swait.ge [sflag:s20], $0x3C00  }
0x9f: {  	p0 =	sne.s32 s26, s18;
	[sflag:s20] =	ssyncset.done $0x0  }
.Ltmp3:
0xa0: {  	[sflag:s20] =	ssyncadd.s32 $0xFFFFC400;
	(pc) =	sbr.rel @p0 .LBB2_1-.Ltmp3, $4  }
0xa1: {  	[hbm4b:s17+s4] =	stream.linear.scatter [tilespmem:s19], [sflag:$0x1], $0x3C00, $0x38;
	[tilespmem:$0x1FD00] =	vst v63  }
0xa2: {  	_ =	swait.ge [sflag:s20], $0x3C00  }
0xa3: {  	[sflag:s20] =	ssyncset.done $0x0  }
0xa4: {  	[sflag:s20] =	ssyncadd.s32 $0xFFFFC400  }
0xa5: {  	_ =	sfence.sel $0x180000  }
0xa6: {  	[bflag:$0x0] =	sbarrier.arrive $0xFFFF  }
0xa7: {  	_ =	strace $0x9000004A  }
0xa8: {  	s0 =	stileid.u32;
	[bflag:$0x2] =	sbarrier.arrive $0xFFFF  }
0xa9: {  	p0 =	sne.s32 s0, $0x0;
	s0 =	rddreg [dreg:$0x2]  }
0xaa: {  	s0 =	sadd.s32 @!p0 $0x100000, s0  }
0xab: {  	[sflag:s0] =	ssyncadd.tile.s32 @!p0 $0x1;
	_ =	shalt  }
.Lfunc_end2:
_tile_overlayer_lowered:
.L_overlay_start_2:
0xac: {  	(tag) =	ssettag $0x2  }
0xad: {  	s0 =	rddreg [dreg:$0x0];
	s2 =	stileid.u32  }
0xae: {  	s1 =	rddreg [dreg:$0x1];
	p0 =	sne.s32 s2, $0x0  }
0xaf: {  	s3 =	rddreg [dreg:$0x2];
	[bflag:$0x3] =	sbarrier.arrive $0xFFFF;
	s2 =	simm.s32 @!p0 $0x1C01  }
0xb0: {  	[timem:s3], [sflag:s2] =	dma.local @!p0 [hbm:s0], s1  }
0xb1: {  	s0 =	simm.s32 @!p0 $0x1  }
0xb2: {  	_ =	swait.ge @!p0 [sflag:s0], s1  }
0xb3: {  	s1 =	ssub.s32 @!p0 $0x0, s1;
	[sflag:s0] =	ssyncset.done @!p0 $0x0  }
0xb4: {  	[sflag:s0] =	ssyncadd.s32 @!p0 s1  }
0xb5: {  	[bflag:$0x3] =	sbarrier.arrive $0xFFFF  }
0xb6: {  	_ =	shalt  }

// kernel: kernel.7.cloned.1.call-start
scs
__scs_entry_jumppad:
0x0: {  	(pc) =	sbr.rel $0x88, $3  }
0x1: {  	(tag) =	ssettag $0x0;
	lr =	simm.s32 $0x1  }
0x2: {  	[smem:$0x3F97] =	sst lr;
	_ =	strace $0xD0000000  }
0x3: {  	_ = 	snop  }
0x4: {  	_ = 	snop  }
0x5: {  	_ = 	snop  }
0x6: {  	_ = 	snop  }
0x7: {  	_ = 	snop  }
__scs_overlays_trampoline_lowered:
0x8: {  	[smem:$0x3FA6] =	sst s0  }
0x9: {  	[smem:$0x3FA7] =	sst s1  }
0xa: {  	[smem:$0x3FA8] =	sst s2  }
0xb: {  	[smem:$0x3FA9] =	sst s3  }
0xc: {  	[smem:$0x3FAA] =	sst s4  }
0xd: {  	[smem:$0x3FAB] =	sst s5  }
0xe: {  	[smem:$0x3FAC] =	sst s6  }
0xf: {  	[smem:$0x3FAD] =	sst s7  }
0x10: {  	[smem:$0x3FAE] =	sst s8  }
0x11: {  	[smem:$0x3FAF] =	sst s9;
	s0 =	simm.s32 @!p0 $0x0  }
0x12: {  	s1 =	sld [smem:$0x3F95];
	s0 =	simm.s32 @p0 $0x1  }
0x13: {  	[smem:$0x3FB0] =	sst s0;
	s0 =	simm.s32 @!p1 $0x0  }
0x14: {  	s2 =	sld [smem:$0x3F94];
	s0 =	simm.s32 @p1 $0x1  }
0x15: {  	[smem:$0x3FB1] =	sst s0;
	s0 =	simm.s32 @!p2 $0x0  }
0x16: {  	s3 =	sld [smem:$0x3FDB];
	s0 =	simm.s32 @p2 $0x1  }
0x17: {  	s4 =	simm.s32 $0x1BF5;
	[smem:$0x3FB3] =	sst s0  }
0x18: {  	s0 =	sld [smem:$0x3F96];
	_ =	swait.ge [sflag:s4], $0x0  }
0x19: {  	s7 =	sld [smem:$0x3F97]  }
0x1a: {  	s8 =	sadd.s32 $0xFFFFE003, lr  }
0x1b: {  	s9 =	sadd.s32 $0xFFFFFEF7, lr;
	s5 =	simm.s32 $0xFFFFFFFF;
	p2 =	slt.u32 s8, $0xFFFFF086  }
0x1c: {  	p1 =	slt.u32 s9, $0xF7A;
	s5 =	simm.s32 @!p2 $0x0  }
0x1d: {  	s5 =	simm.s32 @p1 $0x1;
	p0 =	seq.s32 s7, s2  }
0x1e: {  	s7 =	smul.u32 @!p0 $0xF7A, s2;
	p2 =	seq.s32 @!p0 s5, $0x0  }
0x1f: {  	s9 =	smul.u32 $0xF7A, s1;
	s8 =	simm.s32 @!p0 $0x1BF5;
	p2 =	por !p2, p0  }
0x20: {  	[sflag:s8] =	ssyncset.s32 @!p0 $0xFFFFF086;
	s6 =	sadd.s32 @!p0 s3, s7;
	s7 =	simm.s32 @!p0 $0x108  }
0x21: {  	s3 =	sadd.s32 s3, s9;
	s6 =	sadd.s32 @!p0 $0x88, s6;
	s7 =	simm.s32 @p2 $0x1082  }
0x22: {  	[simem:s7], [sflag:s8] =	dma.local @!p0 [hbm:s6], $0xF7A  }
0x23: {  	s9 =	sor.u32 $0xD0000000, s2;
	s6 =	simm.s32 $0x108;
	_ =	swait.ge @!p0 [sflag:s8], $0x0  }
0x24: {  	s3 =	sadd.s32 $0x88, s3;
	s6 =	simm.s32 @!p1 $0x1082;
	[sflag:s4] =	ssyncset.s32 $0xFFFFF086  }
0x25: {  	[simem:s6], [sflag:s4] =	dma.local [hbm:s3], $0xF7A  }
0x26: {  	[smem:$0x3F97] =	sst s1;
	(tag) =	ssettag s2;
	_ =	strace s9  }
0x27: {  	s1 =	sld [smem:$0x3FA7]  }
0x28: {  	s2 =	sld [smem:$0x3FA8]  }
0x29: {  	s4 =	sld [smem:$0x3FAA]  }
0x2a: {  	p0 =	seq.s32 s5, $0x0;
	s5 =	sld [smem:$0x3FAB]  }
0x2b: {  	s6 =	sld [smem:$0x3FAC]  }
0x2c: {  	s7 =	sld [smem:$0x3FAD]  }
0x2d: {  	s3 =	simm.s32 $0x108;
	s8 =	sld [smem:$0x3FAE]  }
0x2e: {  	s3 =	simm.s32 @!p0 $0x1082;
	s9 =	sld [smem:$0x3FAF]  }
0x2f: {  	lr =	sadd.s32 s0, s3;
	s0 =	sld [smem:$0x3FA6]  }
0x30: {  	s3 =	sld [smem:$0x3FA9]  }
0x31: {  	[smem:$0x3FB2] =	sst s10  }
0x32: {  	s10 =	sld [smem:$0x3FB0];
	_ =	sdelay $0x3  }
0x33: {  	p0 =	seq.s32 s10, $0x1;
	s10 =	sld [smem:$0x3FB2];
	_ =	sdelay $0x3  }
0x34: {  	[smem:$0x3FB2] =	sst s10  }
0x35: {  	s10 =	sld [smem:$0x3FB1];
	_ =	sdelay $0x3  }
0x36: {  	p1 =	seq.s32 s10, $0x1;
	s10 =	sld [smem:$0x3FB2];
	_ =	sdelay $0x3  }
0x37: {  	[smem:$0x3FB2] =	sst s10  }
0x38: {  	s10 =	sld [smem:$0x3FB3]  }
0x39: {  	_ = 	snop;
	(pc) =	sbr.ind lr, $3  }
0x3a: {  	_ = 	snop  }
0x3b: {  	_ = 	snop  }
0x3c: {  	p2 =	seq.s32 s10, $0x1;
	s10 =	sld [smem:$0x3FB2]  }
0x3d: {  	_ =	shalt  }
0x3e: {  	_ =	shalt  }
0x3f: {  	_ =	shalt  }
0x40: {  	_ =	shalt  }
0x41: {  	_ =	shalt  }
0x42: {  	_ =	shalt  }
0x43: {  	_ =	shalt  }
0x44: {  	_ =	shalt  }
0x45: {  	_ =	shalt  }
0x46: {  	_ =	shalt  }
0x47: {  	_ =	shalt  }
0x48: {  	_ =	shalt  }
0x49: {  	_ =	shalt  }
0x4a: {  	_ =	shalt  }
0x4b: {  	_ =	shalt  }
0x4c: {  	_ =	shalt  }
0x4d: {  	_ =	shalt  }
0x4e: {  	_ =	shalt  }
0x4f: {  	_ =	shalt  }
0x50: {  	_ =	shalt  }
0x51: {  	_ =	shalt  }
0x52: {  	_ =	shalt  }
0x53: {  	_ =	shalt  }
0x54: {  	_ =	shalt  }
0x55: {  	_ =	shalt  }
0x56: {  	_ =	shalt  }
0x57: {  	_ =	shalt  }
0x58: {  	_ =	shalt  }
0x59: {  	_ =	shalt  }
0x5a: {  	_ =	shalt  }
0x5b: {  	_ =	shalt  }
0x5c: {  	_ =	shalt  }
0x5d: {  	_ =	shalt  }
0x5e: {  	_ =	shalt  }
0x5f: {  	_ =	shalt  }
0x60: {  	_ =	shalt  }
0x61: {  	_ =	shalt  }
0x62: {  	_ =	shalt  }
0x63: {  	_ =	shalt  }
0x64: {  	_ =	shalt  }
0x65: {  	_ =	shalt  }
0x66: {  	_ =	shalt  }
0x67: {  	_ =	shalt  }
0x68: {  	_ =	shalt  }
0x69: {  	_ =	shalt  }
0x6a: {  	_ =	shalt  }
0x6b: {  	_ =	shalt  }
0x6c: {  	_ =	shalt  }
0x6d: {  	_ =	shalt  }
0x6e: {  	_ =	shalt  }
0x6f: {  	_ =	shalt  }
0x70: {  	_ =	shalt  }
0x71: {  	_ =	shalt  }
0x72: {  	_ =	shalt  }
0x73: {  	_ =	shalt  }
0x74: {  	_ =	shalt  }
0x75: {  	_ =	shalt  }
0x76: {  	_ =	shalt  }
0x77: {  	_ =	shalt  }
0x78: {  	_ =	shalt  }
0x79: {  	_ =	shalt  }
0x7a: {  	_ =	shalt  }
0x7b: {  	_ =	shalt  }
0x7c: {  	_ =	shalt  }
0x7d: {  	_ =	shalt  }
0x7e: {  	_ =	shalt  }
0x7f: {  	_ =	shalt  }
0x80: {  	_ =	shalt  }
0x81: {  	_ =	shalt  }
0x82: {  	_ =	shalt  }
0x83: {  	_ =	shalt  }
0x84: {  	_ =	shalt  }
0x85: {  	_ =	shalt  }
0x86: {  	_ =	shalt  }
0x87: {  	_ =	shalt  }
.Lfunc_end0:
.L_simem_size_0:
called_computation_lowered:
.L_overlay_start_0:
0x88: {  	s2 =	sld [smem:$0x3FD9]  }
0x89: {  	s3 =	sld [smem:$0x3FFE];
	_ =	sdelay $0x1  }
0x8a: {  	s1 =	srdreg.scid  }
0x8b: {  	s0 =	sand.u32 $0x1, s1  }
0x8c: {  	s16 =	sshll.u32 s0, $0xA;
	s2 =	sadd.s32 s3, s2  }
0x8d: {  	s2 =	sadd.s32 s2, s16  }
0x8e: {  	[smem:$0x3FBE] =	sst s2  }
0x8f: {  	_ = 	snop  }
0x90: {  	(tm) =	ssettm $0x1  }
0x91: {  	s17 =	sld [smem:$0x3FFB];
	_ =	sdelay $0x3  }
0x92: {  	_ =	strace s17  }
0x93: {  	s2 =	sld [smem:$0x3FFC];
	_ =	sdelay $0x3  }
0x94: {  	_ =	strace s2  }
0x95: {  	s2 =	sld [smem:$0x3FFD];
	_ =	sdelay $0x3  }
0x96: {  	_ =	strace s2  }
0x97: {  	_ =	strace $0x8FFFFFFF  }
0x98: {  	s18 =	sld [smem:$0x3FDB];
	_ =	sdelay $0x1  }
0x99: {  	s19 =	simm.s32 $_scs_section_size  }
0x9a: {  	s4 =	simm.s32 $_size__tile_overlayer_lowered;
	s5 =	simm.s32 $_tile_overlayer_lowered  }
0x9b: {  	s22 =	simm.s32 $0x1BFF;
	s21 =	sshll.u32 s5, $0x1;
	s2 =	sadd.s32 s19, s18  }
0x9c: {  	s6 =	simm.s32 $0x0;
	s20 =	sshll.u32 s4, $0x1;
	s4 =	sadd.s32 s21, s2  }
0x9d: {  	[timem:s6], [sflag:s22] =	dma.local [hbm:s4], s20  }
0x9e: {  	_ =	swait.ge [sflag:s22], s20  }
0x9f: {  	s3 =	ssub.s32 $0x0, s20;
	[sflag:s22] =	ssyncset.done $0x0  }
0xa0: {  	[sflag:s22] =	ssyncadd.s32 s3;
	_ =	sdelay $0x1  }
0xa1: {  	s23 =	simm.s32 $0x1B8B  }
0xa2: {  	_ =	swait.ge [sflag:s23], $0x1  }
0xa3: {  	[sflag:s23] =	ssyncset.done $0x0  }
0xa4: {  	s25 =	simm.s32 $0x1B8E;
	s24 =	sld [smem:$0x3FFE];
	[sflag:s23] =	ssyncadd.s32 $0xFFFFFFFF  }
0xa5: {  	s26 =	simm.s32 $execute0_lowered;
	[smem:$0x3FD2] =	sst s25  }
0xa6: {  	s4 =	sshll.u32 s26, $0x1;
	_ =	strace $0x80000046;
	[dreg:$0x1] =	wrdreg $0xFFFFFFFF  }
0xa7: {  	s28 =	simm.s32 $_size_execute0_lowered;
	s2 =	sadd.s32 s2, s4;
	[dreg:$0x0] =	wrdreg $0x0  }
0xa8: {  	s4 =	sshll.u32 s28, $0x1;
	[dreg:$0x2] =	wrdreg s2  }
0xa9: {  	[dreg:$0x3] =	wrdreg s4  }
0xaa: {  	[dreg:$0x4] =	wrdreg $0xC0  }
0xab: {  	_ =	task [dreg:s6], $0x5FFFF  }
0xac: {  	[dreg:$0x1] =	wrdreg $0xFFFFFFFF  }
0xad: {  	[dreg:$0x0] =	wrdreg $0x60  }
0xae: {  	[dreg:$0x2] =	wrdreg s24  }
0xaf: {  	[dreg:$0x3] =	wrdreg $0x0  }
0xb0: {  	[dreg:$0x4] =	wrdreg $0x9  }
0xb1: {  	_ =	task.clear_ibuf [dreg:s6], $0x5FFFF;
	_ =	strace $0x90000046  }
0xb2: {  	s29 =	simm.s32 $0x9;
	_ =	strace $0x80000048  }
0xb3: {  	_ =	swait.ge [sflag:s29], $0x1  }
0xb4: {  	[sflag:s29] =	ssyncadd.s32 $0xFFFFFFFF  }
0xb5: {  	_ =	strace $0x90000048  }
0xb6: {  	_ =	sfence  }
0xb7: {  	s30 =	sld [smem:$0x0];
	_ =	sdelay $0x2  }
0xb8: {  	s31 =	sshll.u32 s1, $0xD;
	s1 =	sshrl.u32 s1, $0x2  }
0xb9: {  	s3 =	sand.u32 $0x4000, s31;
	s1 =	sadd.s32 s1, s30  }
0xba: {  	s0 =	sor.u32 s3, s0;
	s1 =	sshll.u32 s1, $0x11  }
0xbb: {  	s0 =	sor.u32 s1, s0  }
0xbc: {  	s0 =	sadd.s32 $0x8F2B, s0  }
0xbd: {  	[sflag:s0] =	ssyncadd.remote.s32 $0x1  }
0xbe: {  	_ =	sfence.sel $0xFFFF  }
0xbf: {  	[dreg:$0x0] =	wrdreg $0xFFFFFFFF;
	(pc) =	sbr.abs _section_cstart, $3  }
0xc0: {  	[dreg:$0x1] =	wrdreg $0xFFFFFFFF  }
0xc1: {  	_ =	task.clear_ibuf [dreg:s6], $0x2FFFF;
	_ =	strace $0x9FFFFFFF  }
0xc2: {  	(tm) =	ssettm $0x7FFFFFFF  }
0xc3: {  	_ =	shalt  }
tec
execute0_lowered:
.L_overlay_start_1:
0x0: {  	(tag) =	ssettag $0x1  }
0x1: {  	s1 =	rddreg [dreg:$0x0]  }
0x2: {  	s2 =	rddreg [dreg:$0x1];
	s4 =	simm.s32 $0x0  }
0x3: {  	s0 =	srdreg.scid;
	s18 =	stileid.u32;
	s21 =	simm.s32 $0x13C00  }
0x4: {  	s22 =	simm.s32 $0x13C80;
	s23 =	simm.s32 $0x80;
	s3 =	smul.u32 $0x4F000, s18  }
0x5: {  	s28 =	simm.s32 $0x0;
	[smem:$0x7FF] =	sst s4;
	s11 =	smul.u32 $0x13C00, s18  }
0x6: {  	s0 =	sand.u32 $0x1, s0;
	s5 =	sadd.s32 $0xB000, s1;
	s18 =	smul.u32 $0x2C00, s18  }
0x7: {  	s6 =	sadd.s32 $0x16000, s1;
	s13 =	sadd.s32 $0x3D800, s1;
	s16 =	smul.u32 $0x13C000, s0  }
0x8: {  	_ =	strace $0x80000047;
	s7 =	ssub.s32 $0x2, s0;
	s0 =	smul.u32 $0x2C000, s0  }
0x9: {  	s8 =	sshrl.u32 s7, $0x1;
	s3 =	sshrl.u32 s3, $0x2;
	s12 =	sadd.s32 $0x4000, s11  }
0xa: {  	s24 =	sadd.s32 $0x8000, s11;
	s15 =	sadd.s32 $0xC000, s11;
	s17 =	sadd.s32 $0x10000, s11  }
0xb: {  	s14 =	ssub.s32 s7, s8;
	s7 =	sadd.s32 s3, s2;
	s8 =	sadd.s32 s12, s2  }
0xc: {  	s9 =	sadd.s32 s24, s2;
	s10 =	sadd.s32 s15, s2;
	s19 =	sadd.s32 s11, s16  }
0xd: {  	s12 =	sadd.s32 s16, s12;
	s11 =	sadd.s32 s17, s2;
	s29 =	sadd.s32 s16, s24  }
0xe: {  	s30 =	sadd.s32 s16, s15;
	s31 =	sadd.s32 s16, s17;
	s24 =	simm.s32 $0x13D00  }
0xf: {  	s19 =	sshrl.u32 s19, $0x3;
	s20 =	sshrl.u32 s12, $0x3;
	s12 =	sadd.s32 s18, s0  }
0x10: {  	s0 =	sshrl.u32 s29, $0x3;
	s3 =	sshrl.u32 s30, $0x3;
	s17 =	sshrl.u32 s31, $0x3  }
0x11: {  	s18 =	smax.u32 s14, $0x1;
	s25 =	sadd.s32 s13, s19;
	s26 =	sadd.s32 s13, s20  }
0x12: {  	v2 =	vlaneseq.u32;
	s15 =	sadd.s32 s13, s0;
	s16 =	sadd.s32 s13, s3;
	s17 =	sadd.s32 s13, s17  }
0x13: {  	v0 =	vimm.f32 $0.0e+00;
	v1 =	vor.u32 $0x8, v2;
	v2 =	vshrl.u32 v2, $0x3;
	s19 =	simm.s32 $0x1BD00;
	s20 =	simm.s32 $0x1;
	[dreg:$0x3] =	wrdreg s25  }
0x14: {  	v3 =	vor.u32 $0x2, v2;
	v4 =	vor.u32 $0x4, v2;
	v5 =	vor.u32 $0x6, v2;
	[dreg:$0x4] =	wrdreg s26;
	s25 =	simm.s32 $0x17D00;
	s26 =	simm.s32 $0x0  }
.LBB2_1:
0x15: {  	s0 =	simm.s32 $0x0;
	s3 =	simm.s32 $0x200  }
.LBB2_2:
0x16: {  	p0 =	sne.s32 s3, $0xFE00;
	[tilespmem:s0+$0x1BD70] =	vst v0  }
0x17: {  	[tilespmem:s0+$0x1BD00] =	vst v0  }
0x18: {  	[tilespmem:s0+$0x1BD10] =	vst v0  }
.Ltmp0:
0x19: {  	[tilespmem:s0+$0x1BD20] =	vst v0;
	(pc) =	sbr.rel @p0 .LBB2_2-.Ltmp0, $4  }
0x1a: {  	[tilespmem:s0+$0x1BD30] =	vst v0  }
0x1b: {  	[tilespmem:s0+$0x1BD40] =	vst v0  }
0x1c: {  	[tilespmem:s0+$0x1BD50] =	vst v0  }
0x1d: {  	[tilespmem:s0+$0x1BD60] =	vst v0;
	s0 =	sshra.s32 s3, $0x2;
	s3 =	sadd.s32 $0x200, s3  }
0x1e: {  	[tilespmem:s0+$0x1BD70] =	vst v0  }
0x1f: {  	[tilespmem:s0+$0x1BD00] =	vst v0  }
0x20: {  	[tilespmem:s0+$0x1BD10] =	vst v0  }
0x21: {  	[tilespmem:s0+$0x1BD20] =	vst v0  }
0x22: {  	[tilespmem:s0+$0x1BD30] =	vst v0  }
0x23: {  	[tilespmem:s0+$0x1BD40] =	vst v0  }
0x24: {  	[tilespmem:s0+$0x1BD50] =	vst v0  }
0x25: {  	[tilespmem:s0+$0x1BD60] =	vst v0  }
0x26: {  	[spmem:s7] =	stream.linear.scatter [tilespmem:s19], [sflag:$0x1], $0x4000, $0x38;
	[tilespmem:$0x1FD00] =	vst v63  }
0x27: {  	_ =	swait.ge [sflag:s20], $0x4000  }
0x28: {  	[sflag:s20] =	ssyncset.done $0x0  }
0x29: {  	[sflag:s20] =	ssyncadd.s32 $0xFFFFC000  }
0x2a: {  	[spmem:s8] =	stream.linear.scatter [tilespmem:s19], [sflag:$0x1], $0x4000, $0x38;
	[tilespmem:$0x1FD00] =	vst v63  }
0x2b: {  	_ =	swait.ge [sflag:s20], $0x4000  }
0x2c: {  	[sflag:s20] =	ssyncset.done $0x0  }
0x2d: {  	[sflag:s20] =	ssyncadd.s32 $0xFFFFC000  }
0x2e: {  	[spmem:s9] =	stream.linear.scatter [tilespmem:s19], [sflag:$0x1], $0x4000, $0x38;
	[tilespmem:$0x1FD00] =	vst v63  }
0x2f: {  	_ =	swait.ge [sflag:s20], $0x4000  }
0x30: {  	[sflag:s20] =	ssyncset.done $0x0  }
0x31: {  	[sflag:s20] =	ssyncadd.s32 $0xFFFFC000  }
0x32: {  	[spmem:s10] =	stream.linear.scatter [tilespmem:s19], [sflag:$0x1], $0x4000, $0x38;
	[tilespmem:$0x1FD00] =	vst v63  }
0x33: {  	_ =	swait.ge [sflag:s20], $0x4000  }
0x34: {  	[sflag:s20] =	ssyncset.done $0x0  }
0x35: {  	[sflag:s20] =	ssyncadd.s32 $0xFFFFC000  }
0x36: {  	[spmem:s11] =	stream.linear.scatter [tilespmem:s19], [sflag:$0x1], $0x3C00, $0x38;
	[tilespmem:$0x1FD00] =	vst v63  }
0x37: {  	_ =	swait.ge [sflag:s20], $0x3C00  }
0x38: {  	[sflag:s20] =	ssyncset.done $0x0  }
0x39: {  	[sflag:s20] =	ssyncadd.s32 $0xFFFFC400  }
0x3a: {  	s29 =	simm.s32 $0x0;
	[bflag:$0x0] =	sbarrier.arrive $0xFFFF  }
.LBB2_4:
0x3b: {  	s0 =	sshll.u32 s29, $0x7  }
0x3c: {  	s3 =	sand.u32 $0x3C00, s0  }
0x3d: {  	s0 =	sand.u32 $0x380, s0;
	s3 =	sadd.s32 s3, s12  }
0x3e: {  	s0 =	sor.u32 s0, s3  }
0x3f: {  	s0 =	sshrl.u32 s0, $0x3  }
0x40: {  	s14 =	sadd.s32 s1, s0  }
0x41: {  	[tilespmem:s21], [sflag:$0x1] =	stream.linear.gather [hbm4b:s14+s28], $0x80, $0x38;
	[tilespmem:$0x1FD00] =	vst v63  }
0x42: {  	_ =	swait.ge [sflag:s20], $0x80  }
0x43: {  	[sflag:s20] =	ssyncset.done $0x0  }
0x44: {  	s0 =	sadd.s32 s5, s0;
	[sflag:s20] =	ssyncadd.s32 $0xFFFFFF80  }
0x45: {  	[tilespmem:s22], [sflag:$0x1] =	stream.linear.gather [hbm4b:s0+s28], $0x80, $0x38;
	[tilespmem:$0x1FD00] =	vst v63  }
0x46: {  	_ =	swait.ge [sflag:s20], $0x80  }
0x47: {  	[sflag:s20] =	ssyncset.done $0x0  }
0x48: {  	[sflag:s20] =	ssyncadd.s32 $0xFFFFFF80  }
0x49: {  	[tilespmem:s24], [sflag:$0x1] =	stream.indirect.gather [hbm4b:s6+s23], $0x80, s21, s23, $0xb8;
	[tilespmem:$0x1FD00] =	vst v63  }
0x4a: {  	_ =	swait.ge [sflag:s20], $0x4000  }
0x4b: {  	[sflag:s20] =	ssyncset.done $0x0  }
0x4c: {  	[sflag:s20] =	ssyncadd.s32 $0xFFFFC000  }
0x4d: {  	[tilespmem:s25], [sflag:$0x1] =	stream.indirect.gather [hbm4b:s6+s23], $0x80, s22, s23, $0xb8;
	[tilespmem:$0x1FD00] =	vst v63  }
0x4e: {  	_ =	swait.ge [sflag:s20], $0x4000  }
0x4f: {  	[sflag:s20] =	ssyncset.done $0x0  }
0x50: {  	s13 =	simm.s32 $0x0;
	[sflag:s20] =	ssyncadd.s32 $0xFFFFC000  }
0x51: {  	v6 =	vld [tilespmem:s13+$0x17D40];
	_ =	sdelay $0x1  }
0x52: {  	v7 =	vld [tilespmem:s13+$0x13D40];
	_ =	sdelay $0x2  }
0x53: {  	v6 =	vperm.xlane v6, v1  }
0x54: {  	s3 =	simm.s32 $0x80  }
0x55: {  	v6 =	vadd.f32 v6, v7;
	v7 =	vld [tilespmem:s3+$0x17D40];
	_ =	sdelay $0x1  }
0x56: {  	v9 =	vld [tilespmem:s3+$0x13D40];
	v8 =	vmul.f32 $2.000000030e-01, v6  }
0x57: {  	v22 =	vld [tilespmem:s13+$0x13D00]  }
0x58: {  	v15 =	vld [tilespmem:s13+$0x13D10];
	v6 =	vmax.f32 v6, v8  }
0x59: {  	s30 =	simm.s32 $0x100;
	v16 =	vld [tilespmem:s13+$0x13D20];
	v6 =	vmul.f32 $1.442695020e+00, v6;
	v7 =	vperm.xlane v7, v1  }
0x5a: {  	v10 =	vld [tilespmem:s30+$0x17D40]  }
0x5b: {  	v14 =	vld [tilespmem:s3+$0x13D00];
	(erf) = vpow2.f32 v6;
	v6 =	vadd.f32 v7, v9  }
0x5c: {  	v11 =	vld [tilespmem:s30+$0x13D40]  }
0x5d: {  	v13 =	vld [tilespmem:s3+$0x13D10];
	v17 =	vmul.f32 $2.000000030e-01, v6  }
0x5e: {  	s31 =	simm.s32 $0x180;
	v12 =	vld [tilespmem:s3+$0x13D20]  }
0x5f: {  	v18 =	vld [tilespmem:s31+$0x17D40];
	v10 =	vperm.xlane v10, v1;
	v6 =	vmax.f32 v6, v17  }
0x60: {  	v23 =	vld [tilespmem:s13+$0x13D30];
	v17 =	vmul.f32 $1.442695020e+00, v6  }
0x61: {  	v20 =	vadd.f32 v10, v11;
	v10 =	vld [tilespmem:s31+$0x13D10]  }
0x62: {  	v11 =	vld [tilespmem:s31+$0x13D20];
	(erf) = vpow2.f32 v17  }
0x63: {  	v21 =	vmul.f32 $2.000000030e-01, v20;
	v7 =	vld [tilespmem:s30+$0x13D10]  }
0x64: {  	v17 =	vld [tilespmem:s31+$0x13D40];
	v25 =	vpop (erf)  }
0x65: {  	v19 =	vperm.xlane v18, v1;
	v18 =	vmax.f32 v20, v21;
	v9 =	vld [tilespmem:s30+$0x13D20];
	v26 =	vperm.xlane v25, v5  }
0x66: {  	v8 =	vld [tilespmem:s30+$0x13D00];
	v21 =	vmul.f32 $1.442695020e+00, v18;
	v24 =	vperm.xlane v25, v2  }
0x67: {  	s0 =	simm.s32 $0x200;
	v6 =	vld [tilespmem:s31+$0x13D00];
	v20 =	vperm.xlane v25, v3;
	[tilespmem:s13+$0x1BD40] =	vst v25;
	v23 =	vmul.f32 v23, v26  }
0x68: {  	s14 =	simm.s32 $0xA00;
	v18 =	vld [tilespmem:s0+$0x17D40];
	v24 =	vmul.f32 v22, v24;
	v22 =	vperm.xlane v25, v4  }
.LBB2_5:
0x69: {  	p0 =	sne.s32 s14, $0xFE00;
	v25 =	vadd.f32 v19, v17;
	(erf) = vpow2.f32 v21;
	v26 =	vld [tilespmem:s3+$0x13D30];
	v19 =	vmul.f32 v15, v20;
	[tilespmem:s13+$0x1BD30] =	vst v23;
	v15 =	vmovc v13  }
0x6a: {  	v13 =	vmovc v7;
	v27 =	vld [tilespmem:s0+$0x13D00];
	[tilespmem:s13+$0x1BD00] =	vst v24;
	v20 =	vmul.f32 v16, v22;
	v7 =	vmovc v10;
	v16 =	vmov v12;
	v12 =	vmov v9  }
.Ltmp1:
0x6b: {  	v17 =	vld [tilespmem:s0+$0x13D40];
	v21 =	vmul.f32 $2.000000030e-01, v25;
	v22 =	vpop (erf);
	[tilespmem:s13+$0x1BD10] =	vst v19;
	v9 =	vmov v11;
	(pc) =	sbr.rel @p0 .LBB2_5-.Ltmp1, $4  }
0x6c: {  	v10 =	vld [tilespmem:s0+$0x13D10];
	v24 =	vperm.xlane v22, v2;
	v23 =	vperm.xlane v22, v5;
	[tilespmem:s13+$0x1BD20] =	vst v20;
	s13 =	smov.u32 s3;
	s3 =	smov.u32 s30;
	s30 =	smov.u32 s31  }
0x6d: {  	v20 =	vperm.xlane v22, v3;
	s31 =	smov.u32 s0;
	v19 =	vperm.xlane v18, v1;
	v11 =	vld [tilespmem:s0+$0x13D20];
	v18 =	vmax.f32 v25, v21;
	[tilespmem:s13+$0x1BD40] =	vst v22  }
0x6e: {  	s0 =	sshra.s32 s14, $0x2;
	v21 =	vmul.f32 $1.442695020e+00, v18;
	v23 =	vmul.f32 v26, v23  }
0x6f: {  	s14 =	sadd.s32 $0x200, s14;
	v22 =	vperm.xlane v22, v4;
	v24 =	vmul.f32 v14, v24;
	v14 =	vmovc v8;
	v8 =	vmovc v6;
	v18 =	vld [tilespmem:s0+$0x17D40];
	v6 =	vmov v27  }
0x70: {  	v25 =	vld [tilespmem:s3+$0x13D30];
	[tilespmem:s13+$0x1BD30] =	vst v23;
	v17 =	vadd.f32 v19, v17  }
0x71: {  	(erf) = vpow2.f32 v21;
	v23 =	vld [tilespmem:s0+$0x13D00];
	[tilespmem:s13+$0x1BD00] =	vst v24  }
0x72: {  	v15 =	vmul.f32 v15, v20;
	v39 =	vld [tilespmem:s0+$0x13D40];
	v40 =	vmul.f32 $2.000000030e-01, v17  }
0x73: {  	v16 =	vmul.f32 v16, v22;
	v41 =	vpop (erf)  }
0x74: {  	[tilespmem:s13+$0x1BD10] =	vst v15;
	v42 =	vperm.xlane v41, v5;
	v44 =	vmax.f32 v17, v40  }
0x75: {  	v15 =	vld [tilespmem:s0+$0x13D10];
	[tilespmem:s13+$0x1BD20] =	vst v16;
	v18 =	vperm.xlane v18, v1;
	v16 =	vmul.f32 $1.442695020e+00, v44  }
0x76: {  	v43 =	vperm.xlane v41, v2;
	v45 =	vperm.xlane v41, v3  }
0x77: {  	v22 =	vmul.f32 v25, v42;
	v18 =	vadd.f32 v18, v39;
	(erf) = vpow2.f32 v16  }
0x78: {  	v47 =	vperm.xlane v41, v4;
	v46 =	vld [tilespmem:s0+$0x13D20];
	[tilespmem:s3+$0x1BD40] =	vst v41;
	v14 =	vmul.f32 v14, v43  }
0x79: {  	v48 =	vld [tilespmem:s30+$0x13D30];
	v13 =	vmul.f32 v13, v45;
	[tilespmem:s3+$0x1BD30] =	vst v22;
	v49 =	vmul.f32 $2.000000030e-01, v18  }
0x7a: {  	v12 =	vmul.f32 v12, v47;
	[tilespmem:s3+$0x1BD00] =	vst v14  }
0x7b: {  	[tilespmem:s3+$0x1BD10] =	vst v13;
	v50 =	vpop (erf);
	v51 =	vmax.f32 v18, v49  }
0x7c: {  	[tilespmem:s3+$0x1BD20] =	vst v12;
	v52 =	vperm.xlane v50, v5;
	v17 =	vmul.f32 $1.442695020e+00, v51  }
0x7d: {  	v53 =	vperm.xlane v50, v2;
	v54 =	vperm.xlane v50, v3;
	[tilespmem:s30+$0x1BD40] =	vst v50  }
0x7e: {  	v55 =	vld [tilespmem:s31+$0x13D30];
	v13 =	vmul.f32 v48, v52;
	(erf) = vpow2.f32 v17  }
0x7f: {  	v14 =	vperm.xlane v50, v4;
	v7 =	vmul.f32 v7, v54  }
0x80: {  	v8 =	vmul.f32 v8, v53;
	[tilespmem:s30+$0x1BD30] =	vst v13;
	v57 =	vpop (erf)  }
0x81: {  	v56 =	vmul.f32 v9, v14;
	[tilespmem:s30+$0x1BD10] =	vst v7;
	v7 =	vperm.xlane v57, v5  }
0x82: {  	[tilespmem:s30+$0x1BD00] =	vst v8  }
0x83: {  	[tilespmem:s30+$0x1BD20] =	vst v56;
	v7 =	vmul.f32 v55, v7  }
0x84: {  	v58 =	vperm.xlane v57, v2;
	[tilespmem:s31+$0x1BD40] =	vst v57  }
0x85: {  	v59 =	vperm.xlane v57, v3;
	v13 =	vld [tilespmem:s0+$0x13D30]  }
0x86: {  	v60 =	vperm.xlane v57, v4;
	v6 =	vmul.f32 v6, v58  }
0x87: {  	v61 =	vmul.f32 v10, v59;
	[tilespmem:s31+$0x1BD30] =	vst v7;
	v7 =	vpop (erf)  }
0x88: {  	[tilespmem:s31+$0x1BD00] =	vst v6;
	v6 =	vmul.f32 v11, v60;
	v62 =	vperm.xlane v7, v5  }
0x89: {  	[tilespmem:s31+$0x1BD10] =	vst v61;
	v63 =	vperm.xlane v7, v2  }
0x8a: {  	[tilespmem:s31+$0x1BD20] =	vst v6;
	v6 =	vperm.xlane v7, v3;
	v8 =	vmul.f32 v13, v62  }
0x8b: {  	[tilespmem:s0+$0x1BD40] =	vst v7;
	v7 =	vperm.xlane v7, v4;
	v9 =	vmul.f32 v23, v63  }
0x8c: {  	v6 =	vmul.f32 v15, v6;
	[tilespmem:s0+$0x1BD30] =	vst v8  }
0x8d: {  	s29 =	sadd.s32 $0x1, s29;
	v7 =	vmul.f32 v46, v7;
	[tilespmem:s0+$0x1BD00] =	vst v9  }
0x8e: {  	p0 =	sne.s32 s29, $0x51;
	[tilespmem:s0+$0x1BD10] =	vst v6  }
.Ltmp2:
0x8f: {  	[tilespmem:s0+$0x1BD20] =	vst v7;
	(pc) =	sbr.rel @p0 .LBB2_4-.Ltmp2, $4  }
0x90: {  	[spmem:s2] =	stream.indirect.scatter.add.f32 [tilespmem:s19], [sflag:$0x1], $0x80, s22, s23, $0xb8;
	[tilespmem:$0x1FD00] =	vst v63  }
0x91: {  	_ =	swait.ge [sflag:s20], $0x4000  }
0x92: {  	[sflag:s20] =	ssyncset.done $0x0  }
0x93: {  	[sflag:s20] =	ssyncadd.s32 $0xFFFFC000  }
0x94: {  	[bflag:$0x0] =	sbarrier.arrive $0xFFFF  }
0x95: {  	[tilespmem:s19], [sflag:$0x1] =	stream.linear.gather [spmem:s7], $0x4000, $0x38;
	[tilespmem:$0x1FD00] =	vst v63  }
0x96: {  	_ =	swait.ge [sflag:s20], $0x4000  }
0x97: {  	[sflag:s20] =	ssyncset.done $0x0  }
0x98: {  	s0 =	rddreg [dreg:$0x3];
	[sflag:s20] =	ssyncadd.s32 $0xFFFFC000  }
0x99: {  	[hbm4b:s0+s4] =	stream.linear.scatter [tilespmem:s19], [sflag:$0x1], $0x4000, $0x38;
	[tilespmem:$0x1FD00] =	vst v63  }
0x9a: {  	_ =	swait.ge [sflag:s20], $0x4000  }
0x9b: {  	[sflag:s20] =	ssyncset.done $0x0  }
0x9c: {  	[sflag:s20] =	ssyncadd.s32 $0xFFFFC000  }
0x9d: {  	[tilespmem:s19], [sflag:$0x1] =	stream.linear.gather [spmem:s8], $0x4000, $0x38;
	[tilespmem:$0x1FD00] =	vst v63  }
0x9e: {  	_ =	swait.ge [sflag:s20], $0x4000  }
0x9f: {  	[sflag:s20] =	ssyncset.done $0x0  }
0xa0: {  	s31 =	rddreg [dreg:$0x4];
	[sflag:s20] =	ssyncadd.s32 $0xFFFFC000  }
0xa1: {  	[hbm4b:s31+s4] =	stream.linear.scatter [tilespmem:s19], [sflag:$0x1], $0x4000, $0x38;
	[tilespmem:$0x1FD00] =	vst v63  }
0xa2: {  	_ =	swait.ge [sflag:s20], $0x4000  }
0xa3: {  	[sflag:s20] =	ssyncset.done $0x0  }
0xa4: {  	[sflag:s20] =	ssyncadd.s32 $0xFFFFC000  }
0xa5: {  	[tilespmem:s19], [sflag:$0x1] =	stream.linear.gather [spmem:s9], $0x4000, $0x38;
	[tilespmem:$0x1FD00] =	vst v63  }
0xa6: {  	_ =	swait.ge [sflag:s20], $0x4000  }
0xa7: {  	[sflag:s20] =	ssyncset.done $0x0  }
0xa8: {  	[sflag:s20] =	ssyncadd.s32 $0xFFFFC000  }
0xa9: {  	[hbm4b:s15+s4] =	stream.linear.scatter [tilespmem:s19], [sflag:$0x1], $0x4000, $0x38;
	[tilespmem:$0x1FD00] =	vst v63  }
0xaa: {  	_ =	swait.ge [sflag:s20], $0x4000  }
0xab: {  	[sflag:s20] =	ssyncset.done $0x0  }
0xac: {  	[sflag:s20] =	ssyncadd.s32 $0xFFFFC000  }
0xad: {  	[tilespmem:s19], [sflag:$0x1] =	stream.linear.gather [spmem:s10], $0x4000, $0x38;
	[tilespmem:$0x1FD00] =	vst v63  }
0xae: {  	_ =	swait.ge [sflag:s20], $0x4000  }
0xaf: {  	[sflag:s20] =	ssyncset.done $0x0  }
0xb0: {  	[sflag:s20] =	ssyncadd.s32 $0xFFFFC000  }
0xb1: {  	[hbm4b:s16+s4] =	stream.linear.scatter [tilespmem:s19], [sflag:$0x1], $0x4000, $0x38;
	[tilespmem:$0x1FD00] =	vst v63  }
0xb2: {  	_ =	swait.ge [sflag:s20], $0x4000  }
0xb3: {  	[sflag:s20] =	ssyncset.done $0x0  }
0xb4: {  	[sflag:s20] =	ssyncadd.s32 $0xFFFFC000  }
0xb5: {  	[tilespmem:s19], [sflag:$0x1] =	stream.linear.gather [spmem:s11], $0x3C00, $0x38;
	[tilespmem:$0x1FD00] =	vst v63  }
0xb6: {  	s26 =	sadd.s32 $0x1, s26;
	_ =	swait.ge [sflag:s20], $0x3C00  }
0xb7: {  	p0 =	sne.s32 s26, s18;
	[sflag:s20] =	ssyncset.done $0x0  }
.Ltmp3:
0xb8: {  	[sflag:s20] =	ssyncadd.s32 $0xFFFFC400;
	(pc) =	sbr.rel @p0 .LBB2_1-.Ltmp3, $4  }
0xb9: {  	[hbm4b:s17+s4] =	stream.linear.scatter [tilespmem:s19], [sflag:$0x1], $0x3C00, $0x38;
	[tilespmem:$0x1FD00] =	vst v63  }
0xba: {  	_ =	swait.ge [sflag:s20], $0x3C00  }
0xbb: {  	[sflag:s20] =	ssyncset.done $0x0  }
0xbc: {  	[sflag:s20] =	ssyncadd.s32 $0xFFFFC400  }
0xbd: {  	_ =	sfence.sel $0x180000  }
0xbe: {  	[bflag:$0x0] =	sbarrier.arrive $0xFFFF  }
0xbf: {  	_ =	strace $0x90000047  }
0xc0: {  	s0 =	stileid.u32;
	[bflag:$0x2] =	sbarrier.arrive $0xFFFF  }
0xc1: {  	p0 =	sne.s32 s0, $0x0;
	s0 =	rddreg [dreg:$0x2]  }
0xc2: {  	s0 =	sadd.s32 @!p0 $0x100000, s0  }
0xc3: {  	[sflag:s0] =	ssyncadd.tile.s32 @!p0 $0x1;
	_ =	shalt  }
.Lfunc_end2:
_tile_overlayer_lowered:
.L_overlay_start_2:
0xc4: {  	(tag) =	ssettag $0x2  }
0xc5: {  	s0 =	rddreg [dreg:$0x0];
	s2 =	stileid.u32  }
0xc6: {  	s1 =	rddreg [dreg:$0x1];
	p0 =	sne.s32 s2, $0x0  }
0xc7: {  	s3 =	rddreg [dreg:$0x2];
	[bflag:$0x3] =	sbarrier.arrive $0xFFFF;
	s2 =	simm.s32 @!p0 $0x1C01  }
0xc8: {  	[timem:s3], [sflag:s2] =	dma.local @!p0 [hbm:s0], s1  }
0xc9: {  	s0 =	simm.s32 @!p0 $0x1  }
0xca: {  	_ =	swait.ge @!p0 [sflag:s0], s1  }
0xcb: {  	s1 =	ssub.s32 @!p0 $0x0, s1;
	[sflag:s0] =	ssyncset.done @!p0 $0x0  }
0xcc: {  	[sflag:s0] =	ssyncadd.s32 @!p0 s1  }
0xcd: {  	[bflag:$0x3] =	sbarrier.arrive $0xFFFF  }
0xce: {  	_ =	shalt  }

</sc_bundles>
